<compile_context>
chip_gen: v7x
topology: tpu7x:2x2x1
jax: 0.10.2.dev20260603
libtpu: 0.0.44.dev20260713+nightly
codegen_flags: <defaults>
</compile_context>

<pallas_src>
import jax
import jax.numpy as jnp
from jax import lax
from jax.experimental import pallas as pl
from jax.experimental.pallas import tpu as pltpu
from jax.experimental.pallas import tpu_sc as plsc


LAT = 64
PK = 2
LATP = LAT * PK
NC = 2
NS = 16
NW = NC * NS


def _leaky(x):
    return jnp.where(x > 0, x, 0.01 * x)


def _blk(W):
    return jnp.kron(jnp.eye(PK, dtype=W.dtype), W)


def _tile(b):
    return jnp.tile(b, PK).reshape(1, b.shape[0] * PK)


def _bgrp():
    return jnp.kron(jnp.eye(PK, dtype=jnp.float32),
                    jnp.full((LAT, LAT), 1.0 / LAT, jnp.float32))


def _ln_packed(h, bgrp, g, beta):
    mu = jnp.dot(h, bgrp, preferred_element_type=jnp.float32)
    d = h - mu
    v = jnp.dot(d * d, bgrp, preferred_element_type=jnp.float32)
    return d * jax.lax.rsqrt(v + 1e-5) * g + beta



_CHUNK = 128
_GSUB = 4
_GRP = _CHUNK * _GSUB


def _sc_gather_body(tabA, tabB, senders, receivers, ga, gb,
                    sidx, ridx, bufA, bufB, tAs, semA, semB, semi):
    c = lax.axis_index("c")
    s = lax.axis_index("s")
    wid = c * NS + s
    E = senders.shape[0]
    N = tabA.shape[0]
    trows = N // NS
    ngrp = E // _GRP
    niter = (ngrp + NW - 1) // NW

    pltpu.async_copy(tabA.at[pl.ds(s * trows, trows)],
                     tAs.at[pl.ds(s * trows, trows)], semA).wait()
    plsc.subcore_barrier()

    def group(j, _):
        g = wid + j * NW

        @pl.when(g < ngrp)
        def _():
            base = g * _GRP
            cpi1 = pltpu.async_copy(senders.at[pl.ds(base, _GRP)], sidx, semi)
            cpi2 = pltpu.async_copy(receivers.at[pl.ds(base, _GRP)], ridx, semi)
            cpi1.wait()
            cpi2.wait()
            cps = []
            for k in range(_GSUB):
                cps.append(pltpu.async_copy(
                    tAs.at[sidx.at[pl.ds(k * _CHUNK, _CHUNK)]],
                    bufA.at[k], semA))
                cps.append(pltpu.async_copy(
                    tabB.at[ridx.at[pl.ds(k * _CHUNK, _CHUNK)]],
                    bufB.at[k], semB))
            for cp in cps:
                cp.wait()
            cpo1 = pltpu.async_copy(bufA, ga.at[pl.ds(g * _GSUB, _GSUB)], semA)
            cpo2 = pltpu.async_copy(bufB, gb.at[pl.ds(g * _GSUB, _GSUB)], semB)
            cpo1.wait()
            cpo2.wait()
        return 0

    lax.fori_loop(0, niter, group, 0)


def _sc_gather(tabA, tabB, senders, receivers):
    E = senders.shape[0]
    N = tabA.shape[0]
    mesh = plsc.VectorSubcoreMesh(core_axis_name="c", subcore_axis_name="s")
    out = jax.ShapeDtypeStruct((E // _CHUNK, _CHUNK, LAT), jnp.float32)
    return pl.kernel(
        _sc_gather_body,
        out_type=(out, out),
        mesh=mesh,
        scratch_types=[
            pltpu.VMEM((_GRP,), jnp.int32),
            pltpu.VMEM((_GRP,), jnp.int32),
            pltpu.VMEM((_GSUB, _CHUNK, LAT), jnp.float32),
            pltpu.VMEM((_GSUB, _CHUNK, LAT), jnp.float32),
            pltpu.VMEM_SHARED((N, LAT), jnp.float32),
            pltpu.SemaphoreType.DMA,
            pltpu.SemaphoreType.DMA,
            pltpu.SemaphoreType.DMA,
        ],
        compiler_params=pltpu.CompilerParams(use_tc_tiling_on_sc=False),
    )(tabA, tabB, senders, receivers)



def _sc_scatter_body(vals, receivers, zeros, out, ridx, vbuf, acc, sem):
    c = lax.axis_index("c")
    s = lax.axis_index("s")
    wid = c * NS + s
    nchunk = vals.shape[0]
    E = nchunk * _CHUNK
    N = zeros.shape[0]
    rows = N // NS
    niter = (nchunk + NW - 1) // NW

    pltpu.sync_copy(zeros.at[pl.ds(s * rows, rows)],
                    acc.at[pl.ds(s * rows, rows)])
    plsc.subcore_barrier()

    def chunk(j, _):
        ch = wid + j * NW

        @pl.when(ch < nchunk)
        def _():
            base = ch * _CHUNK
            cpi = pltpu.async_copy(receivers.at[pl.ds(base, _CHUNK)], ridx, sem)
            cpv = pltpu.async_copy(vals.at[ch], vbuf, sem)
            cpi.wait()
            cpv.wait()
            pltpu.sync_copy(vbuf, acc.at[ridx], add=True)
        return 0

    lax.fori_loop(0, niter, chunk, 0)
    plsc.subcore_barrier()
    pltpu.sync_copy(acc.at[pl.ds(s * rows, rows)], out.at[c, s])


def _sc_scatter(vals, receivers, zeros):
    N = zeros.shape[0]
    mesh = plsc.VectorSubcoreMesh(core_axis_name="c", subcore_axis_name="s")
    return pl.kernel(
        _sc_scatter_body,
        out_type=jax.ShapeDtypeStruct((NC, NS, N // NS, LAT), jnp.float32),
        mesh=mesh,
        scratch_types=[
            pltpu.VMEM((_CHUNK,), jnp.int32),
            pltpu.VMEM((_CHUNK, LAT), jnp.float32),
            pltpu.VMEM_SHARED((N, LAT), jnp.float32),
            pltpu.SemaphoreType.DMA,
        ],
        compiler_params=pltpu.CompilerParams(use_tc_tiling_on_sc=False),
    )(vals, receivers, zeros)



def _edge_mlp_body(x1_ref, ga_ref, gb_ref, c_ref, m_ref, w1_ref, b1_ref,
                   w2_ref, b2_ref, w3_ref, b3_ref, bgrp_ref, g_ref, beta_ref,
                   o_ref):
    h = jnp.dot(x1_ref[...], m_ref[...], preferred_element_type=jnp.float32)
    h = h + ga_ref[...] + gb_ref[...] + c_ref[...]
    h = _leaky(h)
    h = _leaky(jnp.dot(h, w1_ref[...], preferred_element_type=jnp.float32) + b1_ref[...])
    h = _leaky(jnp.dot(h, w2_ref[...], preferred_element_type=jnp.float32) + b2_ref[...])
    h = jnp.dot(h, w3_ref[...], preferred_element_type=jnp.float32) + b3_ref[...]
    o_ref[...] = _ln_packed(h, bgrp_ref[...], g_ref[...], beta_ref[...])


def _edge_mlp(x1, ga, gb, c, M, tail_params, ln, block_rows=1000):
    EP, KP = x1.shape
    grid = (EP // block_rows,)
    (w1, b1), (w2, b2), (w3, b3) = tail_params
    g, beta = ln
    row_spec = pl.BlockSpec((block_rows, LATP), lambda i: (i, 0))
    x1_spec = pl.BlockSpec((block_rows, KP), lambda i: (i, 0))
    c_spec = (row_spec if c.shape[0] == EP
              else pl.BlockSpec((1, LATP), lambda i: (0, 0)))
    full = lambda a: pl.BlockSpec(a.shape, lambda i: (0,) * a.ndim)
    small = [_blk(M), _blk(w1), _tile(b1), _blk(w2), _tile(b2),
             _blk(w3), _tile(b3), _bgrp(), _tile(g), _tile(beta)]
    return pl.pallas_call(
        _edge_mlp_body,
        grid=grid,
        in_specs=[x1_spec, row_spec, row_spec, c_spec] + [full(a) for a in small],
        out_specs=row_spec,
        out_shape=jax.ShapeDtypeStruct((EP, LATP), jnp.float32),
    )(x1, ga, gb, c, *small)


def _ce_body(ee_ref, g2a_ref, g2b_ref, wee_ref, bp0_ref, o_ref):
    o_ref[...] = (jnp.dot(ee_ref[...], wee_ref[...],
                          preferred_element_type=jnp.float32)
                  + g2a_ref[...] + g2b_ref[...] + bp0_ref[...])


def _ce_pass(ee, g2a, g2b, W_ee, bp0, block_rows=1000):
    EP = ee.shape[0]
    row_spec = pl.BlockSpec((block_rows, LATP), lambda i: (i, 0))
    return pl.pallas_call(
        _ce_body,
        grid=(EP // block_rows,),
        in_specs=[row_spec, row_spec, row_spec,
                  pl.BlockSpec((LATP, LATP), lambda i: (0, 0)),
                  pl.BlockSpec((1, LATP), lambda i: (0, 0))],
        out_specs=row_spec,
        out_shape=jax.ShapeDtypeStruct((EP, LATP), jnp.float32),
    )(ee, g2a, g2b, _blk(W_ee), _tile(bp0))



def _enc_node_body(nodes_ref, p0_ref, p1_ref, vn_ref, va_ref, b0_ref, w1_ref,
                   b1_ref, w2_ref, b2_ref, w3_ref, b3_ref, bgrp_ref, g_ref,
                   beta_ref, wg0s_ref, wg0r_ref, wsn_ref, wrn_ref, uen_ref,
                   uga_ref, bu0_ref,
                   en_ref, a0_ref, b0out_ref, p2_ref, q2_ref, cn_ref):
    dot = lambda a, b: jnp.dot(a, b, preferred_element_type=jnp.float32)
    agg0 = p0_ref[...] + p1_ref[...]
    h = dot(nodes_ref[...], vn_ref[...]) + dot(agg0, va_ref[...]) + b0_ref[...]
    h = _leaky(h)
    h = _leaky(dot(h, w1_ref[...]) + b1_ref[...])
    h = _leaky(dot(h, w2_ref[...]) + b2_ref[...])
    h = dot(h, w3_ref[...]) + b3_ref[...]
    en = _ln_packed(h, bgrp_ref[...], g_ref[...], beta_ref[...])
    en_ref[...] = en
    p2_ref[...] = dot(en, wg0s_ref[...])
    q2_ref[...] = dot(en, wg0r_ref[...])
    a0_ref[...] = dot(en, wsn_ref[...])
    b0out_ref[...] = dot(en, wrn_ref[...])
    cn_ref[...] = dot(en, uen_ref[...]) + dot(agg0, uga_ref[...]) + bu0_ref[...]


def _step_node_body(ln_ref, p0_ref, p1_ref, cn_ref, uln_ref, uagg_ref,
                    w1_ref, b1_ref, w2_ref, b2_ref, w3_ref, b3_ref,
                    bgrp_ref, g_ref, beta_ref, wsn_ref, wrn_ref,
                    lnout_ref, aout_ref, bout_ref):
    dot = lambda a, b: jnp.dot(a, b, preferred_element_type=jnp.float32)
    agg = p0_ref[...] + p1_ref[...]
    h = dot(ln_ref[...], uln_ref[...]) + dot(agg, uagg_ref[...]) + cn_ref[...]
    h = _leaky(h)
    h = _leaky(dot(h, w1_ref[...]) + b1_ref[...])
    h = _leaky(dot(h, w2_ref[...]) + b2_ref[...])
    h = dot(h, w3_ref[...]) + b3_ref[...]
    ln2 = _ln_packed(h, bgrp_ref[...], g_ref[...], beta_ref[...])
    lnout_ref[...] = ln2
    aout_ref[...] = dot(ln2, wsn_ref[...])
    bout_ref[...] = dot(ln2, wrn_ref[...])


def _dec_body(ln_ref, w0_ref, b0_ref, w1_ref, b1_ref, w2_ref, b2_ref,
              w3_ref, b3_ref, o_ref):
    dot = lambda a, b: jnp.dot(a, b, preferred_element_type=jnp.float32)
    h = _leaky(dot(ln_ref[...], w0_ref[...]) + b0_ref[...])
    h = _leaky(dot(h, w1_ref[...]) + b1_ref[...])
    h = _leaky(dot(h, w2_ref[...]) + b2_ref[...])
    o_ref[...] = dot(h, w3_ref[...]) + b3_ref[...]


def _enc_tables_body(nodes_ref, ts_ref, tr_ref, pe_ref, qe_ref):
    dot = lambda a, b: jnp.dot(a, b, preferred_element_type=jnp.float32)
    pe_ref[...] = dot(nodes_ref[...], ts_ref[...])
    qe_ref[...] = dot(nodes_ref[...], tr_ref[...])


def _full_call(body, args, out_shapes):
    full = lambda a: pl.BlockSpec(a.shape, lambda: (0,) * a.ndim)
    return pl.pallas_call(
        body,
        in_specs=[full(a) for a in args],
        out_specs=[pl.BlockSpec(s.shape, lambda: (0,) * len(s.shape)) for s in out_shapes],
        out_shape=out_shapes,
    )(*args)



def kernel(nodes, edges, senders, receivers, num_processing_steps, params):
    N = nodes.shape[0]
    E = senders.shape[0]
    N4 = N // PK
    EP = E // PK
    p = params
    zeros = jnp.zeros((N, LAT), jnp.float32)
    nodes_p = nodes.reshape(N4, nodes.shape[1] * PK)
    edges_p = edges.reshape(EP, edges.shape[1] * PK)
    npack = [jax.ShapeDtypeStruct((N4, LATP), jnp.float32)]
    tab = lambda t: t.reshape(N, LAT)
    epack = lambda g: g.reshape(EP, LATP)
    echunk = lambda x: x.reshape(E // _CHUNK, _CHUNK, LAT)
    ppack = lambda parts: parts.reshape(NC, N4, LATP)

    (We0, be0) = p['edge_enc_mlp'][0]
    T_e, T_s, T_r = We0[:16], We0[16:144], We0[144:272]
    Pe, Qe = _full_call(
        _enc_tables_body, [nodes_p, _blk(T_s), _blk(T_r)], npack * 2)
    ga0, gb0 = _sc_gather(tab(Pe), tab(Qe), senders, receivers)
    ee = _edge_mlp(edges_p, epack(ga0), epack(gb0), _tile(be0), T_e,
                   p['edge_enc_mlp'][1:], p['edge_enc_ln'])
    parts0 = ppack(_sc_scatter(echunk(ee), receivers, zeros))

    (Wn0, bn0) = p['node_enc_mlp'][0]
    (Wp0, bp0) = p['edge_proc_mlp'][0]
    W_sn, W_rn, W_le = Wp0[0:64], Wp0[64:128], Wp0[128:192]
    W_g0s, W_g0r, W_ee = Wp0[192:256], Wp0[256:320], Wp0[320:384]
    (Un0, bu0) = p['node_proc_mlp'][0]
    U_ln, U_agg, U_en, U_ga = Un0[0:64], Un0[64:128], Un0[128:192], Un0[192:256]
    (w1n, b1n), (w2n, b2n), (w3n, b3n) = p['node_enc_mlp'][1:]
    gn, betan = p['node_enc_ln']
    en, a0, b0, P2, Q2, c_n = _full_call(
        _enc_node_body,
        [nodes_p, parts0[0], parts0[1], _blk(Wn0[:128]), _blk(Wn0[128:]),
         _tile(bn0), _blk(w1n), _tile(b1n), _blk(w2n), _tile(b2n), _blk(w3n),
         _tile(b3n), _bgrp(), _tile(gn), _tile(betan),
         _blk(W_g0s), _blk(W_g0r), _blk(W_sn), _blk(W_rn), _blk(U_en),
         _blk(U_ga), _tile(bu0)],
        npack * 6)

    g2a, g2b = _sc_gather(tab(P2), tab(Q2), senders, receivers)
    c_e = _ce_pass(ee, epack(g2a), epack(g2b), W_ee, bp0)

    (w1, b1), (w2, b2), (w3, b3) = p['node_proc_mlp'][1:]
    gp, betap = p['node_proc_ln']
    step_consts = [_blk(U_ln), _blk(U_agg), _blk(w1), _tile(b1), _blk(w2),
                   _tile(b2), _blk(w3), _tile(b3), _bgrp(), _tile(gp),
                   _tile(betap), _blk(W_sn), _blk(W_rn)]

    def step(_, carry):
        ln, le, a, b = carry
        ga, gb = _sc_gather(tab(a), tab(b), senders, receivers)
        le2 = _edge_mlp(le, epack(ga), epack(gb), c_e, W_le,
                        p['edge_proc_mlp'][1:], p['edge_proc_ln'])
        parts = ppack(_sc_scatter(echunk(le2), receivers, zeros))
        ln2, a2, b2_ = _full_call(
            _step_node_body,
            [ln, parts[0], parts[1], c_n] + step_consts,
            npack * 3)
        return (ln2, le2, a2, b2_)

    ln, le, _, _ = lax.fori_loop(0, num_processing_steps, step, (en, ee, a0, b0))

    (Wd0, bd0), (wd1, bd1), (wd2, bd2), (wd3, bd3) = p['dec_mlp']
    D_OUT = wd3.shape[1]
    dec_p = _full_call(
        _dec_body,
        [ln, _blk(Wd0), _tile(bd0), _blk(wd1), _tile(bd1), _blk(wd2),
         _tile(bd2), _blk(wd3), _tile(bd3)],
        [jax.ShapeDtypeStruct((N4, D_OUT * PK), jnp.float32)])[0]
    return dec_p.reshape(N, D_OUT)

# --- scband reference (transcript-rebuilt; emitter-appended) ---
"""Pipeline reference for scband-encode-process-decode-31215822308103 (READ-ONLY COPY).

The authoritative reference and input builder live on the scoring server;
editing this copy changes nothing except your own understanding.
"""

import jax, jax.numpy as jnp
import numpy as np

LATENT = 64
NUM_LAYERS = 2

def _make_mlp_params(key, din, dout):
    dims = [din, LATENT] + [LATENT] * NUM_LAYERS + [dout]
    params = []
    for i in range(len(dims) - 1):
        key, k1 = jax.random.split(key)
        W = jax.random.normal(k1, (dims[i], dims[i + 1]), dtype=jnp.float32) * (1.0 / np.sqrt(dims[i]))
        b = jnp.zeros((dims[i + 1],), dtype=jnp.float32)
        params.append((W, b))
    return params

def _mlp(params, x):
    n = len(params)
    for i, (W, b) in enumerate(params):
        x = x @ W + b
        if i < n - 1:
            x = jnp.where(x > 0, x, 0.01 * x)  # LeakyReLU(0.01)
    return x

def _ln(x, g, b):
    mu = jnp.mean(x, axis=-1, keepdims=True)
    var = jnp.var(x, axis=-1, keepdims=True)
    return (x - mu) / jnp.sqrt(var + 1e-5) * g + b

def setup_inputs(seed: int = 0):
    key = jax.random.key(seed)
    N, E, D_NODE, D_EDGE, D_OUT = 10000, 320000, 128, 16, 128
    ks = jax.random.split(key, 10)
    nodes = jax.random.normal(ks[0], (N, D_NODE), dtype=jnp.float32)
    edges = jax.random.normal(ks[1], (E, D_EDGE), dtype=jnp.float32)
    senders = jax.random.randint(ks[2], (E,), 0, N, dtype=jnp.int32)
    receivers = jax.random.randint(ks[3], (E,), 0, N, dtype=jnp.int32)
    params = {
        'edge_enc_mlp': _make_mlp_params(ks[4], 2 * D_NODE + D_EDGE, LATENT),
        'edge_enc_ln': (jnp.ones((LATENT,), jnp.float32), jnp.zeros((LATENT,), jnp.float32)),
        'node_enc_mlp': _make_mlp_params(ks[5], D_NODE + LATENT, LATENT),
        'node_enc_ln': (jnp.ones((LATENT,), jnp.float32), jnp.zeros((LATENT,), jnp.float32)),
        'edge_proc_mlp': _make_mlp_params(ks[6], 6 * LATENT, LATENT),
        'edge_proc_ln': (jnp.ones((LATENT,), jnp.float32), jnp.zeros((LATENT,), jnp.float32)),
        'node_proc_mlp': _make_mlp_params(ks[7], 4 * LATENT, LATENT),
        'node_proc_ln': (jnp.ones((LATENT,), jnp.float32), jnp.zeros((LATENT,), jnp.float32)),
        'dec_mlp': _make_mlp_params(ks[8], LATENT, D_OUT),
    }
    return {'nodes': nodes, 'edges': edges, 'senders': senders, 'receivers': receivers,
            'num_processing_steps': 10, 'params': params}

def reference(nodes, edges, senders, receivers, num_processing_steps, params):
    N = nodes.shape[0]
    s = jnp.take(nodes, senders, axis=0)
    r = jnp.take(nodes, receivers, axis=0)
    # EdgeEncoderBlock: cat([edges, sender, receiver])
    encode_edges = _ln(_mlp(params['edge_enc_mlp'], jnp.concatenate([edges, s, r], axis=-1)),
                       *params['edge_enc_ln'])
    agg = jax.ops.segment_sum(encode_edges, receivers, num_segments=N)
    # NodeEncoderBlock: cat([nodes, agg])
    encode_nodes = _ln(_mlp(params['node_enc_mlp'], jnp.concatenate([nodes, agg], axis=-1)),
                       *params['node_enc_ln'])
    latent_nodes = encode_nodes
    latent_edges = encode_edges
    def _step(_, carry):
        latent_nodes, latent_edges = carry
        sn = jnp.take(latent_nodes, senders, axis=0)
        rn = jnp.take(latent_nodes, receivers, axis=0)
        g0s = jnp.take(encode_nodes, senders, axis=0)
        g0r = jnp.take(encode_nodes, receivers, axis=0)
        # EdgeBlock: cat([sender, receiver, edge, g0_sender, g0_receiver, g0_edge])
        ei = jnp.concatenate([sn, rn, latent_edges, g0s, g0r, encode_edges], axis=-1)
        latent_edges = _ln(_mlp(params['edge_proc_mlp'], ei), *params['edge_proc_ln'])
        agg = jax.ops.segment_sum(latent_edges, receivers, num_segments=N)
        g0_agg = jax.ops.segment_sum(encode_edges, receivers, num_segments=N)
        # NodeBlock: cat([node, agg_edges, g0_node, g0_agg_edges])
        ni = jnp.concatenate([latent_nodes, agg, encode_nodes, g0_agg], axis=-1)
        latent_nodes = _ln(_mlp(params['node_proc_mlp'], ni), *params['node_proc_ln'])
        return (latent_nodes, latent_edges)
    latent_nodes, latent_edges = jax.lax.fori_loop(
        0, num_processing_steps, _step, (latent_nodes, latent_edges))
    decoded_nodes = _mlp(params['dec_mlp'], latent_nodes)
    return decoded_nodes

if __name__ == "__main__":
    import jax
    _d = setup_inputs()
    print(jax.jit(kernel)(*tuple(_d.values())))

</pallas_src>

<mosaic_0001>
#map = affine_map<(d0, d1) -> (0, 0)>
#map1 = affine_map<(d0, d1) -> (0)>
#map2 = affine_map<(d0, d1) -> (0, 0, 0)>
module attributes {stable_mosaic.version = 14 : i64} {
  func.func @_sc_gather_body(%arg0: i32, %arg1: i32, %arg2: memref<10000x64xf32, #tpu.memory_space<hbm>>, %arg3: memref<10000x64xf32, #tpu.memory_space<hbm>>, %arg4: memref<320000xi32, #tpu.memory_space<hbm>>, %arg5: memref<320000xi32, #tpu.memory_space<hbm>>, %arg6: memref<2500x128x64xf32, #tpu.memory_space<hbm>>, %arg7: memref<2500x128x64xf32, #tpu.memory_space<hbm>>, %arg8: memref<512xi32, #tpu.memory_space<vmem>>, %arg9: memref<512xi32, #tpu.memory_space<vmem>>, %arg10: memref<4x128x64xf32, #tpu.memory_space<vmem>>, %arg11: memref<4x128x64xf32, #tpu.memory_space<vmem>>, %arg12: memref<10000x64xf32, #tpu.memory_space<vmem_shared>>, %arg13: memref<!tpu.dma_semaphore, #tpu.memory_space<semaphore_mem>>, %arg14: memref<!tpu.dma_semaphore, #tpu.memory_space<semaphore_mem>>, %arg15: memref<!tpu.dma_semaphore, #tpu.memory_space<semaphore_mem>>) attributes {dimension_semantics = [#tpu.dimension_semantics<core_parallel>, #tpu.dimension_semantics<subcore_parallel>], iteration_bounds = array<i64: 2, 16>, scalar_prefetch = 0 : i64, scratch_operands = 8 : i64, tpu.core_type = #tpu.core_type<sc_vector_subcore>, window_params = [{transform_indices = #map}, {transform_indices = #map}, {transform_indices = #map1}, {transform_indices = #map1}, {transform_indices = #map2}, {transform_indices = #map2}]} {
    %mul3A = arith.constant 16 : i32
    %mul3A_0 = arith.muli %arg0, %mul3A : i32
    %add3A = arith.addi %mul3A_0, %arg1 : i32
    %mul3A_1 = arith.constant 625 : i32
    %mul3A_2 = arith.muli %arg1, %mul3A_1 : i32
    %mul3A_3 = arith.constant 625 : i32
    %mul3A_4 = arith.muli %arg1, %mul3A_3 : i32
    %dma_start3A = arith.constant 0 : i32
    %dma_start3A_5 = tpu.memref_slice %arg12[%mul3A_4, %dma_start3A] : memref<10000x64xf32, #tpu.memory_space<vmem_shared>> -> memref<625x64xf32, #tpu.memory_space<vmem_shared>>
    %dma_start3A_6 = arith.constant 0 : i32
    %dma_start3A_7 = tpu.memref_slice %arg2[%mul3A_2, %dma_start3A_6] : memref<10000x64xf32, #tpu.memory_space<hbm>> -> memref<625x64xf32, #tpu.memory_space<hbm>>
    tpu.enqueue_dma source(%dma_start3A_7 : memref<625x64xf32, #tpu.memory_space<hbm>>) target(%dma_start3A_5 : memref<625x64xf32, #tpu.memory_space<vmem_shared>>) target_semaphore(%arg13 : memref<!tpu.dma_semaphore, #tpu.memory_space<semaphore_mem>>)
    %dma_wait3A = arith.constant 0 : i32
    %dma_wait3A_8 = tpu.memref_slice %arg12[%mul3A_4, %dma_wait3A] : memref<10000x64xf32, #tpu.memory_space<vmem_shared>> -> memref<625x64xf32, #tpu.memory_space<vmem_shared>>
    %dma_wait3A_9 = arith.constant 0 : i32
    %dma_wait3A_10 = tpu.memref_slice %arg2[%mul3A_2, %dma_wait3A_9] : memref<10000x64xf32, #tpu.memory_space<hbm>> -> memref<625x64xf32, #tpu.memory_space<hbm>>
    tpu.wait_dma2 semaphore(%arg13 : memref<!tpu.dma_semaphore, #tpu.memory_space<semaphore_mem>>) src(%dma_wait3A_10 : memref<625x64xf32, #tpu.memory_space<hbm>>) dst(%dma_wait3A_8 : memref<625x64xf32, #tpu.memory_space<vmem_shared>>)
    %barrier3A = arith.constant 0 : index
    tpu.barrier barrier_id(%barrier3A)
    %scan3A = arith.constant 0 : i32
    %scan3A_11 = arith.constant 0 : i32
    %scan3A_12 = arith.constant 20 : i32
    %scan3A_13 = arith.addi %scan3A_11, %scan3A_12 : i32
    %scan3A_14 = arith.constant 1 : i32
    %scan3A_15 = scf.for %scan3A_17 = %scan3A_11 to %scan3A_13 step %scan3A_14 iter_args(%scan3A_18 = %scan3A) -> (i32)  : i32 {
      %mul3A_19 = arith.constant 32 : i32
      %mul3A_20 = arith.muli %scan3A_17, %mul3A_19 : i32
      %add3A_21 = arith.addi %add3A, %mul3A_20 : i32
      %lt3A = arith.constant 625 : i32
      %lt3A_22 = arith.cmpi slt, %add3A_21, %lt3A : i32
      %convert_element_type3A = arith.extui %lt3A_22 : i1 to i32
      %cond3A = arith.constant 0 : i32
      %cond3A_23 = arith.cmpi ne, %convert_element_type3A, %cond3A : i32
      scf.if %cond3A_23 {
        %mul3A_25 = arith.constant 512 : i32
        %mul3A_26 = arith.muli %add3A_21, %mul3A_25 : i32
        %dma_start3A_27 = tpu.memref_slice %arg4[%mul3A_26] : memref<320000xi32, #tpu.memory_space<hbm>> -> memref<512xi32, #tpu.memory_space<hbm>>
        %dma_start3A_28 = tpu.memref_slice %arg4[%mul3A_26] : memref<320000xi32, #tpu.memory_space<hbm>> -> memref<512xi32, #tpu.memory_space<hbm>>
        tpu.enqueue_dma source(%dma_start3A_28 : memref<512xi32, #tpu.memory_space<hbm>>) target(%arg8 : memref<512xi32, #tpu.memory_space<vmem>>) target_semaphore(%arg15 : memref<!tpu.dma_semaphore, #tpu.memory_space<semaphore_mem>>)
        %dma_start3A_29 = tpu.memref_slice %arg5[%mul3A_26] : memref<320000xi32, #tpu.memory_space<hbm>> -> memref<512xi32, #tpu.memory_space<hbm>>
        %dma_start3A_30 = tpu.memref_slice %arg5[%mul3A_26] : memref<320000xi32, #tpu.memory_space<hbm>> -> memref<512xi32, #tpu.memory_space<hbm>>
        tpu.enqueue_dma source(%dma_start3A_30 : memref<512xi32, #tpu.memory_space<hbm>>) target(%arg9 : memref<512xi32, #tpu.memory_space<vmem>>) target_semaphore(%arg15 : memref<!tpu.dma_semaphore, #tpu.memory_space<semaphore_mem>>)
        %dma_wait3A_31 = tpu.memref_slice %arg4[%mul3A_26] : memref<320000xi32, #tpu.memory_space<hbm>> -> memref<512xi32, #tpu.memory_space<hbm>>
        %dma_wait3A_32 = tpu.memref_slice %arg4[%mul3A_26] : memref<320000xi32, #tpu.memory_space<hbm>> -> memref<512xi32, #tpu.memory_space<hbm>>
        tpu.wait_dma2 semaphore(%arg15 : memref<!tpu.dma_semaphore, #tpu.memory_space<semaphore_mem>>) src(%dma_wait3A_32 : memref<512xi32, #tpu.memory_space<hbm>>) dst(%arg8 : memref<512xi32, #tpu.memory_space<vmem>>)
        %dma_wait3A_33 = tpu.memref_slice %arg5[%mul3A_26] : memref<320000xi32, #tpu.memory_space<hbm>> -> memref<512xi32, #tpu.memory_space<hbm>>
        %dma_wait3A_34 = tpu.memref_slice %arg5[%mul3A_26] : memref<320000xi32, #tpu.memory_space<hbm>> -> memref<512xi32, #tpu.memory_space<hbm>>
        tpu.wait_dma2 semaphore(%arg15 : memref<!tpu.dma_semaphore, #tpu.memory_space<semaphore_mem>>) src(%dma_wait3A_34 : memref<512xi32, #tpu.memory_space<hbm>>) dst(%arg9 : memref<512xi32, #tpu.memory_space<vmem>>)
        %dma_start3A_35 = arith.constant 0 : i32
        %dma_start3A_36 = arith.constant 0 : i32
        %dma_start3A_37 = arith.constant 0 : i32
        %dma_start3A_38 = tpu.memref_slice %arg10[%dma_start3A_35, %dma_start3A_36, %dma_start3A_37] : memref<4x128x64xf32, #tpu.memory_space<vmem>> -> memref<1x128x64xf32, #tpu.memory_space<vmem>>
        %dma_start3A_39 = tpu.memref_squeeze %dma_start3A_38 : memref<1x128x64xf32, #tpu.memory_space<vmem>> -> memref<128x64xf32, #tpu.memory_space<vmem>>
        %dma_start3A_40 = arith.constant 0 : i32
        %dma_start3A_41 = tpu.memref_slice %arg8[%dma_start3A_40] : memref<512xi32, #tpu.memory_space<vmem>> -> memref<128xi32, #tpu.memory_space<vmem>>
        %dma_start3A_42 = arith.constant 0 : i32
        %dma_start3A_43 = arith.constant 0 : i32
        %dma_start3A_44 = tpu.memref_slice %arg12[%dma_start3A_42, %dma_start3A_43] : memref<10000x64xf32, #tpu.memory_space<vmem_shared>> -> memref<10000x64xf32, #tpu.memory_space<vmem_shared>>
        tpu.enqueue_indirect_dma source(%dma_start3A_44 : memref<10000x64xf32, #tpu.memory_space<vmem_shared>>) target(%dma_start3A_39 : memref<128x64xf32, #tpu.memory_space<vmem>>) offsets(%dma_start3A_41 : memref<128xi32, #tpu.memory_space<vmem>>) semaphore(%arg13 : memref<!tpu.dma_semaphore, #tpu.memory_space<semaphore_mem>>)
        %dma_start3A_45 = arith.constant 0 : i32
        %dma_start3A_46 = arith.constant 0 : i32
        %dma_start3A_47 = arith.constant 0 : i32
        %dma_start3A_48 = tpu.memref_slice %arg11[%dma_start3A_45, %dma_start3A_46, %dma_start3A_47] : memref<4x128x64xf32, #tpu.memory_space<vmem>> -> memref<1x128x64xf32, #tpu.memory_space<vmem>>
        %dma_start3A_49 = tpu.memref_squeeze %dma_start3A_48 : memref<1x128x64xf32, #tpu.memory_space<vmem>> -> memref<128x64xf32, #tpu.memory_space<vmem>>
        %dma_start3A_50 = arith.constant 0 : i32
        %dma_start3A_51 = tpu.memref_slice %arg9[%dma_start3A_50] : memref<512xi32, #tpu.memory_space<vmem>> -> memref<128xi32, #tpu.memory_space<vmem>>
        %dma_start3A_52 = arith.constant 0 : i32
        %dma_start3A_53 = arith.constant 0 : i32
        %dma_start3A_54 = tpu.memref_slice %arg3[%dma_start3A_52, %dma_start3A_53] : memref<10000x64xf32, #tpu.memory_space<hbm>> -> memref<10000x64xf32, #tpu.memory_space<hbm>>
        tpu.enqueue_indirect_dma source(%dma_start3A_54 : memref<10000x64xf32, #tpu.memory_space<hbm>>) target(%dma_start3A_49 : memref<128x64xf32, #tpu.memory_space<vmem>>) offsets(%dma_start3A_51 : memref<128xi32, #tpu.memory_space<vmem>>) semaphore(%arg14 : memref<!tpu.dma_semaphore, #tpu.memory_space<semaphore_mem>>)
        %dma_start3A_55 = arith.constant 1 : i32
        %dma_start3A_56 = arith.constant 0 : i32
        %dma_start3A_57 = arith.constant 0 : i32
        %dma_start3A_58 = tpu.memref_slice %arg10[%dma_start3A_55, %dma_start3A_56, %dma_start3A_57] : memref<4x128x64xf32, #tpu.memory_space<vmem>> -> memref<1x128x64xf32, #tpu.memory_space<vmem>>
        %dma_start3A_59 = tpu.memref_squeeze %dma_start3A_58 : memref<1x128x64xf32, #tpu.memory_space<vmem>> -> memref<128x64xf32, #tpu.memory_space<vmem>>
        %dma_start3A_60 = arith.constant 128 : i32
        %dma_start3A_61 = tpu.memref_slice %arg8[%dma_start3A_60] : memref<512xi32, #tpu.memory_space<vmem>> -> memref<128xi32, #tpu.memory_space<vmem>>
        %dma_start3A_62 = arith.constant 0 : i32
        %dma_start3A_63 = arith.constant 0 : i32
        %dma_start3A_64 = tpu.memref_slice %arg12[%dma_start3A_62, %dma_start3A_63] : memref<10000x64xf32, #tpu.memory_space<vmem_shared>> -> memref<10000x64xf32, #tpu.memory_space<vmem_shared>>
        tpu.enqueue_indirect_dma source(%dma_start3A_64 : memref<10000x64xf32, #tpu.memory_space<vmem_shared>>) target(%dma_start3A_59 : memref<128x64xf32, #tpu.memory_space<vmem>>) offsets(%dma_start3A_61 : memref<128xi32, #tpu.memory_space<vmem>>) semaphore(%arg13 : memref<!tpu.dma_semaphore, #tpu.memory_space<semaphore_mem>>)
        %dma_start3A_65 = arith.constant 1 : i32
        %dma_start3A_66 = arith.constant 0 : i32
        %dma_start3A_67 = arith.constant 0 : i32
        %dma_start3A_68 = tpu.memref_slice %arg11[%dma_start3A_65, %dma_start3A_66, %dma_start3A_67] : memref<4x128x64xf32, #tpu.memory_space<vmem>> -> memref<1x128x64xf32, #tpu.memory_space<vmem>>
        %dma_start3A_69 = tpu.memref_squeeze %dma_start3A_68 : memref<1x128x64xf32, #tpu.memory_space<vmem>> -> memref<128x64xf32, #tpu.memory_space<vmem>>
        %dma_start3A_70 = arith.constant 128 : i32
        %dma_start3A_71 = tpu.memref_slice %arg9[%dma_start3A_70] : memref<512xi32, #tpu.memory_space<vmem>> -> memref<128xi32, #tpu.memory_space<vmem>>
        %dma_start3A_72 = arith.constant 0 : i32
        %dma_start3A_73 = arith.constant 0 : i32
        %dma_start3A_74 = tpu.memref_slice %arg3[%dma_start3A_72, %dma_start3A_73] : memref<10000x64xf32, #tpu.memory_space<hbm>> -> memref<10000x64xf32, #tpu.memory_space<hbm>>
        tpu.enqueue_indirect_dma source(%dma_start3A_74 : memref<10000x64xf32, #tpu.memory_space<hbm>>) target(%dma_start3A_69 : memref<128x64xf32, #tpu.memory_space<vmem>>) offsets(%dma_start3A_71 : memref<128xi32, #tpu.memory_space<vmem>>) semaphore(%arg14 : memref<!tpu.dma_semaphore, #tpu.memory_space<semaphore_mem>>)
        %dma_start3A_75 = arith.constant 2 : i32
        %dma_start3A_76 = arith.constant 0 : i32
        %dma_start3A_77 = arith.constant 0 : i32
        %dma_start3A_78 = tpu.memref_slice %arg10[%dma_start3A_75, %dma_start3A_76, %dma_start3A_77] : memref<4x128x64xf32, #tpu.memory_space<vmem>> -> memref<1x128x64xf32, #tpu.memory_space<vmem>>
        %dma_start3A_79 = tpu.memref_squeeze %dma_start3A_78 : memref<1x128x64xf32, #tpu.memory_space<vmem>> -> memref<128x64xf32, #tpu.memory_space<vmem>>
        %dma_start3A_80 = arith.constant 256 : i32
        %dma_start3A_81 = tpu.memref_slice %arg8[%dma_start3A_80] : memref<512xi32, #tpu.memory_space<vmem>> -> memref<128xi32, #tpu.memory_space<vmem>>
        %dma_start3A_82 = arith.constant 0 : i32
        %dma_start3A_83 = arith.constant 0 : i32
        %dma_start3A_84 = tpu.memref_slice %arg12[%dma_start3A_82, %dma_start3A_83] : memref<10000x64xf32, #tpu.memory_space<vmem_shared>> -> memref<10000x64xf32, #tpu.memory_space<vmem_shared>>
        tpu.enqueue_indirect_dma source(%dma_start3A_84 : memref<10000x64xf32, #tpu.memory_space<vmem_shared>>) target(%dma_start3A_79 : memref<128x64xf32, #tpu.memory_space<vmem>>) offsets(%dma_start3A_81 : memref<128xi32, #tpu.memory_space<vmem>>) semaphore(%arg13 : memref<!tpu.dma_semaphore, #tpu.memory_space<semaphore_mem>>)
        %dma_start3A_85 = arith.constant 2 : i32
        %dma_start3A_86 = arith.constant 0 : i32
        %dma_start3A_87 = arith.constant 0 : i32
        %dma_start3A_88 = tpu.memref_slice %arg11[%dma_start3A_85, %dma_start3A_86, %dma_start3A_87] : memref<4x128x64xf32, #tpu.memory_space<vmem>> -> memref<1x128x64xf32, #tpu.memory_space<vmem>>
        %dma_start3A_89 = tpu.memref_squeeze %dma_start3A_88 : memref<1x128x64xf32, #tpu.memory_space<vmem>> -> memref<128x64xf32, #tpu.memory_space<vmem>>
        %dma_start3A_90 = arith.constant 256 : i32
        %dma_start3A_91 = tpu.memref_slice %arg9[%dma_start3A_90] : memref<512xi32, #tpu.memory_space<vmem>> -> memref<128xi32, #tpu.memory_space<vmem>>
        %dma_start3A_92 = arith.constant 0 : i32
        %dma_start3A_93 = arith.constant 0 : i32
        %dma_start3A_94 = tpu.memref_slice %arg3[%dma_start3A_92, %dma_start3A_93] : memref<10000x64xf32, #tpu.memory_space<hbm>> -> memref<10000x64xf32, #tpu.memory_space<hbm>>
        tpu.enqueue_indirect_dma source(%dma_start3A_94 : memref<10000x64xf32, #tpu.memory_space<hbm>>) target(%dma_start3A_89 : memref<128x64xf32, #tpu.memory_space<vmem>>) offsets(%dma_start3A_91 : memref<128xi32, #tpu.memory_space<vmem>>) semaphore(%arg14 : memref<!tpu.dma_semaphore, #tpu.memory_space<semaphore_mem>>)
        %dma_start3A_95 = arith.constant 3 : i32
        %dma_start3A_96 = arith.constant 0 : i32
        %dma_start3A_97 = arith.constant 0 : i32
        %dma_start3A_98 = tpu.memref_slice %arg10[%dma_start3A_95, %dma_start3A_96, %dma_start3A_97] : memref<4x128x64xf32, #tpu.memory_space<vmem>> -> memref<1x128x64xf32, #tpu.memory_space<vmem>>
        %dma_start3A_99 = tpu.memref_squeeze %dma_start3A_98 : memref<1x128x64xf32, #tpu.memory_space<vmem>> -> memref<128x64xf32, #tpu.memory_space<vmem>>
        %dma_start3A_100 = arith.constant 384 : i32
        %dma_start3A_101 = tpu.memref_slice %arg8[%dma_start3A_100] : memref<512xi32, #tpu.memory_space<vmem>> -> memref<128xi32, #tpu.memory_space<vmem>>
        %dma_start3A_102 = arith.constant 0 : i32
        %dma_start3A_103 = arith.constant 0 : i32
        %dma_start3A_104 = tpu.memref_slice %arg12[%dma_start3A_102, %dma_start3A_103] : memref<10000x64xf32, #tpu.memory_space<vmem_shared>> -> memref<10000x64xf32, #tpu.memory_space<vmem_shared>>
        tpu.enqueue_indirect_dma source(%dma_start3A_104 : memref<10000x64xf32, #tpu.memory_space<vmem_shared>>) target(%dma_start3A_99 : memref<128x64xf32, #tpu.memory_space<vmem>>) offsets(%dma_start3A_101 : memref<128xi32, #tpu.memory_space<vmem>>) semaphore(%arg13 : memref<!tpu.dma_semaphore, #tpu.memory_space<semaphore_mem>>)
        %dma_start3A_105 = arith.constant 3 : i32
        %dma_start3A_106 = arith.constant 0 : i32
        %dma_start3A_107 = arith.constant 0 : i32
        %dma_start3A_108 = tpu.memref_slice %arg11[%dma_start3A_105, %dma_start3A_106, %dma_start3A_107] : memref<4x128x64xf32, #tpu.memory_space<vmem>> -> memref<1x128x64xf32, #tpu.memory_space<vmem>>
        %dma_start3A_109 = tpu.memref_squeeze %dma_start3A_108 : memref<1x128x64xf32, #tpu.memory_space<vmem>> -> memref<128x64xf32, #tpu.memory_space<vmem>>
        %dma_start3A_110 = arith.constant 384 : i32
        %dma_start3A_111 = tpu.memref_slice %arg9[%dma_start3A_110] : memref<512xi32, #tpu.memory_space<vmem>> -> memref<128xi32, #tpu.memory_space<vmem>>
        %dma_start3A_112 = arith.constant 0 : i32
        %dma_start3A_113 = arith.constant 0 : i32
        %dma_start3A_114 = tpu.memref_slice %arg3[%dma_start3A_112, %dma_start3A_113] : memref<10000x64xf32, #tpu.memory_space<hbm>> -> memref<10000x64xf32, #tpu.memory_space<hbm>>
        tpu.enqueue_indirect_dma source(%dma_start3A_114 : memref<10000x64xf32, #tpu.memory_space<hbm>>) target(%dma_start3A_109 : memref<128x64xf32, #tpu.memory_space<vmem>>) offsets(%dma_start3A_111 : memref<128xi32, #tpu.memory_space<vmem>>) semaphore(%arg14 : memref<!tpu.dma_semaphore, #tpu.memory_space<semaphore_mem>>)
        %dma_wait3A_115 = arith.constant 0 : i32
        %dma_wait3A_116 = arith.constant 0 : i32
        %dma_wait3A_117 = arith.constant 0 : i32
        %dma_wait3A_118 = tpu.memref_slice %arg10[%dma_wait3A_115, %dma_wait3A_116, %dma_wait3A_117] : memref<4x128x64xf32, #tpu.memory_space<vmem>> -> memref<1x128x64xf32, #tpu.memory_space<vmem>>
        %dma_wait3A_119 = tpu.memref_squeeze %dma_wait3A_118 : memref<1x128x64xf32, #tpu.memory_space<vmem>> -> memref<128x64xf32, #tpu.memory_space<vmem>>
        %dma_wait3A_120 = arith.constant 0 : i32
        %dma_wait3A_121 = tpu.memref_slice %arg8[%dma_wait3A_120] : memref<512xi32, #tpu.memory_space<vmem>> -> memref<128xi32, #tpu.memory_space<vmem>>
        %dma_wait3A_122 = arith.constant 0 : i32
        %dma_wait3A_123 = arith.constant 0 : i32
        %dma_wait3A_124 = tpu.memref_slice %arg12[%dma_wait3A_122, %dma_wait3A_123] : memref<10000x64xf32, #tpu.memory_space<vmem_shared>> -> memref<10000x64xf32, #tpu.memory_space<vmem_shared>>
        tpu.wait_indirect_dma semaphore(%arg13 : memref<!tpu.dma_semaphore, #tpu.memory_space<semaphore_mem>>) src(%dma_wait3A_124 : memref<10000x64xf32, #tpu.memory_space<vmem_shared>>) dst(%dma_wait3A_119 : memref<128x64xf32, #tpu.memory_space<vmem>>)
        %dma_wait3A_125 = arith.constant 0 : i32
        %dma_wait3A_126 = arith.constant 0 : i32
        %dma_wait3A_127 = arith.constant 0 : i32
        %dma_wait3A_128 = tpu.memref_slice %arg11[%dma_wait3A_125, %dma_wait3A_126, %dma_wait3A_127] : memref<4x128x64xf32, #tpu.memory_space<vmem>> -> memref<1x128x64xf32, #tpu.memory_space<vmem>>
        %dma_wait3A_129 = tpu.memref_squeeze %dma_wait3A_128 : memref<1x128x64xf32, #tpu.memory_space<vmem>> -> memref<128x64xf32, #tpu.memory_space<vmem>>
        %dma_wait3A_130 = arith.constant 0 : i32
        %dma_wait3A_131 = tpu.memref_slice %arg9[%dma_wait3A_130] : memref<512xi32, #tpu.memory_space<vmem>> -> memref<128xi32, #tpu.memory_space<vmem>>
        %dma_wait3A_132 = arith.constant 0 : i32
        %dma_wait3A_133 = arith.constant 0 : i32
        %dma_wait3A_134 = tpu.memref_slice %arg3[%dma_wait3A_132, %dma_wait3A_133] : memref<10000x64xf32, #tpu.memory_space<hbm>> -> memref<10000x64xf32, #tpu.memory_space<hbm>>
        tpu.wait_indirect_dma semaphore(%arg14 : memref<!tpu.dma_semaphore, #tpu.memory_space<semaphore_mem>>) src(%dma_wait3A_134 : memref<10000x64xf32, #tpu.memory_space<hbm>>) dst(%dma_wait3A_129 : memref<128x64xf32, #tpu.memory_space<vmem>>)
        %dma_wait3A_135 = arith.constant 1 : i32
        %dma_wait3A_136 = arith.constant 0 : i32
        %dma_wait3A_137 = arith.constant 0 : i32
        %dma_wait3A_138 = tpu.memref_slice %arg10[%dma_wait3A_135, %dma_wait3A_136, %dma_wait3A_137] : memref<4x128x64xf32, #tpu.memory_space<vmem>> -> memref<1x128x64xf32, #tpu.memory_space<vmem>>
        %dma_wait3A_139 = tpu.memref_squeeze %dma_wait3A_138 : memref<1x128x64xf32, #tpu.memory_space<vmem>> -> memref<128x64xf32, #tpu.memory_space<vmem>>
        %dma_wait3A_140 = arith.constant 128 : i32
        %dma_wait3A_141 = tpu.memref_slice %arg8[%dma_wait3A_140] : memref<512xi32, #tpu.memory_space<vmem>> -> memref<128xi32, #tpu.memory_space<vmem>>
        %dma_wait3A_142 = arith.constant 0 : i32
        %dma_wait3A_143 = arith.constant 0 : i32
        %dma_wait3A_144 = tpu.memref_slice %arg12[%dma_wait3A_142, %dma_wait3A_143] : memref<10000x64xf32, #tpu.memory_space<vmem_shared>> -> memref<10000x64xf32, #tpu.memory_space<vmem_shared>>
        tpu.wait_indirect_dma semaphore(%arg13 : memref<!tpu.dma_semaphore, #tpu.memory_space<semaphore_mem>>) src(%dma_wait3A_144 : memref<10000x64xf32, #tpu.memory_space<vmem_shared>>) dst(%dma_wait3A_139 : memref<128x64xf32, #tpu.memory_space<vmem>>)
        %dma_wait3A_145 = arith.constant 1 : i32
        %dma_wait3A_146 = arith.constant 0 : i32
        %dma_wait3A_147 = arith.constant 0 : i32
        %dma_wait3A_148 = tpu.memref_slice %arg11[%dma_wait3A_145, %dma_wait3A_146, %dma_wait3A_147] : memref<4x128x64xf32, #tpu.memory_space<vmem>> -> memref<1x128x64xf32, #tpu.memory_space<vmem>>
        %dma_wait3A_149 = tpu.memref_squeeze %dma_wait3A_148 : memref<1x128x64xf32, #tpu.memory_space<vmem>> -> memref<128x64xf32, #tpu.memory_space<vmem>>
        %dma_wait3A_150 = arith.constant 128 : i32
        %dma_wait3A_151 = tpu.memref_slice %arg9[%dma_wait3A_150] : memref<512xi32, #tpu.memory_space<vmem>> -> memref<128xi32, #tpu.memory_space<vmem>>
        %dma_wait3A_152 = arith.constant 0 : i32
        %dma_wait3A_153 = arith.constant 0 : i32
        %dma_wait3A_154 = tpu.memref_slice %arg3[%dma_wait3A_152, %dma_wait3A_153] : memref<10000x64xf32, #tpu.memory_space<hbm>> -> memref<10000x64xf32, #tpu.memory_space<hbm>>
        tpu.wait_indirect_dma semaphore(%arg14 : memref<!tpu.dma_semaphore, #tpu.memory_space<semaphore_mem>>) src(%dma_wait3A_154 : memref<10000x64xf32, #tpu.memory_space<hbm>>) dst(%dma_wait3A_149 : memref<128x64xf32, #tpu.memory_space<vmem>>)
        %dma_wait3A_155 = arith.constant 2 : i32
        %dma_wait3A_156 = arith.constant 0 : i32
        %dma_wait3A_157 = arith.constant 0 : i32
        %dma_wait3A_158 = tpu.memref_slice %arg10[%dma_wait3A_155, %dma_wait3A_156, %dma_wait3A_157] : memref<4x128x64xf32, #tpu.memory_space<vmem>> -> memref<1x128x64xf32, #tpu.memory_space<vmem>>
        %dma_wait3A_159 = tpu.memref_squeeze %dma_wait3A_158 : memref<1x128x64xf32, #tpu.memory_space<vmem>> -> memref<128x64xf32, #tpu.memory_space<vmem>>
        %dma_wait3A_160 = arith.constant 256 : i32
        %dma_wait3A_161 = tpu.memref_slice %arg8[%dma_wait3A_160] : memref<512xi32, #tpu.memory_space<vmem>> -> memref<128xi32, #tpu.memory_space<vmem>>
        %dma_wait3A_162 = arith.constant 0 : i32
        %dma_wait3A_163 = arith.constant 0 : i32
        %dma_wait3A_164 = tpu.memref_slice %arg12[%dma_wait3A_162, %dma_wait3A_163] : memref<10000x64xf32, #tpu.memory_space<vmem_shared>> -> memref<10000x64xf32, #tpu.memory_space<vmem_shared>>
        tpu.wait_indirect_dma semaphore(%arg13 : memref<!tpu.dma_semaphore, #tpu.memory_space<semaphore_mem>>) src(%dma_wait3A_164 : memref<10000x64xf32, #tpu.memory_space<vmem_shared>>) dst(%dma_wait3A_159 : memref<128x64xf32, #tpu.memory_space<vmem>>)
        %dma_wait3A_165 = arith.constant 2 : i32
        %dma_wait3A_166 = arith.constant 0 : i32
        %dma_wait3A_167 = arith.constant 0 : i32
        %dma_wait3A_168 = tpu.memref_slice %arg11[%dma_wait3A_165, %dma_wait3A_166, %dma_wait3A_167] : memref<4x128x64xf32, #tpu.memory_space<vmem>> -> memref<1x128x64xf32, #tpu.memory_space<vmem>>
        %dma_wait3A_169 = tpu.memref_squeeze %dma_wait3A_168 : memref<1x128x64xf32, #tpu.memory_space<vmem>> -> memref<128x64xf32, #tpu.memory_space<vmem>>
        %dma_wait3A_170 = arith.constant 256 : i32
        %dma_wait3A_171 = tpu.memref_slice %arg9[%dma_wait3A_170] : memref<512xi32, #tpu.memory_space<vmem>> -> memref<128xi32, #tpu.memory_space<vmem>>
        %dma_wait3A_172 = arith.constant 0 : i32
        %dma_wait3A_173 = arith.constant 0 : i32
        %dma_wait3A_174 = tpu.memref_slice %arg3[%dma_wait3A_172, %dma_wait3A_173] : memref<10000x64xf32, #tpu.memory_space<hbm>> -> memref<10000x64xf32, #tpu.memory_space<hbm>>
        tpu.wait_indirect_dma semaphore(%arg14 : memref<!tpu.dma_semaphore, #tpu.memory_space<semaphore_mem>>) src(%dma_wait3A_174 : memref<10000x64xf32, #tpu.memory_space<hbm>>) dst(%dma_wait3A_169 : memref<128x64xf32, #tpu.memory_space<vmem>>)
        %dma_wait3A_175 = arith.constant 3 : i32
        %dma_wait3A_176 = arith.constant 0 : i32
        %dma_wait3A_177 = arith.constant 0 : i32
        %dma_wait3A_178 = tpu.memref_slice %arg10[%dma_wait3A_175, %dma_wait3A_176, %dma_wait3A_177] : memref<4x128x64xf32, #tpu.memory_space<vmem>> -> memref<1x128x64xf32, #tpu.memory_space<vmem>>
        %dma_wait3A_179 = tpu.memref_squeeze %dma_wait3A_178 : memref<1x128x64xf32, #tpu.memory_space<vmem>> -> memref<128x64xf32, #tpu.memory_space<vmem>>
        %dma_wait3A_180 = arith.constant 384 : i32
        %dma_wait3A_181 = tpu.memref_slice %arg8[%dma_wait3A_180] : memref<512xi32, #tpu.memory_space<vmem>> -> memref<128xi32, #tpu.memory_space<vmem>>
        %dma_wait3A_182 = arith.constant 0 : i32
        %dma_wait3A_183 = arith.constant 0 : i32
        %dma_wait3A_184 = tpu.memref_slice %arg12[%dma_wait3A_182, %dma_wait3A_183] : memref<10000x64xf32, #tpu.memory_space<vmem_shared>> -> memref<10000x64xf32, #tpu.memory_space<vmem_shared>>
        tpu.wait_indirect_dma semaphore(%arg13 : memref<!tpu.dma_semaphore, #tpu.memory_space<semaphore_mem>>) src(%dma_wait3A_184 : memref<10000x64xf32, #tpu.memory_space<vmem_shared>>) dst(%dma_wait3A_179 : memref<128x64xf32, #tpu.memory_space<vmem>>)
        %dma_wait3A_185 = arith.constant 3 : i32
        %dma_wait3A_186 = arith.constant 0 : i32
        %dma_wait3A_187 = arith.constant 0 : i32
        %dma_wait3A_188 = tpu.memref_slice %arg11[%dma_wait3A_185, %dma_wait3A_186, %dma_wait3A_187] : memref<4x128x64xf32, #tpu.memory_space<vmem>> -> memref<1x128x64xf32, #tpu.memory_space<vmem>>
        %dma_wait3A_189 = tpu.memref_squeeze %dma_wait3A_188 : memref<1x128x64xf32, #tpu.memory_space<vmem>> -> memref<128x64xf32, #tpu.memory_space<vmem>>
        %dma_wait3A_190 = arith.constant 384 : i32
        %dma_wait3A_191 = tpu.memref_slice %arg9[%dma_wait3A_190] : memref<512xi32, #tpu.memory_space<vmem>> -> memref<128xi32, #tpu.memory_space<vmem>>
        %dma_wait3A_192 = arith.constant 0 : i32
        %dma_wait3A_193 = arith.constant 0 : i32
        %dma_wait3A_194 = tpu.memref_slice %arg3[%dma_wait3A_192, %dma_wait3A_193] : memref<10000x64xf32, #tpu.memory_space<hbm>> -> memref<10000x64xf32, #tpu.memory_space<hbm>>
        tpu.wait_indirect_dma semaphore(%arg14 : memref<!tpu.dma_semaphore, #tpu.memory_space<semaphore_mem>>) src(%dma_wait3A_194 : memref<10000x64xf32, #tpu.memory_space<hbm>>) dst(%dma_wait3A_189 : memref<128x64xf32, #tpu.memory_space<vmem>>)
        %mul3A_195 = arith.constant 4 : i32
        %mul3A_196 = arith.muli %add3A_21, %mul3A_195 : i32
        %dma_start3A_197 = arith.constant 0 : i32
        %dma_start3A_198 = arith.constant 0 : i32
        %dma_start3A_199 = tpu.memref_slice %arg6[%mul3A_196, %dma_start3A_197, %dma_start3A_198] : memref<2500x128x64xf32, #tpu.memory_space<hbm>> -> memref<4x128x64xf32, #tpu.memory_space<hbm>>
        %dma_start3A_200 = arith.constant 0 : i32
        %dma_start3A_201 = arith.constant 0 : i32
        %dma_start3A_202 = tpu.memref_slice %arg6[%mul3A_196, %dma_start3A_200, %dma_start3A_201] : memref<2500x128x64xf32, #tpu.memory_space<hbm>> -> memref<4x128x64xf32, #tpu.memory_space<hbm>>
        tpu.enqueue_dma source(%arg10 : memref<4x128x64xf32, #tpu.memory_space<vmem>>) target(%dma_start3A_202 : memref<4x128x64xf32, #tpu.memory_space<hbm>>) target_semaphore(%arg13 : memref<!tpu.dma_semaphore, #tpu.memory_space<semaphore_mem>>)
        %mul3A_203 = arith.constant 4 : i32
        %mul3A_204 = arith.muli %add3A_21, %mul3A_203 : i32
        %dma_start3A_205 = arith.constant 0 : i32
        %dma_start3A_206 = arith.constant 0 : i32
        %dma_start3A_207 = tpu.memref_slice %arg7[%mul3A_204, %dma_start3A_205, %dma_start3A_206] : memref<2500x128x64xf32, #tpu.memory_space<hbm>> -> memref<4x128x64xf32, #tpu.memory_space<hbm>>
        %dma_start3A_208 = arith.constant 0 : i32
        %dma_start3A_209 = arith.constant 0 : i32
        %dma_start3A_210 = tpu.memref_slice %arg7[%mul3A_204, %dma_start3A_208, %dma_start3A_209] : memref<2500x128x64xf32, #tpu.memory_space<hbm>> -> memref<4x128x64xf32, #tpu.memory_space<hbm>>
        tpu.enqueue_dma source(%arg11 : memref<4x128x64xf32, #tpu.memory_space<vmem>>) target(%dma_start3A_210 : memref<4x128x64xf32, #tpu.memory_space<hbm>>) target_semaphore(%arg14 : memref<!tpu.dma_semaphore, #tpu.memory_space<semaphore_mem>>)
        %dma_wait3A_211 = arith.constant 0 : i32
        %dma_wait3A_212 = arith.constant 0 : i32
        %dma_wait3A_213 = tpu.memref_slice %arg6[%mul3A_196, %dma_wait3A_211, %dma_wait3A_212] : memref<2500x128x64xf32, #tpu.memory_space<hbm>> -> memref<4x128x64xf32, #tpu.memory_space<hbm>>
        %dma_wait3A_214 = arith.constant 0 : i32
        %dma_wait3A_215 = arith.constant 0 : i32
        %dma_wait3A_216 = tpu.memref_slice %arg6[%mul3A_196, %dma_wait3A_214, %dma_wait3A_215] : memref<2500x128x64xf32, #tpu.memory_space<hbm>> -> memref<4x128x64xf32, #tpu.memory_space<hbm>>
        tpu.wait_dma2 semaphore(%arg13 : memref<!tpu.dma_semaphore, #tpu.memory_space<semaphore_mem>>) src(%arg10 : memref<4x128x64xf32, #tpu.memory_space<vmem>>) dst(%dma_wait3A_216 : memref<4x128x64xf32, #tpu.memory_space<hbm>>)
        %dma_wait3A_217 = arith.constant 0 : i32
        %dma_wait3A_218 = arith.constant 0 : i32
        %dma_wait3A_219 = tpu.memref_slice %arg7[%mul3A_204, %dma_wait3A_217, %dma_wait3A_218] : memref<2500x128x64xf32, #tpu.memory_space<hbm>> -> memref<4x128x64xf32, #tpu.memory_space<hbm>>
        %dma_wait3A_220 = arith.constant 0 : i32
        %dma_wait3A_221 = arith.constant 0 : i32
        %dma_wait3A_222 = tpu.memref_slice %arg7[%mul3A_204, %dma_wait3A_220, %dma_wait3A_221] : memref<2500x128x64xf32, #tpu.memory_space<hbm>> -> memref<4x128x64xf32, #tpu.memory_space<hbm>>
        tpu.wait_dma2 semaphore(%arg14 : memref<!tpu.dma_semaphore, #tpu.memory_space<semaphore_mem>>) src(%arg11 : memref<4x128x64xf32, #tpu.memory_space<vmem>>) dst(%dma_wait3A_222 : memref<4x128x64xf32, #tpu.memory_space<hbm>>)
      } else {
      }
      %scan3A_24 = arith.constant 0 : i32
      scf.yield %scan3A_24 : i32
    }
    %scan3A_16 = arith.constant 20 : i32
    return
  }
}

#map = affine_map<(d0, d1) -> (0, 0)>
#map1 = affine_map<(d0, d1) -> (0)>
#map2 = affine_map<(d0, d1) -> (0, 0, 0)>
module attributes {stable_mosaic.version = 14 : i64} {
  func.func @_sc_gather_body(%arg0: i32, %arg1: i32, %arg2: memref<10000x64xf32, #tpu.memory_space<hbm>>, %arg3: memref<10000x64xf32, #tpu.memory_space<hbm>>, %arg4: memref<320000xi32, #tpu.memory_space<hbm>>, %arg5: memref<320000xi32, #tpu.memory_space<hbm>>, %arg6: memref<2500x128x64xf32, #tpu.memory_space<hbm>>, %arg7: memref<2500x128x64xf32, #tpu.memory_space<hbm>>, %arg8: memref<512xi32, #tpu.memory_space<vmem>>, %arg9: memref<512xi32, #tpu.memory_space<vmem>>, %arg10: memref<4x128x64xf32, #tpu.memory_space<vmem>>, %arg11: memref<4x128x64xf32, #tpu.memory_space<vmem>>, %arg12: memref<10000x64xf32, #tpu.memory_space<vmem_shared>>, %arg13: memref<!tpu.dma_semaphore, #tpu.memory_space<semaphore_mem>>, %arg14: memref<!tpu.dma_semaphore, #tpu.memory_space<semaphore_mem>>, %arg15: memref<!tpu.dma_semaphore, #tpu.memory_space<semaphore_mem>>) attributes {dimension_semantics = [#tpu.dimension_semantics<core_parallel>, #tpu.dimension_semantics<subcore_parallel>], iteration_bounds = array<i64: 2, 16>, scalar_prefetch = 0 : i64, scratch_operands = 8 : i64, tpu.core_type = #tpu.core_type<sc_vector_subcore>, window_params = [{transform_indices = #map}, {transform_indices = #map}, {transform_indices = #map1}, {transform_indices = #map1}, {transform_indices = #map2}, {transform_indices = #map2}]} {
    %mul3A = arith.constant 16 : i32
    %mul3A_0 = arith.muli %arg0, %mul3A : i32
    %add3A = arith.addi %mul3A_0, %arg1 : i32
    %mul3A_1 = arith.constant 625 : i32
    %mul3A_2 = arith.muli %arg1, %mul3A_1 : i32
    %mul3A_3 = arith.constant 625 : i32
    %mul3A_4 = arith.muli %arg1, %mul3A_3 : i32
    %dma_start3A = arith.constant 0 : i32
    %dma_start3A_5 = tpu.memref_slice %arg12[%mul3A_4, %dma_start3A] : memref<10000x64xf32, #tpu.memory_space<vmem_shared>> -> memref<625x64xf32, #tpu.memory_space<vmem_shared>>
    %dma_start3A_6 = arith.constant 0 : i32
    %dma_start3A_7 = tpu.memref_slice %arg2[%mul3A_2, %dma_start3A_6] : memref<10000x64xf32, #tpu.memory_space<hbm>> -> memref<625x64xf32, #tpu.memory_space<hbm>>
    tpu.enqueue_dma source(%dma_start3A_7 : memref<625x64xf32, #tpu.memory_space<hbm>>) target(%dma_start3A_5 : memref<625x64xf32, #tpu.memory_space<vmem_shared>>) target_semaphore(%arg13 : memref<!tpu.dma_semaphore, #tpu.memory_space<semaphore_mem>>)
    %dma_wait3A = arith.constant 0 : i32
    %dma_wait3A_8 = tpu.memref_slice %arg12[%mul3A_4, %dma_wait3A] : memref<10000x64xf32, #tpu.memory_space<vmem_shared>> -> memref<625x64xf32, #tpu.memory_space<vmem_shared>>
    %dma_wait3A_9 = arith.constant 0 : i32
    %dma_wait3A_10 = tpu.memref_slice %arg2[%mul3A_2, %dma_wait3A_9] : memref<10000x64xf32, #tpu.memory_space<hbm>> -> memref<625x64xf32, #tpu.memory_space<hbm>>
    tpu.wait_dma2 semaphore(%arg13 : memref<!tpu.dma_semaphore, #tpu.memory_space<semaphore_mem>>) src(%dma_wait3A_10 : memref<625x64xf32, #tpu.memory_space<hbm>>) dst(%dma_wait3A_8 : memref<625x64xf32, #tpu.memory_space<vmem_shared>>)
    %barrier3A = arith.constant 0 : index
    tpu.barrier barrier_id(%barrier3A)
    %scan3A = arith.constant 0 : i32
    %scan3A_11 = arith.constant 0 : i32
    %scan3A_12 = arith.constant 20 : i32
    %scan3A_13 = arith.addi %scan3A_11, %scan3A_12 : i32
    %scan3A_14 = arith.constant 1 : i32
    %scan3A_15 = scf.for %scan3A_17 = %scan3A_11 to %scan3A_13 step %scan3A_14 iter_args(%scan3A_18 = %scan3A) -> (i32)  : i32 {
      %mul3A_19 = arith.constant 32 : i32
      %mul3A_20 = arith.muli %scan3A_17, %mul3A_19 : i32
      %add3A_21 = arith.addi %add3A, %mul3A_20 : i32
      %lt3A = arith.constant 625 : i32
      %lt3A_22 = arith.cmpi slt, %add3A_21, %lt3A : i32
      %convert_element_type3A = arith.extui %lt3A_22 : i1 to i32
      %cond3A = arith.constant 0 : i32
      %cond3A_23 = arith.cmpi ne, %convert_element_type3A, %cond3A : i32
      scf.if %cond3A_23 {
        %mul3A_25 = arith.constant 512 : i32
        %mul3A_26 = arith.muli %add3A_21, %mul3A_25 : i32
        %dma_start3A_27 = tpu.memref_slice %arg4[%mul3A_26] : memref<320000xi32, #tpu.memory_space<hbm>> -> memref<512xi32, #tpu.memory_space<hbm>>
        %dma_start3A_28 = tpu.memref_slice %arg4[%mul3A_26] : memref<320000xi32, #tpu.memory_space<hbm>> -> memref<512xi32, #tpu.memory_space<hbm>>
        tpu.enqueue_dma source(%dma_start3A_28 : memref<512xi32, #tpu.memory_space<hbm>>) target(%arg8 : memref<512xi32, #tpu.memory_space<vmem>>) target_semaphore(%arg15 : memref<!tpu.dma_semaphore, #tpu.memory_space<semaphore_mem>>)
        %dma_start3A_29 = tpu.memref_slice %arg5[%mul3A_26] : memref<320000xi32, #tpu.memory_space<hbm>> -> memref<512xi32, #tpu.memory_space<hbm>>
        %dma_start3A_30 = tpu.memref_slice %arg5[%mul3A_26] : memref<320000xi32, #tpu.memory_space<hbm>> -> memref<512xi32, #tpu.memory_space<hbm>>
        tpu.enqueue_dma source(%dma_start3A_30 : memref<512xi32, #tpu.memory_space<hbm>>) target(%arg9 : memref<512xi32, #tpu.memory_space<vmem>>) target_semaphore(%arg15 : memref<!tpu.dma_semaphore, #tpu.memory_space<semaphore_mem>>)
        %dma_wait3A_31 = tpu.memref_slice %arg4[%mul3A_26] : memref<320000xi32, #tpu.memory_space<hbm>> -> memref<512xi32, #tpu.memory_space<hbm>>
        %dma_wait3A_32 = tpu.memref_slice %arg4[%mul3A_26] : memref<320000xi32, #tpu.memory_space<hbm>> -> memref<512xi32, #tpu.memory_space<hbm>>
        tpu.wait_dma2 semaphore(%arg15 : memref<!tpu.dma_semaphore, #tpu.memory_space<semaphore_mem>>) src(%dma_wait3A_32 : memref<512xi32, #tpu.memory_space<hbm>>) dst(%arg8 : memref<512xi32, #tpu.memory_space<vmem>>)
        %dma_wait3A_33 = tpu.memref_slice %arg5[%mul3A_26] : memref<320000xi32, #tpu.memory_space<hbm>> -> memref<512xi32, #tpu.memory_space<hbm>>
        %dma_wait3A_34 = tpu.memref_slice %arg5[%mul3A_26] : memref<320000xi32, #tpu.memory_space<hbm>> -> memref<512xi32, #tpu.memory_space<hbm>>
        tpu.wait_dma2 semaphore(%arg15 : memref<!tpu.dma_semaphore, #tpu.memory_space<semaphore_mem>>) src(%dma_wait3A_34 : memref<512xi32, #tpu.memory_space<hbm>>) dst(%arg9 : memref<512xi32, #tpu.memory_space<vmem>>)
        %dma_start3A_35 = arith.constant 0 : i32
        %dma_start3A_36 = arith.constant 0 : i32
        %dma_start3A_37 = arith.constant 0 : i32
        %dma_start3A_38 = tpu.memref_slice %arg10[%dma_start3A_35, %dma_start3A_36, %dma_start3A_37] : memref<4x128x64xf32, #tpu.memory_space<vmem>> -> memref<1x128x64xf32, #tpu.memory_space<vmem>>
        %dma_start3A_39 = tpu.memref_squeeze %dma_start3A_38 : memref<1x128x64xf32, #tpu.memory_space<vmem>> -> memref<128x64xf32, #tpu.memory_space<vmem>>
        %dma_start3A_40 = arith.constant 0 : i32
        %dma_start3A_41 = tpu.memref_slice %arg8[%dma_start3A_40] : memref<512xi32, #tpu.memory_space<vmem>> -> memref<128xi32, #tpu.memory_space<vmem>>
        %dma_start3A_42 = arith.constant 0 : i32
        %dma_start3A_43 = arith.constant 0 : i32
        %dma_start3A_44 = tpu.memref_slice %arg12[%dma_start3A_42, %dma_start3A_43] : memref<10000x64xf32, #tpu.memory_space<vmem_shared>> -> memref<10000x64xf32, #tpu.memory_space<vmem_shared>>
        tpu.enqueue_indirect_dma source(%dma_start3A_44 : memref<10000x64xf32, #tpu.memory_space<vmem_shared>>) target(%dma_start3A_39 : memref<128x64xf32, #tpu.memory_space<vmem>>) offsets(%dma_start3A_41 : memref<128xi32, #tpu.memory_space<vmem>>) semaphore(%arg13 : memref<!tpu.dma_semaphore, #tpu.memory_space<semaphore_mem>>)
        %dma_start3A_45 = arith.constant 0 : i32
        %dma_start3A_46 = arith.constant 0 : i32
        %dma_start3A_47 = arith.constant 0 : i32
        %dma_start3A_48 = tpu.memref_slice %arg11[%dma_start3A_45, %dma_start3A_46, %dma_start3A_47] : memref<4x128x64xf32, #tpu.memory_space<vmem>> -> memref<1x128x64xf32, #tpu.memory_space<vmem>>
        %dma_start3A_49 = tpu.memref_squeeze %dma_start3A_48 : memref<1x128x64xf32, #tpu.memory_space<vmem>> -> memref<128x64xf32, #tpu.memory_space<vmem>>
        %dma_start3A_50 = arith.constant 0 : i32
        %dma_start3A_51 = tpu.memref_slice %arg9[%dma_start3A_50] : memref<512xi32, #tpu.memory_space<vmem>> -> memref<128xi32, #tpu.memory_space<vmem>>
        %dma_start3A_52 = arith.constant 0 : i32
        %dma_start3A_53 = arith.constant 0 : i32
        %dma_start3A_54 = tpu.memref_slice %arg3[%dma_start3A_52, %dma_start3A_53] : memref<10000x64xf32, #tpu.memory_space<hbm>> -> memref<10000x64xf32, #tpu.memory_space<hbm>>
        tpu.enqueue_indirect_dma source(%dma_start3A_54 : memref<10000x64xf32, #tpu.memory_space<hbm>>) target(%dma_start3A_49 : memref<128x64xf32, #tpu.memory_space<vmem>>) offsets(%dma_start3A_51 : memref<128xi32, #tpu.memory_space<vmem>>) semaphore(%arg14 : memref<!tpu.dma_semaphore, #tpu.memory_space<semaphore_mem>>)
        %dma_start3A_55 = arith.constant 1 : i32
        %dma_start3A_56 = arith.constant 0 : i32
        %dma_start3A_57 = arith.constant 0 : i32
        %dma_start3A_58 = tpu.memref_slice %arg10[%dma_start3A_55, %dma_start3A_56, %dma_start3A_57] : memref<4x128x64xf32, #tpu.memory_space<vmem>> -> memref<1x128x64xf32, #tpu.memory_space<vmem>>
        %dma_start3A_59 = tpu.memref_squeeze %dma_start3A_58 : memref<1x128x64xf32, #tpu.memory_space<vmem>> -> memref<128x64xf32, #tpu.memory_space<vmem>>
        %dma_start3A_60 = arith.constant 128 : i32
        %dma_start3A_61 = tpu.memref_slice %arg8[%dma_start3A_60] : memref<512xi32, #tpu.memory_space<vmem>> -> memref<128xi32, #tpu.memory_space<vmem>>
        %dma_start3A_62 = arith.constant 0 : i32
        %dma_start3A_63 = arith.constant 0 : i32
        %dma_start3A_64 = tpu.memref_slice %arg12[%dma_start3A_62, %dma_start3A_63] : memref<10000x64xf32, #tpu.memory_space<vmem_shared>> -> memref<10000x64xf32, #tpu.memory_space<vmem_shared>>
        tpu.enqueue_indirect_dma source(%dma_start3A_64 : memref<10000x64xf32, #tpu.memory_space<vmem_shared>>) target(%dma_start3A_59 : memref<128x64xf32, #tpu.memory_space<vmem>>) offsets(%dma_start3A_61 : memref<128xi32, #tpu.memory_space<vmem>>) semaphore(%arg13 : memref<!tpu.dma_semaphore, #tpu.memory_space<semaphore_mem>>)
        %dma_start3A_65 = arith.constant 1 : i32
        %dma_start3A_66 = arith.constant 0 : i32
        %dma_start3A_67 = arith.constant 0 : i32
        %dma_start3A_68 = tpu.memref_slice %arg11[%dma_start3A_65, %dma_start3A_66, %dma_start3A_67] : memref<4x128x64xf32, #tpu.memory_space<vmem>> -> memref<1x128x64xf32, #tpu.memory_space<vmem>>
        %dma_start3A_69 = tpu.memref_squeeze %dma_start3A_68 : memref<1x128x64xf32, #tpu.memory_space<vmem>> -> memref<128x64xf32, #tpu.memory_space<vmem>>
        %dma_start3A_70 = arith.constant 128 : i32
        %dma_start3A_71 = tpu.memref_slice %arg9[%dma_start3A_70] : memref<512xi32, #tpu.memory_space<vmem>> -> memref<128xi32, #tpu.memory_space<vmem>>
        %dma_start3A_72 = arith.constant 0 : i32
        %dma_start3A_73 = arith.constant 0 : i32
        %dma_start3A_74 = tpu.memref_slice %arg3[%dma_start3A_72, %dma_start3A_73] : memref<10000x64xf32, #tpu.memory_space<hbm>> -> memref<10000x64xf32, #tpu.memory_space<hbm>>
        tpu.enqueue_indirect_dma source(%dma_start3A_74 : memref<10000x64xf32, #tpu.memory_space<hbm>>) target(%dma_start3A_69 : memref<128x64xf32, #tpu.memory_space<vmem>>) offsets(%dma_start3A_71 : memref<128xi32, #tpu.memory_space<vmem>>) semaphore(%arg14 : memref<!tpu.dma_semaphore, #tpu.memory_space<semaphore_mem>>)
        %dma_start3A_75 = arith.constant 2 : i32
        %dma_start3A_76 = arith.constant 0 : i32
        %dma_start3A_77 = arith.constant 0 : i32
        %dma_start3A_78 = tpu.memref_slice %arg10[%dma_start3A_75, %dma_start3A_76, %dma_start3A_77] : memref<4x128x64xf32, #tpu.memory_space<vmem>> -> memref<1x128x64xf32, #tpu.memory_space<vmem>>
        %dma_start3A_79 = tpu.memref_squeeze %dma_start3A_78 : memref<1x128x64xf32, #tpu.memory_space<vmem>> -> memref<128x64xf32, #tpu.memory_space<vmem>>
        %dma_start3A_80 = arith.constant 256 : i32
        %dma_start3A_81 = tpu.memref_slice %arg8[%dma_start3A_80] : memref<512xi32, #tpu.memory_space<vmem>> -> memref<128xi32, #tpu.memory_space<vmem>>
        %dma_start3A_82 = arith.constant 0 : i32
        %dma_start3A_83 = arith.constant 0 : i32
        %dma_start3A_84 = tpu.memref_slice %arg12[%dma_start3A_82, %dma_start3A_83] : memref<10000x64xf32, #tpu.memory_space<vmem_shared>> -> memref<10000x64xf32, #tpu.memory_space<vmem_shared>>
        tpu.enqueue_indirect_dma source(%dma_start3A_84 : memref<10000x64xf32, #tpu.memory_space<vmem_shared>>) target(%dma_start3A_79 : memref<128x64xf32, #tpu.memory_space<vmem>>) offsets(%dma_start3A_81 : memref<128xi32, #tpu.memory_space<vmem>>) semaphore(%arg13 : memref<!tpu.dma_semaphore, #tpu.memory_space<semaphore_mem>>)
        %dma_start3A_85 = arith.constant 2 : i32
        %dma_start3A_86 = arith.constant 0 : i32
        %dma_start3A_87 = arith.constant 0 : i32
        %dma_start3A_88 = tpu.memref_slice %arg11[%dma_start3A_85, %dma_start3A_86, %dma_start3A_87] : memref<4x128x64xf32, #tpu.memory_space<vmem>> -> memref<1x128x64xf32, #tpu.memory_space<vmem>>
        %dma_start3A_89 = tpu.memref_squeeze %dma_start3A_88 : memref<1x128x64xf32, #tpu.memory_space<vmem>> -> memref<128x64xf32, #tpu.memory_space<vmem>>
        %dma_start3A_90 = arith.constant 256 : i32
        %dma_start3A_91 = tpu.memref_slice %arg9[%dma_start3A_90] : memref<512xi32, #tpu.memory_space<vmem>> -> memref<128xi32, #tpu.memory_space<vmem>>
        %dma_start3A_92 = arith.constant 0 : i32
        %dma_start3A_93 = arith.constant 0 : i32
        %dma_start3A_94 = tpu.memref_slice %arg3[%dma_start3A_92, %dma_start3A_93] : memref<10000x64xf32, #tpu.memory_space<hbm>> -> memref<10000x64xf32, #tpu.memory_space<hbm>>
        tpu.enqueue_indirect_dma source(%dma_start3A_94 : memref<10000x64xf32, #tpu.memory_space<hbm>>) target(%dma_start3A_89 : memref<128x64xf32, #tpu.memory_space<vmem>>) offsets(%dma_start3A_91 : memref<128xi32, #tpu.memory_space<vmem>>) semaphore(%arg14 : memref<!tpu.dma_semaphore, #tpu.memory_space<semaphore_mem>>)
        %dma_start3A_95 = arith.constant 3 : i32
        %dma_start3A_96 = arith.constant 0 : i32
        %dma_start3A_97 = arith.constant 0 : i32
        %dma_start3A_98 = tpu.memref_slice %arg10[%dma_start3A_95, %dma_start3A_96, %dma_start3A_97] : memref<4x128x64xf32, #tpu.memory_space<vmem>> -> memref<1x128x64xf32, #tpu.memory_space<vmem>>
        %dma_start3A_99 = tpu.memref_squeeze %dma_start3A_98 : memref<1x128x64xf32, #tpu.memory_space<vmem>> -> memref<128x64xf32, #tpu.memory_space<vmem>>
        %dma_start3A_100 = arith.constant 384 : i32
        %dma_start3A_101 = tpu.memref_slice %arg8[%dma_start3A_100] : memref<512xi32, #tpu.memory_space<vmem>> -> memref<128xi32, #tpu.memory_space<vmem>>
        %dma_start3A_102 = arith.constant 0 : i32
        %dma_start3A_103 = arith.constant 0 : i32
        %dma_start3A_104 = tpu.memref_slice %arg12[%dma_start3A_102, %dma_start3A_103] : memref<10000x64xf32, #tpu.memory_space<vmem_shared>> -> memref<10000x64xf32, #tpu.memory_space<vmem_shared>>
        tpu.enqueue_indirect_dma source(%dma_start3A_104 : memref<10000x64xf32, #tpu.memory_space<vmem_shared>>) target(%dma_start3A_99 : memref<128x64xf32, #tpu.memory_space<vmem>>) offsets(%dma_start3A_101 : memref<128xi32, #tpu.memory_space<vmem>>) semaphore(%arg13 : memref<!tpu.dma_semaphore, #tpu.memory_space<semaphore_mem>>)
        %dma_start3A_105 = arith.constant 3 : i32
        %dma_start3A_106 = arith.constant 0 : i32
        %dma_start3A_107 = arith.constant 0 : i32
        %dma_start3A_108 = tpu.memref_slice %arg11[%dma_start3A_105, %dma_start3A_106, %dma_start3A_107] : memref<4x128x64xf32, #tpu.memory_space<vmem>> -> memref<1x128x64xf32, #tpu.memory_space<vmem>>
        %dma_start3A_109 = tpu.memref_squeeze %dma_start3A_108 : memref<1x128x64xf32, #tpu.memory_space<vmem>> -> memref<128x64xf32, #tpu.memory_space<vmem>>
        %dma_start3A_110 = arith.constant 384 : i32
        %dma_start3A_111 = tpu.memref_slice %arg9[%dma_start3A_110] : memref<512xi32, #tpu.memory_space<vmem>> -> memref<128xi32, #tpu.memory_space<vmem>>
        %dma_start3A_112 = arith.constant 0 : i32
        %dma_start3A_113 = arith.constant 0 : i32
        %dma_start3A_114 = tpu.memref_slice %arg3[%dma_start3A_112, %dma_start3A_113] : memref<10000x64xf32, #tpu.memory_space<hbm>> -> memref<10000x64xf32, #tpu.memory_space<hbm>>
        tpu.enqueue_indirect_dma source(%dma_start3A_114 : memref<10000x64xf32, #tpu.memory_space<hbm>>) target(%dma_start3A_109 : memref<128x64xf32, #tpu.memory_space<vmem>>) offsets(%dma_start3A_111 : memref<128xi32, #tpu.memory_space<vmem>>) semaphore(%arg14 : memref<!tpu.dma_semaphore, #tpu.memory_space<semaphore_mem>>)
        %dma_wait3A_115 = arith.constant 0 : i32
        %dma_wait3A_116 = arith.constant 0 : i32
        %dma_wait3A_117 = arith.constant 0 : i32
        %dma_wait3A_118 = tpu.memref_slice %arg10[%dma_wait3A_115, %dma_wait3A_116, %dma_wait3A_117] : memref<4x128x64xf32, #tpu.memory_space<vmem>> -> memref<1x128x64xf32, #tpu.memory_space<vmem>>
        %dma_wait3A_119 = tpu.memref_squeeze %dma_wait3A_118 : memref<1x128x64xf32, #tpu.memory_space<vmem>> -> memref<128x64xf32, #tpu.memory_space<vmem>>
        %dma_wait3A_120 = arith.constant 0 : i32
        %dma_wait3A_121 = tpu.memref_slice %arg8[%dma_wait3A_120] : memref<512xi32, #tpu.memory_space<vmem>> -> memref<128xi32, #tpu.memory_space<vmem>>
        %dma_wait3A_122 = arith.constant 0 : i32
        %dma_wait3A_123 = arith.constant 0 : i32
        %dma_wait3A_124 = tpu.memref_slice %arg12[%dma_wait3A_122, %dma_wait3A_123] : memref<10000x64xf32, #tpu.memory_space<vmem_shared>> -> memref<10000x64xf32, #tpu.memory_space<vmem_shared>>
        tpu.wait_indirect_dma semaphore(%arg13 : memref<!tpu.dma_semaphore, #tpu.memory_space<semaphore_mem>>) src(%dma_wait3A_124 : memref<10000x64xf32, #tpu.memory_space<vmem_shared>>) dst(%dma_wait3A_119 : memref<128x64xf32, #tpu.memory_space<vmem>>)
        %dma_wait3A_125 = arith.constant 0 : i32
        %dma_wait3A_126 = arith.constant 0 : i32
        %dma_wait3A_127 = arith.constant 0 : i32
        %dma_wait3A_128 = tpu.memref_slice %arg11[%dma_wait3A_125, %dma_wait3A_126, %dma_wait3A_127] : memref<4x128x64xf32, #tpu.memory_space<vmem>> -> memref<1x128x64xf32, #tpu.memory_space<vmem>>
        %dma_wait3A_129 = tpu.memref_squeeze %dma_wait3A_128 : memref<1x128x64xf32, #tpu.memory_space<vmem>> -> memref<128x64xf32, #tpu.memory_space<vmem>>
        %dma_wait3A_130 = arith.constant 0 : i32
        %dma_wait3A_131 = tpu.memref_slice %arg9[%dma_wait3A_130] : memref<512xi32, #tpu.memory_space<vmem>> -> memref<128xi32, #tpu.memory_space<vmem>>
        %dma_wait3A_132 = arith.constant 0 : i32
        %dma_wait3A_133 = arith.constant 0 : i32
        %dma_wait3A_134 = tpu.memref_slice %arg3[%dma_wait3A_132, %dma_wait3A_133] : memref<10000x64xf32, #tpu.memory_space<hbm>> -> memref<10000x64xf32, #tpu.memory_space<hbm>>
        tpu.wait_indirect_dma semaphore(%arg14 : memref<!tpu.dma_semaphore, #tpu.memory_space<semaphore_mem>>) src(%dma_wait3A_134 : memref<10000x64xf32, #tpu.memory_space<hbm>>) dst(%dma_wait3A_129 : memref<128x64xf32, #tpu.memory_space<vmem>>)
        %dma_wait3A_135 = arith.constant 1 : i32
        %dma_wait3A_136 = arith.constant 0 : i32
        %dma_wait3A_137 = arith.constant 0 : i32
        %dma_wait3A_138 = tpu.memref_slice %arg10[%dma_wait3A_135, %dma_wait3A_136, %dma_wait3A_137] : memref<4x128x64xf32, #tpu.memory_space<vmem>> -> memref<1x128x64xf32, #tpu.memory_space<vmem>>
        %dma_wait3A_139 = tpu.memref_squeeze %dma_wait3A_138 : memref<1x128x64xf32, #tpu.memory_space<vmem>> -> memref<128x64xf32, #tpu.memory_space<vmem>>
        %dma_wait3A_140 = arith.constant 128 : i32
        %dma_wait3A_141 = tpu.memref_slice %arg8[%dma_wait3A_140] : memref<512xi32, #tpu.memory_space<vmem>> -> memref<128xi32, #tpu.memory_space<vmem>>
        %dma_wait3A_142 = arith.constant 0 : i32
        %dma_wait3A_143 = arith.constant 0 : i32
        %dma_wait3A_144 = tpu.memref_slice %arg12[%dma_wait3A_142, %dma_wait3A_143] : memref<10000x64xf32, #tpu.memory_space<vmem_shared>> -> memref<10000x64xf32, #tpu.memory_space<vmem_shared>>
        tpu.wait_indirect_dma semaphore(%arg13 : memref<!tpu.dma_semaphore, #tpu.memory_space<semaphore_mem>>) src(%dma_wait3A_144 : memref<10000x64xf32, #tpu.memory_space<vmem_shared>>) dst(%dma_wait3A_139 : memref<128x64xf32, #tpu.memory_space<vmem>>)
        %dma_wait3A_145 = arith.constant 1 : i32
        %dma_wait3A_146 = arith.constant 0 : i32
        %dma_wait3A_147 = arith.constant 0 : i32
        %dma_wait3A_148 = tpu.memref_slice %arg11[%dma_wait3A_145, %dma_wait3A_146, %dma_wait3A_147] : memref<4x128x64xf32, #tpu.memory_space<vmem>> -> memref<1x128x64xf32, #tpu.memory_space<vmem>>
        %dma_wait3A_149 = tpu.memref_squeeze %dma_wait3A_148 : memref<1x128x64xf32, #tpu.memory_space<vmem>> -> memref<128x64xf32, #tpu.memory_space<vmem>>
        %dma_wait3A_150 = arith.constant 128 : i32
        %dma_wait3A_151 = tpu.memref_slice %arg9[%dma_wait3A_150] : memref<512xi32, #tpu.memory_space<vmem>> -> memref<128xi32, #tpu.memory_space<vmem>>
        %dma_wait3A_152 = arith.constant 0 : i32
        %dma_wait3A_153 = arith.constant 0 : i32
        %dma_wait3A_154 = tpu.memref_slice %arg3[%dma_wait3A_152, %dma_wait3A_153] : memref<10000x64xf32, #tpu.memory_space<hbm>> -> memref<10000x64xf32, #tpu.memory_space<hbm>>
        tpu.wait_indirect_dma semaphore(%arg14 : memref<!tpu.dma_semaphore, #tpu.memory_space<semaphore_mem>>) src(%dma_wait3A_154 : memref<10000x64xf32, #tpu.memory_space<hbm>>) dst(%dma_wait3A_149 : memref<128x64xf32, #tpu.memory_space<vmem>>)
        %dma_wait3A_155 = arith.constant 2 : i32
        %dma_wait3A_156 = arith.constant 0 : i32
        %dma_wait3A_157 = arith.constant 0 : i32
        %dma_wait3A_158 = tpu.memref_slice %arg10[%dma_wait3A_155, %dma_wait3A_156, %dma_wait3A_157] : memref<4x128x64xf32, #tpu.memory_space<vmem>> -> memref<1x128x64xf32, #tpu.memory_space<vmem>>
        %dma_wait3A_159 = tpu.memref_squeeze %dma_wait3A_158 : memref<1x128x64xf32, #tpu.memory_space<vmem>> -> memref<128x64xf32, #tpu.memory_space<vmem>>
        %dma_wait3A_160 = arith.constant 256 : i32
        %dma_wait3A_161 = tpu.memref_slice %arg8[%dma_wait3A_160] : memref<512xi32, #tpu.memory_space<vmem>> -> memref<128xi32, #tpu.memory_space<vmem>>
        %dma_wait3A_162 = arith.constant 0 : i32
        %dma_wait3A_163 = arith.constant 0 : i32
        %dma_wait3A_164 = tpu.memref_slice %arg12[%dma_wait3A_162, %dma_wait3A_163] : memref<10000x64xf32, #tpu.memory_space<vmem_shared>> -> memref<10000x64xf32, #tpu.memory_space<vmem_shared>>
        tpu.wait_indirect_dma semaphore(%arg13 : memref<!tpu.dma_semaphore, #tpu.memory_space<semaphore_mem>>) src(%dma_wait3A_164 : memref<10000x64xf32, #tpu.memory_space<vmem_shared>>) dst(%dma_wait3A_159 : memref<128x64xf32, #tpu.memory_space<vmem>>)
        %dma_wait3A_165 = arith.constant 2 : i32
        %dma_wait3A_166 = arith.constant 0 : i32
        %dma_wait3A_167 = arith.constant 0 : i32
        %dma_wait3A_168 = tpu.memref_slice %arg11[%dma_wait3A_165, %dma_wait3A_166, %dma_wait3A_167] : memref<4x128x64xf32, #tpu.memory_space<vmem>> -> memref<1x128x64xf32, #tpu.memory_space<vmem>>
        %dma_wait3A_169 = tpu.memref_squeeze %dma_wait3A_168 : memref<1x128x64xf32, #tpu.memory_space<vmem>> -> memref<128x64xf32, #tpu.memory_space<vmem>>
        %dma_wait3A_170 = arith.constant 256 : i32
        %dma_wait3A_171 = tpu.memref_slice %arg9[%dma_wait3A_170] : memref<512xi32, #tpu.memory_space<vmem>> -> memref<128xi32, #tpu.memory_space<vmem>>
        %dma_wait3A_172 = arith.constant 0 : i32
        %dma_wait3A_173 = arith.constant 0 : i32
        %dma_wait3A_174 = tpu.memref_slice %arg3[%dma_wait3A_172, %dma_wait3A_173] : memref<10000x64xf32, #tpu.memory_space<hbm>> -> memref<10000x64xf32, #tpu.memory_space<hbm>>
        tpu.wait_indirect_dma semaphore(%arg14 : memref<!tpu.dma_semaphore, #tpu.memory_space<semaphore_mem>>) src(%dma_wait3A_174 : memref<10000x64xf32, #tpu.memory_space<hbm>>) dst(%dma_wait3A_169 : memref<128x64xf32, #tpu.memory_space<vmem>>)
        %dma_wait3A_175 = arith.constant 3 : i32
        %dma_wait3A_176 = arith.constant 0 : i32
        %dma_wait3A_177 = arith.constant 0 : i32
        %dma_wait3A_178 = tpu.memref_slice %arg10[%dma_wait3A_175, %dma_wait3A_176, %dma_wait3A_177] : memref<4x128x64xf32, #tpu.memory_space<vmem>> -> memref<1x128x64xf32, #tpu.memory_space<vmem>>
        %dma_wait3A_179 = tpu.memref_squeeze %dma_wait3A_178 : memref<1x128x64xf32, #tpu.memory_space<vmem>> -> memref<128x64xf32, #tpu.memory_space<vmem>>
        %dma_wait3A_180 = arith.constant 384 : i32
        %dma_wait3A_181 = tpu.memref_slice %arg8[%dma_wait3A_180] : memref<512xi32, #tpu.memory_space<vmem>> -> memref<128xi32, #tpu.memory_space<vmem>>
        %dma_wait3A_182 = arith.constant 0 : i32
        %dma_wait3A_183 = arith.constant 0 : i32
        %dma_wait3A_184 = tpu.memref_slice %arg12[%dma_wait3A_182, %dma_wait3A_183] : memref<10000x64xf32, #tpu.memory_space<vmem_shared>> -> memref<10000x64xf32, #tpu.memory_space<vmem_shared>>
        tpu.wait_indirect_dma semaphore(%arg13 : memref<!tpu.dma_semaphore, #tpu.memory_space<semaphore_mem>>) src(%dma_wait3A_184 : memref<10000x64xf32, #tpu.memory_space<vmem_shared>>) dst(%dma_wait3A_179 : memref<128x64xf32, #tpu.memory_space<vmem>>)
        %dma_wait3A_185 = arith.constant 3 : i32
        %dma_wait3A_186 = arith.constant 0 : i32
        %dma_wait3A_187 = arith.constant 0 : i32
        %dma_wait3A_188 = tpu.memref_slice %arg11[%dma_wait3A_185, %dma_wait3A_186, %dma_wait3A_187] : memref<4x128x64xf32, #tpu.memory_space<vmem>> -> memref<1x128x64xf32, #tpu.memory_space<vmem>>
        %dma_wait3A_189 = tpu.memref_squeeze %dma_wait3A_188 : memref<1x128x64xf32, #tpu.memory_space<vmem>> -> memref<128x64xf32, #tpu.memory_space<vmem>>
        %dma_wait3A_190 = arith.constant 384 : i32
        %dma_wait3A_191 = tpu.memref_slice %arg9[%dma_wait3A_190] : memref<512xi32, #tpu.memory_space<vmem>> -> memref<128xi32, #tpu.memory_space<vmem>>
        %dma_wait3A_192 = arith.constant 0 : i32
        %dma_wait3A_193 = arith.constant 0 : i32
        %dma_wait3A_194 = tpu.memref_slice %arg3[%dma_wait3A_192, %dma_wait3A_193] : memref<10000x64xf32, #tpu.memory_space<hbm>> -> memref<10000x64xf32, #tpu.memory_space<hbm>>
        tpu.wait_indirect_dma semaphore(%arg14 : memref<!tpu.dma_semaphore, #tpu.memory_space<semaphore_mem>>) src(%dma_wait3A_194 : memref<10000x64xf32, #tpu.memory_space<hbm>>) dst(%dma_wait3A_189 : memref<128x64xf32, #tpu.memory_space<vmem>>)
        %mul3A_195 = arith.constant 4 : i32
        %mul3A_196 = arith.muli %add3A_21, %mul3A_195 : i32
        %dma_start3A_197 = arith.constant 0 : i32
        %dma_start3A_198 = arith.constant 0 : i32
        %dma_start3A_199 = tpu.memref_slice %arg6[%mul3A_196, %dma_start3A_197, %dma_start3A_198] : memref<2500x128x64xf32, #tpu.memory_space<hbm>> -> memref<4x128x64xf32, #tpu.memory_space<hbm>>
        %dma_start3A_200 = arith.constant 0 : i32
        %dma_start3A_201 = arith.constant 0 : i32
        %dma_start3A_202 = tpu.memref_slice %arg6[%mul3A_196, %dma_start3A_200, %dma_start3A_201] : memref<2500x128x64xf32, #tpu.memory_space<hbm>> -> memref<4x128x64xf32, #tpu.memory_space<hbm>>
        tpu.enqueue_dma source(%arg10 : memref<4x128x64xf32, #tpu.memory_space<vmem>>) target(%dma_start3A_202 : memref<4x128x64xf32, #tpu.memory_space<hbm>>) target_semaphore(%arg13 : memref<!tpu.dma_semaphore, #tpu.memory_space<semaphore_mem>>)
        %mul3A_203 = arith.constant 4 : i32
        %mul3A_204 = arith.muli %add3A_21, %mul3A_203 : i32
        %dma_start3A_205 = arith.constant 0 : i32
        %dma_start3A_206 = arith.constant 0 : i32
        %dma_start3A_207 = tpu.memref_slice %arg7[%mul3A_204, %dma_start3A_205, %dma_start3A_206] : memref<2500x128x64xf32, #tpu.memory_space<hbm>> -> memref<4x128x64xf32, #tpu.memory_space<hbm>>
        %dma_start3A_208 = arith.constant 0 : i32
        %dma_start3A_209 = arith.constant 0 : i32
        %dma_start3A_210 = tpu.memref_slice %arg7[%mul3A_204, %dma_start3A_208, %dma_start3A_209] : memref<2500x128x64xf32, #tpu.memory_space<hbm>> -> memref<4x128x64xf32, #tpu.memory_space<hbm>>
        tpu.enqueue_dma source(%arg11 : memref<4x128x64xf32, #tpu.memory_space<vmem>>) target(%dma_start3A_210 : memref<4x128x64xf32, #tpu.memory_space<hbm>>) target_semaphore(%arg14 : memref<!tpu.dma_semaphore, #tpu.memory_space<semaphore_mem>>)
        %dma_wait3A_211 = arith.constant 0 : i32
        %dma_wait3A_212 = arith.constant 0 : i32
        %dma_wait3A_213 = tpu.memref_slice %arg6[%mul3A_196, %dma_wait3A_211, %dma_wait3A_212] : memref<2500x128x64xf32, #tpu.memory_space<hbm>> -> memref<4x128x64xf32, #tpu.memory_space<hbm>>
        %dma_wait3A_214 = arith.constant 0 : i32
        %dma_wait3A_215 = arith.constant 0 : i32
        %dma_wait3A_216 = tpu.memref_slice %arg6[%mul3A_196, %dma_wait3A_214, %dma_wait3A_215] : memref<2500x128x64xf32, #tpu.memory_space<hbm>> -> memref<4x128x64xf32, #tpu.memory_space<hbm>>
        tpu.wait_dma2 semaphore(%arg13 : memref<!tpu.dma_semaphore, #tpu.memory_space<semaphore_mem>>) src(%arg10 : memref<4x128x64xf32, #tpu.memory_space<vmem>>) dst(%dma_wait3A_216 : memref<4x128x64xf32, #tpu.memory_space<hbm>>)
        %dma_wait3A_217 = arith.constant 0 : i32
        %dma_wait3A_218 = arith.constant 0 : i32
        %dma_wait3A_219 = tpu.memref_slice %arg7[%mul3A_204, %dma_wait3A_217, %dma_wait3A_218] : memref<2500x128x64xf32, #tpu.memory_space<hbm>> -> memref<4x128x64xf32, #tpu.memory_space<hbm>>
        %dma_wait3A_220 = arith.constant 0 : i32
        %dma_wait3A_221 = arith.constant 0 : i32
        %dma_wait3A_222 = tpu.memref_slice %arg7[%mul3A_204, %dma_wait3A_220, %dma_wait3A_221] : memref<2500x128x64xf32, #tpu.memory_space<hbm>> -> memref<4x128x64xf32, #tpu.memory_space<hbm>>
        tpu.wait_dma2 semaphore(%arg14 : memref<!tpu.dma_semaphore, #tpu.memory_space<semaphore_mem>>) src(%arg11 : memref<4x128x64xf32, #tpu.memory_space<vmem>>) dst(%dma_wait3A_222 : memref<4x128x64xf32, #tpu.memory_space<hbm>>)
      } else {
      }
      %scan3A_24 = arith.constant 0 : i32
      scf.yield %scan3A_24 : i32
    }
    %scan3A_16 = arith.constant 20 : i32
    return
  }
}

#map = affine_map<(d0, d1) -> (0, 0, 0)>
#map1 = affine_map<(d0, d1) -> (0)>
#map2 = affine_map<(d0, d1) -> (0, 0)>
#map3 = affine_map<(d0, d1) -> (0, 0, 0, 0)>
module attributes {stable_mosaic.version = 14 : i64} {
  func.func @_sc_scatter_body(%arg0: i32, %arg1: i32, %arg2: memref<2500x128x64xf32, #tpu.memory_space<hbm>>, %arg3: memref<320000xi32, #tpu.memory_space<hbm>>, %arg4: memref<10000x64xf32, #tpu.memory_space<hbm>>, %arg5: memref<2x16x625x64xf32, #tpu.memory_space<hbm>>, %arg6: memref<128xi32, #tpu.memory_space<vmem>>, %arg7: memref<128x64xf32, #tpu.memory_space<vmem>>, %arg8: memref<10000x64xf32, #tpu.memory_space<vmem_shared>>, %arg9: memref<!tpu.dma_semaphore, #tpu.memory_space<semaphore_mem>>) attributes {dimension_semantics = [#tpu.dimension_semantics<core_parallel>, #tpu.dimension_semantics<subcore_parallel>], iteration_bounds = array<i64: 2, 16>, scalar_prefetch = 0 : i64, scratch_operands = 4 : i64, tpu.core_type = #tpu.core_type<sc_vector_subcore>, window_params = [{transform_indices = #map}, {transform_indices = #map1}, {transform_indices = #map2}, {transform_indices = #map3}]} {
    %mul3A = arith.constant 16 : i32
    %mul3A_0 = arith.muli %arg0, %mul3A : i32
    %add3A = arith.addi %mul3A_0, %arg1 : i32
    %mul3A_1 = arith.constant 625 : i32
    %mul3A_2 = arith.muli %arg1, %mul3A_1 : i32
    %mul3A_3 = arith.constant 625 : i32
    %mul3A_4 = arith.muli %arg1, %mul3A_3 : i32
    "tpu.region"() ({
      %run_scoped3A = tpu.sem_alloc : memref<!tpu.dma_semaphore, #tpu.memory_space<semaphore_mem>>
      %dma_start3A = arith.constant 0 : i32
      %dma_start3A_14 = tpu.memref_slice %arg8[%mul3A_4, %dma_start3A] : memref<10000x64xf32, #tpu.memory_space<vmem_shared>> -> memref<625x64xf32, #tpu.memory_space<vmem_shared>>
      %dma_start3A_15 = arith.constant 0 : i32
      %dma_start3A_16 = tpu.memref_slice %arg4[%mul3A_2, %dma_start3A_15] : memref<10000x64xf32, #tpu.memory_space<hbm>> -> memref<625x64xf32, #tpu.memory_space<hbm>>
      tpu.enqueue_dma source(%dma_start3A_16 : memref<625x64xf32, #tpu.memory_space<hbm>>) target(%dma_start3A_14 : memref<625x64xf32, #tpu.memory_space<vmem_shared>>) target_semaphore(%run_scoped3A : memref<!tpu.dma_semaphore, #tpu.memory_space<semaphore_mem>>)
      %dma_wait3A = arith.constant 0 : i32
      %dma_wait3A_17 = tpu.memref_slice %arg8[%mul3A_4, %dma_wait3A] : memref<10000x64xf32, #tpu.memory_space<vmem_shared>> -> memref<625x64xf32, #tpu.memory_space<vmem_shared>>
      %dma_wait3A_18 = arith.constant 0 : i32
      %dma_wait3A_19 = tpu.memref_slice %arg4[%mul3A_2, %dma_wait3A_18] : memref<10000x64xf32, #tpu.memory_space<hbm>> -> memref<625x64xf32, #tpu.memory_space<hbm>>
      tpu.wait_dma2 semaphore(%run_scoped3A : memref<!tpu.dma_semaphore, #tpu.memory_space<semaphore_mem>>) src(%dma_wait3A_19 : memref<625x64xf32, #tpu.memory_space<hbm>>) dst(%dma_wait3A_17 : memref<625x64xf32, #tpu.memory_space<vmem_shared>>)
      tpu.yield
    }) : () -> ()
    %barrier3A = arith.constant 0 : index
    tpu.barrier barrier_id(%barrier3A)
    %scan3A = arith.constant 0 : i32
    %scan3A_5 = arith.constant 0 : i32
    %scan3A_6 = arith.constant 79 : i32
    %scan3A_7 = arith.addi %scan3A_5, %scan3A_6 : i32
    %scan3A_8 = arith.constant 1 : i32
    %scan3A_9 = scf.for %scan3A_14 = %scan3A_5 to %scan3A_7 step %scan3A_8 iter_args(%scan3A_15 = %scan3A) -> (i32)  : i32 {
      %mul3A_16 = arith.constant 32 : i32
      %mul3A_17 = arith.muli %scan3A_14, %mul3A_16 : i32
      %add3A_18 = arith.addi %add3A, %mul3A_17 : i32
      %lt3A = arith.constant 2500 : i32
      %lt3A_19 = arith.cmpi slt, %add3A_18, %lt3A : i32
      %convert_element_type3A = arith.extui %lt3A_19 : i1 to i32
      %cond3A = arith.constant 0 : i32
      %cond3A_20 = arith.cmpi ne, %convert_element_type3A, %cond3A : i32
      scf.if %cond3A_20 {
        %mul3A_22 = arith.constant 128 : i32
        %mul3A_23 = arith.muli %add3A_18, %mul3A_22 : i32
        %dma_start3A = tpu.memref_slice %arg3[%mul3A_23] : memref<320000xi32, #tpu.memory_space<hbm>> -> memref<128xi32, #tpu.memory_space<hbm>>
        %dma_start3A_24 = tpu.memref_slice %arg3[%mul3A_23] : memref<320000xi32, #tpu.memory_space<hbm>> -> memref<128xi32, #tpu.memory_space<hbm>>
        tpu.enqueue_dma source(%dma_start3A_24 : memref<128xi32, #tpu.memory_space<hbm>>) target(%arg6 : memref<128xi32, #tpu.memory_space<vmem>>) target_semaphore(%arg9 : memref<!tpu.dma_semaphore, #tpu.memory_space<semaphore_mem>>)
        %dma_start3A_25 = arith.constant 0 : i32
        %dma_start3A_26 = arith.constant 0 : i32
        %dma_start3A_27 = tpu.memref_slice %arg2[%add3A_18, %dma_start3A_25, %dma_start3A_26] : memref<2500x128x64xf32, #tpu.memory_space<hbm>> -> memref<1x128x64xf32, #tpu.memory_space<hbm>>
        %dma_start3A_28 = tpu.memref_squeeze %dma_start3A_27 : memref<1x128x64xf32, #tpu.memory_space<hbm>> -> memref<128x64xf32, #tpu.memory_space<hbm>>
        %dma_start3A_29 = arith.constant 0 : i32
        %dma_start3A_30 = arith.constant 0 : i32
        %dma_start3A_31 = tpu.memref_slice %arg2[%add3A_18, %dma_start3A_29, %dma_start3A_30] : memref<2500x128x64xf32, #tpu.memory_space<hbm>> -> memref<1x128x64xf32, #tpu.memory_space<hbm>>
        %dma_start3A_32 = tpu.memref_squeeze %dma_start3A_31 : memref<1x128x64xf32, #tpu.memory_space<hbm>> -> memref<128x64xf32, #tpu.memory_space<hbm>>
        tpu.enqueue_dma source(%dma_start3A_32 : memref<128x64xf32, #tpu.memory_space<hbm>>) target(%arg7 : memref<128x64xf32, #tpu.memory_space<vmem>>) target_semaphore(%arg9 : memref<!tpu.dma_semaphore, #tpu.memory_space<semaphore_mem>>)
        %dma_wait3A = tpu.memref_slice %arg3[%mul3A_23] : memref<320000xi32, #tpu.memory_space<hbm>> -> memref<128xi32, #tpu.memory_space<hbm>>
        %dma_wait3A_33 = tpu.memref_slice %arg3[%mul3A_23] : memref<320000xi32, #tpu.memory_space<hbm>> -> memref<128xi32, #tpu.memory_space<hbm>>
        tpu.wait_dma2 semaphore(%arg9 : memref<!tpu.dma_semaphore, #tpu.memory_space<semaphore_mem>>) src(%dma_wait3A_33 : memref<128xi32, #tpu.memory_space<hbm>>) dst(%arg6 : memref<128xi32, #tpu.memory_space<vmem>>)
        %dma_wait3A_34 = arith.constant 0 : i32
        %dma_wait3A_35 = arith.constant 0 : i32
        %dma_wait3A_36 = tpu.memref_slice %arg2[%add3A_18, %dma_wait3A_34, %dma_wait3A_35] : memref<2500x128x64xf32, #tpu.memory_space<hbm>> -> memref<1x128x64xf32, #tpu.memory_space<hbm>>
        %dma_wait3A_37 = tpu.memref_squeeze %dma_wait3A_36 : memref<1x128x64xf32, #tpu.memory_space<hbm>> -> memref<128x64xf32, #tpu.memory_space<hbm>>
        %dma_wait3A_38 = arith.constant 0 : i32
        %dma_wait3A_39 = arith.constant 0 : i32
        %dma_wait3A_40 = tpu.memref_slice %arg2[%add3A_18, %dma_wait3A_38, %dma_wait3A_39] : memref<2500x128x64xf32, #tpu.memory_space<hbm>> -> memref<1x128x64xf32, #tpu.memory_space<hbm>>
        %dma_wait3A_41 = tpu.memref_squeeze %dma_wait3A_40 : memref<1x128x64xf32, #tpu.memory_space<hbm>> -> memref<128x64xf32, #tpu.memory_space<hbm>>
        tpu.wait_dma2 semaphore(%arg9 : memref<!tpu.dma_semaphore, #tpu.memory_space<semaphore_mem>>) src(%dma_wait3A_41 : memref<128x64xf32, #tpu.memory_space<hbm>>) dst(%arg7 : memref<128x64xf32, #tpu.memory_space<vmem>>)
        "tpu.region"() ({
          %run_scoped3A = tpu.sem_alloc : memref<!tpu.dma_semaphore, #tpu.memory_space<semaphore_mem>>
          %dma_start3A_42 = arith.constant 0 : i32
          %dma_start3A_43 = arith.constant 0 : i32
          %dma_start3A_44 = tpu.memref_slice %arg8[%dma_start3A_42, %dma_start3A_43] : memref<10000x64xf32, #tpu.memory_space<vmem_shared>> -> memref<10000x64xf32, #tpu.memory_space<vmem_shared>>
          tpu.enqueue_indirect_dma source(%arg7 : memref<128x64xf32, #tpu.memory_space<vmem>>) target(%dma_start3A_44 : memref<10000x64xf32, #tpu.memory_space<vmem_shared>>) offsets(%arg6 : memref<128xi32, #tpu.memory_space<vmem>>) semaphore(%run_scoped3A : memref<!tpu.dma_semaphore, #tpu.memory_space<semaphore_mem>>) {add = true}
          %dma_wait3A_45 = arith.constant 0 : i32
          %dma_wait3A_46 = arith.constant 0 : i32
          %dma_wait3A_47 = tpu.memref_slice %arg8[%dma_wait3A_45, %dma_wait3A_46] : memref<10000x64xf32, #tpu.memory_space<vmem_shared>> -> memref<10000x64xf32, #tpu.memory_space<vmem_shared>>
          tpu.wait_indirect_dma semaphore(%run_scoped3A : memref<!tpu.dma_semaphore, #tpu.memory_space<semaphore_mem>>) src(%arg7 : memref<128x64xf32, #tpu.memory_space<vmem>>) dst(%dma_wait3A_47 : memref<10000x64xf32, #tpu.memory_space<vmem_shared>>)
          tpu.yield
        }) : () -> ()
      } else {
      }
      %scan3A_21 = arith.constant 0 : i32
      scf.yield %scan3A_21 : i32
    }
    %scan3A_10 = arith.constant 79 : i32
    %barrier3A_11 = arith.constant 0 : index
    tpu.barrier barrier_id(%barrier3A_11)
    %mul3A_12 = arith.constant 625 : i32
    %mul3A_13 = arith.muli %arg1, %mul3A_12 : i32
    "tpu.region"() ({
      %run_scoped3A = tpu.sem_alloc : memref<!tpu.dma_semaphore, #tpu.memory_space<semaphore_mem>>
      %dma_start3A = arith.constant 0 : i32
      %dma_start3A_14 = arith.constant 0 : i32
      %dma_start3A_15 = tpu.memref_slice %arg5[%arg0, %arg1, %dma_start3A, %dma_start3A_14] : memref<2x16x625x64xf32, #tpu.memory_space<hbm>> -> memref<1x1x625x64xf32, #tpu.memory_space<hbm>>
      %dma_start3A_16 = tpu.memref_squeeze %dma_start3A_15 : memref<1x1x625x64xf32, #tpu.memory_space<hbm>> -> memref<625x64xf32, #tpu.memory_space<hbm>>
      %dma_start3A_17 = arith.constant 0 : i32
      %dma_start3A_18 = tpu.memref_slice %arg8[%mul3A_13, %dma_start3A_17] : memref<10000x64xf32, #tpu.memory_space<vmem_shared>> -> memref<625x64xf32, #tpu.memory_space<vmem_shared>>
      tpu.enqueue_dma source(%dma_start3A_18 : memref<625x64xf32, #tpu.memory_space<vmem_shared>>) target(%dma_start3A_16 : memref<625x64xf32, #tpu.memory_space<hbm>>) target_semaphore(%run_scoped3A : memref<!tpu.dma_semaphore, #tpu.memory_space<semaphore_mem>>)
      %dma_wait3A = arith.constant 0 : i32
      %dma_wait3A_19 = arith.constant 0 : i32
      %dma_wait3A_20 = tpu.memref_slice %arg5[%arg0, %arg1, %dma_wait3A, %dma_wait3A_19] : memref<2x16x625x64xf32, #tpu.memory_space<hbm>> -> memref<1x1x625x64xf32, #tpu.memory_space<hbm>>
      %dma_wait3A_21 = tpu.memref_squeeze %dma_wait3A_20 : memref<1x1x625x64xf32, #tpu.memory_space<hbm>> -> memref<625x64xf32, #tpu.memory_space<hbm>>
      %dma_wait3A_22 = arith.constant 0 : i32
      %dma_wait3A_23 = tpu.memref_slice %arg8[%mul3A_13, %dma_wait3A_22] : memref<10000x64xf32, #tpu.memory_space<vmem_shared>> -> memref<625x64xf32, #tpu.memory_space<vmem_shared>>
      tpu.wait_dma2 semaphore(%run_scoped3A : memref<!tpu.dma_semaphore, #tpu.memory_space<semaphore_mem>>) src(%dma_wait3A_23 : memref<625x64xf32, #tpu.memory_space<vmem_shared>>) dst(%dma_wait3A_21 : memref<625x64xf32, #tpu.memory_space<hbm>>)
      tpu.yield
    }) : () -> ()
    return
  }
}

#map = affine_map<(d0, d1) -> (0, 0)>
#map1 = affine_map<(d0, d1) -> (0)>
#map2 = affine_map<(d0, d1) -> (0, 0, 0)>
module attributes {stable_mosaic.version = 14 : i64} {
  func.func @_sc_gather_body(%arg0: i32, %arg1: i32, %arg2: memref<10000x64xf32, #tpu.memory_space<hbm>>, %arg3: memref<10000x64xf32, #tpu.memory_space<hbm>>, %arg4: memref<320000xi32, #tpu.memory_space<hbm>>, %arg5: memref<320000xi32, #tpu.memory_space<hbm>>, %arg6: memref<2500x128x64xf32, #tpu.memory_space<hbm>>, %arg7: memref<2500x128x64xf32, #tpu.memory_space<hbm>>, %arg8: memref<512xi32, #tpu.memory_space<vmem>>, %arg9: memref<512xi32, #tpu.memory_space<vmem>>, %arg10: memref<4x128x64xf32, #tpu.memory_space<vmem>>, %arg11: memref<4x128x64xf32, #tpu.memory_space<vmem>>, %arg12: memref<10000x64xf32, #tpu.memory_space<vmem_shared>>, %arg13: memref<!tpu.dma_semaphore, #tpu.memory_space<semaphore_mem>>, %arg14: memref<!tpu.dma_semaphore, #tpu.memory_space<semaphore_mem>>, %arg15: memref<!tpu.dma_semaphore, #tpu.memory_space<semaphore_mem>>) attributes {dimension_semantics = [#tpu.dimension_semantics<core_parallel>, #tpu.dimension_semantics<subcore_parallel>], iteration_bounds = array<i64: 2, 16>, scalar_prefetch = 0 : i64, scratch_operands = 8 : i64, tpu.core_type = #tpu.core_type<sc_vector_subcore>, window_params = [{transform_indices = #map}, {transform_indices = #map}, {transform_indices = #map1}, {transform_indices = #map1}, {transform_indices = #map2}, {transform_indices = #map2}]} {
    %mul3A = arith.constant 16 : i32
    %mul3A_0 = arith.muli %arg0, %mul3A : i32
    %add3A = arith.addi %mul3A_0, %arg1 : i32
    %mul3A_1 = arith.constant 625 : i32
    %mul3A_2 = arith.muli %arg1, %mul3A_1 : i32
    %mul3A_3 = arith.constant 625 : i32
    %mul3A_4 = arith.muli %arg1, %mul3A_3 : i32
    %dma_start3A = arith.constant 0 : i32
    %dma_start3A_5 = tpu.memref_slice %arg12[%mul3A_4, %dma_start3A] : memref<10000x64xf32, #tpu.memory_space<vmem_shared>> -> memref<625x64xf32, #tpu.memory_space<vmem_shared>>
    %dma_start3A_6 = arith.constant 0 : i32
    %dma_start3A_7 = tpu.memref_slice %arg2[%mul3A_2, %dma_start3A_6] : memref<10000x64xf32, #tpu.memory_space<hbm>> -> memref<625x64xf32, #tpu.memory_space<hbm>>
    tpu.enqueue_dma source(%dma_start3A_7 : memref<625x64xf32, #tpu.memory_space<hbm>>) target(%dma_start3A_5 : memref<625x64xf32, #tpu.memory_space<vmem_shared>>) target_semaphore(%arg13 : memref<!tpu.dma_semaphore, #tpu.memory_space<semaphore_mem>>)
    %dma_wait3A = arith.constant 0 : i32
    %dma_wait3A_8 = tpu.memref_slice %arg12[%mul3A_4, %dma_wait3A] : memref<10000x64xf32, #tpu.memory_space<vmem_shared>> -> memref<625x64xf32, #tpu.memory_space<vmem_shared>>
    %dma_wait3A_9 = arith.constant 0 : i32
    %dma_wait3A_10 = tpu.memref_slice %arg2[%mul3A_2, %dma_wait3A_9] : memref<10000x64xf32, #tpu.memory_space<hbm>> -> memref<625x64xf32, #tpu.memory_space<hbm>>
    tpu.wait_dma2 semaphore(%arg13 : memref<!tpu.dma_semaphore, #tpu.memory_space<semaphore_mem>>) src(%dma_wait3A_10 : memref<625x64xf32, #tpu.memory_space<hbm>>) dst(%dma_wait3A_8 : memref<625x64xf32, #tpu.memory_space<vmem_shared>>)
    %barrier3A = arith.constant 0 : index
    tpu.barrier barrier_id(%barrier3A)
    %scan3A = arith.constant 0 : i32
    %scan3A_11 = arith.constant 0 : i32
    %scan3A_12 = arith.constant 20 : i32
    %scan3A_13 = arith.addi %scan3A_11, %scan3A_12 : i32
    %scan3A_14 = arith.constant 1 : i32
    %scan3A_15 = scf.for %scan3A_17 = %scan3A_11 to %scan3A_13 step %scan3A_14 iter_args(%scan3A_18 = %scan3A) -> (i32)  : i32 {
      %mul3A_19 = arith.constant 32 : i32
      %mul3A_20 = arith.muli %scan3A_17, %mul3A_19 : i32
      %add3A_21 = arith.addi %add3A, %mul3A_20 : i32
      %lt3A = arith.constant 625 : i32
      %lt3A_22 = arith.cmpi slt, %add3A_21, %lt3A : i32
      %convert_element_type3A = arith.extui %lt3A_22 : i1 to i32
      %cond3A = arith.constant 0 : i32
      %cond3A_23 = arith.cmpi ne, %convert_element_type3A, %cond3A : i32
      scf.if %cond3A_23 {
        %mul3A_25 = arith.constant 512 : i32
        %mul3A_26 = arith.muli %add3A_21, %mul3A_25 : i32
        %dma_start3A_27 = tpu.memref_slice %arg4[%mul3A_26] : memref<320000xi32, #tpu.memory_space<hbm>> -> memref<512xi32, #tpu.memory_space<hbm>>
        %dma_start3A_28 = tpu.memref_slice %arg4[%mul3A_26] : memref<320000xi32, #tpu.memory_space<hbm>> -> memref<512xi32, #tpu.memory_space<hbm>>
        tpu.enqueue_dma source(%dma_start3A_28 : memref<512xi32, #tpu.memory_space<hbm>>) target(%arg8 : memref<512xi32, #tpu.memory_space<vmem>>) target_semaphore(%arg15 : memref<!tpu.dma_semaphore, #tpu.memory_space<semaphore_mem>>)
        %dma_start3A_29 = tpu.memref_slice %arg5[%mul3A_26] : memref<320000xi32, #tpu.memory_space<hbm>> -> memref<512xi32, #tpu.memory_space<hbm>>
        %dma_start3A_30 = tpu.memref_slice %arg5[%mul3A_26] : memref<320000xi32, #tpu.memory_space<hbm>> -> memref<512xi32, #tpu.memory_space<hbm>>
        tpu.enqueue_dma source(%dma_start3A_30 : memref<512xi32, #tpu.memory_space<hbm>>) target(%arg9 : memref<512xi32, #tpu.memory_space<vmem>>) target_semaphore(%arg15 : memref<!tpu.dma_semaphore, #tpu.memory_space<semaphore_mem>>)
        %dma_wait3A_31 = tpu.memref_slice %arg4[%mul3A_26] : memref<320000xi32, #tpu.memory_space<hbm>> -> memref<512xi32, #tpu.memory_space<hbm>>
        %dma_wait3A_32 = tpu.memref_slice %arg4[%mul3A_26] : memref<320000xi32, #tpu.memory_space<hbm>> -> memref<512xi32, #tpu.memory_space<hbm>>
        tpu.wait_dma2 semaphore(%arg15 : memref<!tpu.dma_semaphore, #tpu.memory_space<semaphore_mem>>) src(%dma_wait3A_32 : memref<512xi32, #tpu.memory_space<hbm>>) dst(%arg8 : memref<512xi32, #tpu.memory_space<vmem>>)
        %dma_wait3A_33 = tpu.memref_slice %arg5[%mul3A_26] : memref<320000xi32, #tpu.memory_space<hbm>> -> memref<512xi32, #tpu.memory_space<hbm>>
        %dma_wait3A_34 = tpu.memref_slice %arg5[%mul3A_26] : memref<320000xi32, #tpu.memory_space<hbm>> -> memref<512xi32, #tpu.memory_space<hbm>>
        tpu.wait_dma2 semaphore(%arg15 : memref<!tpu.dma_semaphore, #tpu.memory_space<semaphore_mem>>) src(%dma_wait3A_34 : memref<512xi32, #tpu.memory_space<hbm>>) dst(%arg9 : memref<512xi32, #tpu.memory_space<vmem>>)
        %dma_start3A_35 = arith.constant 0 : i32
        %dma_start3A_36 = arith.constant 0 : i32
        %dma_start3A_37 = arith.constant 0 : i32
        %dma_start3A_38 = tpu.memref_slice %arg10[%dma_start3A_35, %dma_start3A_36, %dma_start3A_37] : memref<4x128x64xf32, #tpu.memory_space<vmem>> -> memref<1x128x64xf32, #tpu.memory_space<vmem>>
        %dma_start3A_39 = tpu.memref_squeeze %dma_start3A_38 : memref<1x128x64xf32, #tpu.memory_space<vmem>> -> memref<128x64xf32, #tpu.memory_space<vmem>>
        %dma_start3A_40 = arith.constant 0 : i32
        %dma_start3A_41 = tpu.memref_slice %arg8[%dma_start3A_40] : memref<512xi32, #tpu.memory_space<vmem>> -> memref<128xi32, #tpu.memory_space<vmem>>
        %dma_start3A_42 = arith.constant 0 : i32
        %dma_start3A_43 = arith.constant 0 : i32
        %dma_start3A_44 = tpu.memref_slice %arg12[%dma_start3A_42, %dma_start3A_43] : memref<10000x64xf32, #tpu.memory_space<vmem_shared>> -> memref<10000x64xf32, #tpu.memory_space<vmem_shared>>
        tpu.enqueue_indirect_dma source(%dma_start3A_44 : memref<10000x64xf32, #tpu.memory_space<vmem_shared>>) target(%dma_start3A_39 : memref<128x64xf32, #tpu.memory_space<vmem>>) offsets(%dma_start3A_41 : memref<128xi32, #tpu.memory_space<vmem>>) semaphore(%arg13 : memref<!tpu.dma_semaphore, #tpu.memory_space<semaphore_mem>>)
        %dma_start3A_45 = arith.constant 0 : i32
        %dma_start3A_46 = arith.constant 0 : i32
        %dma_start3A_47 = arith.constant 0 : i32
        %dma_start3A_48 = tpu.memref_slice %arg11[%dma_start3A_45, %dma_start3A_46, %dma_start3A_47] : memref<4x128x64xf32, #tpu.memory_space<vmem>> -> memref<1x128x64xf32, #tpu.memory_space<vmem>>
        %dma_start3A_49 = tpu.memref_squeeze %dma_start3A_48 : memref<1x128x64xf32, #tpu.memory_space<vmem>> -> memref<128x64xf32, #tpu.memory_space<vmem>>
        %dma_start3A_50 = arith.constant 0 : i32
        %dma_start3A_51 = tpu.memref_slice %arg9[%dma_start3A_50] : memref<512xi32, #tpu.memory_space<vmem>> -> memref<128xi32, #tpu.memory_space<vmem>>
        %dma_start3A_52 = arith.constant 0 : i32
        %dma_start3A_53 = arith.constant 0 : i32
        %dma_start3A_54 = tpu.memref_slice %arg3[%dma_start3A_52, %dma_start3A_53] : memref<10000x64xf32, #tpu.memory_space<hbm>> -> memref<10000x64xf32, #tpu.memory_space<hbm>>
        tpu.enqueue_indirect_dma source(%dma_start3A_54 : memref<10000x64xf32, #tpu.memory_space<hbm>>) target(%dma_start3A_49 : memref<128x64xf32, #tpu.memory_space<vmem>>) offsets(%dma_start3A_51 : memref<128xi32, #tpu.memory_space<vmem>>) semaphore(%arg14 : memref<!tpu.dma_semaphore, #tpu.memory_space<semaphore_mem>>)
        %dma_start3A_55 = arith.constant 1 : i32
        %dma_start3A_56 = arith.constant 0 : i32
        %dma_start3A_57 = arith.constant 0 : i32
        %dma_start3A_58 = tpu.memref_slice %arg10[%dma_start3A_55, %dma_start3A_56, %dma_start3A_57] : memref<4x128x64xf32, #tpu.memory_space<vmem>> -> memref<1x128x64xf32, #tpu.memory_space<vmem>>
        %dma_start3A_59 = tpu.memref_squeeze %dma_start3A_58 : memref<1x128x64xf32, #tpu.memory_space<vmem>> -> memref<128x64xf32, #tpu.memory_space<vmem>>
        %dma_start3A_60 = arith.constant 128 : i32
        %dma_start3A_61 = tpu.memref_slice %arg8[%dma_start3A_60] : memref<512xi32, #tpu.memory_space<vmem>> -> memref<128xi32, #tpu.memory_space<vmem>>
        %dma_start3A_62 = arith.constant 0 : i32
        %dma_start3A_63 = arith.constant 0 : i32
        %dma_start3A_64 = tpu.memref_slice %arg12[%dma_start3A_62, %dma_start3A_63] : memref<10000x64xf32, #tpu.memory_space<vmem_shared>> -> memref<10000x64xf32, #tpu.memory_space<vmem_shared>>
        tpu.enqueue_indirect_dma source(%dma_start3A_64 : memref<10000x64xf32, #tpu.memory_space<vmem_shared>>) target(%dma_start3A_59 : memref<128x64xf32, #tpu.memory_space<vmem>>) offsets(%dma_start3A_61 : memref<128xi32, #tpu.memory_space<vmem>>) semaphore(%arg13 : memref<!tpu.dma_semaphore, #tpu.memory_space<semaphore_mem>>)
        %dma_start3A_65 = arith.constant 1 : i32
        %dma_start3A_66 = arith.constant 0 : i32
        %dma_start3A_67 = arith.constant 0 : i32
        %dma_start3A_68 = tpu.memref_slice %arg11[%dma_start3A_65, %dma_start3A_66, %dma_start3A_67] : memref<4x128x64xf32, #tpu.memory_space<vmem>> -> memref<1x128x64xf32, #tpu.memory_space<vmem>>
        %dma_start3A_69 = tpu.memref_squeeze %dma_start3A_68 : memref<1x128x64xf32, #tpu.memory_space<vmem>> -> memref<128x64xf32, #tpu.memory_space<vmem>>
        %dma_start3A_70 = arith.constant 128 : i32
        %dma_start3A_71 = tpu.memref_slice %arg9[%dma_start3A_70] : memref<512xi32, #tpu.memory_space<vmem>> -> memref<128xi32, #tpu.memory_space<vmem>>
        %dma_start3A_72 = arith.constant 0 : i32
        %dma_start3A_73 = arith.constant 0 : i32
        %dma_start3A_74 = tpu.memref_slice %arg3[%dma_start3A_72, %dma_start3A_73] : memref<10000x64xf32, #tpu.memory_space<hbm>> -> memref<10000x64xf32, #tpu.memory_space<hbm>>
        tpu.enqueue_indirect_dma source(%dma_start3A_74 : memref<10000x64xf32, #tpu.memory_space<hbm>>) target(%dma_start3A_69 : memref<128x64xf32, #tpu.memory_space<vmem>>) offsets(%dma_start3A_71 : memref<128xi32, #tpu.memory_space<vmem>>) semaphore(%arg14 : memref<!tpu.dma_semaphore, #tpu.memory_space<semaphore_mem>>)
        %dma_start3A_75 = arith.constant 2 : i32
        %dma_start3A_76 = arith.constant 0 : i32
        %dma_start3A_77 = arith.constant 0 : i32
        %dma_start3A_78 = tpu.memref_slice %arg10[%dma_start3A_75, %dma_start3A_76, %dma_start3A_77] : memref<4x128x64xf32, #tpu.memory_space<vmem>> -> memref<1x128x64xf32, #tpu.memory_space<vmem>>
        %dma_start3A_79 = tpu.memref_squeeze %dma_start3A_78 : memref<1x128x64xf32, #tpu.memory_space<vmem>> -> memref<128x64xf32, #tpu.memory_space<vmem>>
        %dma_start3A_80 = arith.constant 256 : i32
        %dma_start3A_81 = tpu.memref_slice %arg8[%dma_start3A_80] : memref<512xi32, #tpu.memory_space<vmem>> -> memref<128xi32, #tpu.memory_space<vmem>>
        %dma_start3A_82 = arith.constant 0 : i32
        %dma_start3A_83 = arith.constant 0 : i32
        %dma_start3A_84 = tpu.memref_slice %arg12[%dma_start3A_82, %dma_start3A_83] : memref<10000x64xf32, #tpu.memory_space<vmem_shared>> -> memref<10000x64xf32, #tpu.memory_space<vmem_shared>>
        tpu.enqueue_indirect_dma source(%dma_start3A_84 : memref<10000x64xf32, #tpu.memory_space<vmem_shared>>) target(%dma_start3A_79 : memref<128x64xf32, #tpu.memory_space<vmem>>) offsets(%dma_start3A_81 : memref<128xi32, #tpu.memory_space<vmem>>) semaphore(%arg13 : memref<!tpu.dma_semaphore, #tpu.memory_space<semaphore_mem>>)
        %dma_start3A_85 = arith.constant 2 : i32
        %dma_start3A_86 = arith.constant 0 : i32
        %dma_start3A_87 = arith.constant 0 : i32
        %dma_start3A_88 = tpu.memref_slice %arg11[%dma_start3A_85, %dma_start3A_86, %dma_start3A_87] : memref<4x128x64xf32, #tpu.memory_space<vmem>> -> memref<1x128x64xf32, #tpu.memory_space<vmem>>
        %dma_start3A_89 = tpu.memref_squeeze %dma_start3A_88 : memref<1x128x64xf32, #tpu.memory_space<vmem>> -> memref<128x64xf32, #tpu.memory_space<vmem>>
        %dma_start3A_90 = arith.constant 256 : i32
        %dma_start3A_91 = tpu.memref_slice %arg9[%dma_start3A_90] : memref<512xi32, #tpu.memory_space<vmem>> -> memref<128xi32, #tpu.memory_space<vmem>>
        %dma_start3A_92 = arith.constant 0 : i32
        %dma_start3A_93 = arith.constant 0 : i32
        %dma_start3A_94 = tpu.memref_slice %arg3[%dma_start3A_92, %dma_start3A_93] : memref<10000x64xf32, #tpu.memory_space<hbm>> -> memref<10000x64xf32, #tpu.memory_space<hbm>>
        tpu.enqueue_indirect_dma source(%dma_start3A_94 : memref<10000x64xf32, #tpu.memory_space<hbm>>) target(%dma_start3A_89 : memref<128x64xf32, #tpu.memory_space<vmem>>) offsets(%dma_start3A_91 : memref<128xi32, #tpu.memory_space<vmem>>) semaphore(%arg14 : memref<!tpu.dma_semaphore, #tpu.memory_space<semaphore_mem>>)
        %dma_start3A_95 = arith.constant 3 : i32
        %dma_start3A_96 = arith.constant 0 : i32
        %dma_start3A_97 = arith.constant 0 : i32
        %dma_start3A_98 = tpu.memref_slice %arg10[%dma_start3A_95, %dma_start3A_96, %dma_start3A_97] : memref<4x128x64xf32, #tpu.memory_space<vmem>> -> memref<1x128x64xf32, #tpu.memory_space<vmem>>
        %dma_start3A_99 = tpu.memref_squeeze %dma_start3A_98 : memref<1x128x64xf32, #tpu.memory_space<vmem>> -> memref<128x64xf32, #tpu.memory_space<vmem>>
        %dma_start3A_100 = arith.constant 384 : i32
        %dma_start3A_101 = tpu.memref_slice %arg8[%dma_start3A_100] : memref<512xi32, #tpu.memory_space<vmem>> -> memref<128xi32, #tpu.memory_space<vmem>>
        %dma_start3A_102 = arith.constant 0 : i32
        %dma_start3A_103 = arith.constant 0 : i32
        %dma_start3A_104 = tpu.memref_slice %arg12[%dma_start3A_102, %dma_start3A_103] : memref<10000x64xf32, #tpu.memory_space<vmem_shared>> -> memref<10000x64xf32, #tpu.memory_space<vmem_shared>>
        tpu.enqueue_indirect_dma source(%dma_start3A_104 : memref<10000x64xf32, #tpu.memory_space<vmem_shared>>) target(%dma_start3A_99 : memref<128x64xf32, #tpu.memory_space<vmem>>) offsets(%dma_start3A_101 : memref<128xi32, #tpu.memory_space<vmem>>) semaphore(%arg13 : memref<!tpu.dma_semaphore, #tpu.memory_space<semaphore_mem>>)
        %dma_start3A_105 = arith.constant 3 : i32
        %dma_start3A_106 = arith.constant 0 : i32
        %dma_start3A_107 = arith.constant 0 : i32
        %dma_start3A_108 = tpu.memref_slice %arg11[%dma_start3A_105, %dma_start3A_106, %dma_start3A_107] : memref<4x128x64xf32, #tpu.memory_space<vmem>> -> memref<1x128x64xf32, #tpu.memory_space<vmem>>
        %dma_start3A_109 = tpu.memref_squeeze %dma_start3A_108 : memref<1x128x64xf32, #tpu.memory_space<vmem>> -> memref<128x64xf32, #tpu.memory_space<vmem>>
        %dma_start3A_110 = arith.constant 384 : i32
        %dma_start3A_111 = tpu.memref_slice %arg9[%dma_start3A_110] : memref<512xi32, #tpu.memory_space<vmem>> -> memref<128xi32, #tpu.memory_space<vmem>>
        %dma_start3A_112 = arith.constant 0 : i32
        %dma_start3A_113 = arith.constant 0 : i32
        %dma_start3A_114 = tpu.memref_slice %arg3[%dma_start3A_112, %dma_start3A_113] : memref<10000x64xf32, #tpu.memory_space<hbm>> -> memref<10000x64xf32, #tpu.memory_space<hbm>>
        tpu.enqueue_indirect_dma source(%dma_start3A_114 : memref<10000x64xf32, #tpu.memory_space<hbm>>) target(%dma_start3A_109 : memref<128x64xf32, #tpu.memory_space<vmem>>) offsets(%dma_start3A_111 : memref<128xi32, #tpu.memory_space<vmem>>) semaphore(%arg14 : memref<!tpu.dma_semaphore, #tpu.memory_space<semaphore_mem>>)
        %dma_wait3A_115 = arith.constant 0 : i32
        %dma_wait3A_116 = arith.constant 0 : i32
        %dma_wait3A_117 = arith.constant 0 : i32
        %dma_wait3A_118 = tpu.memref_slice %arg10[%dma_wait3A_115, %dma_wait3A_116, %dma_wait3A_117] : memref<4x128x64xf32, #tpu.memory_space<vmem>> -> memref<1x128x64xf32, #tpu.memory_space<vmem>>
        %dma_wait3A_119 = tpu.memref_squeeze %dma_wait3A_118 : memref<1x128x64xf32, #tpu.memory_space<vmem>> -> memref<128x64xf32, #tpu.memory_space<vmem>>
        %dma_wait3A_120 = arith.constant 0 : i32
        %dma_wait3A_121 = tpu.memref_slice %arg8[%dma_wait3A_120] : memref<512xi32, #tpu.memory_space<vmem>> -> memref<128xi32, #tpu.memory_space<vmem>>
        %dma_wait3A_122 = arith.constant 0 : i32
        %dma_wait3A_123 = arith.constant 0 : i32
        %dma_wait3A_124 = tpu.memref_slice %arg12[%dma_wait3A_122, %dma_wait3A_123] : memref<10000x64xf32, #tpu.memory_space<vmem_shared>> -> memref<10000x64xf32, #tpu.memory_space<vmem_shared>>
        tpu.wait_indirect_dma semaphore(%arg13 : memref<!tpu.dma_semaphore, #tpu.memory_space<semaphore_mem>>) src(%dma_wait3A_124 : memref<10000x64xf32, #tpu.memory_space<vmem_shared>>) dst(%dma_wait3A_119 : memref<128x64xf32, #tpu.memory_space<vmem>>)
        %dma_wait3A_125 = arith.constant 0 : i32
        %dma_wait3A_126 = arith.constant 0 : i32
        %dma_wait3A_127 = arith.constant 0 : i32
        %dma_wait3A_128 = tpu.memref_slice %arg11[%dma_wait3A_125, %dma_wait3A_126, %dma_wait3A_127] : memref<4x128x64xf32, #tpu.memory_space<vmem>> -> memref<1x128x64xf32, #tpu.memory_space<vmem>>
        %dma_wait3A_129 = tpu.memref_squeeze %dma_wait3A_128 : memref<1x128x64xf32, #tpu.memory_space<vmem>> -> memref<128x64xf32, #tpu.memory_space<vmem>>
        %dma_wait3A_130 = arith.constant 0 : i32
        %dma_wait3A_131 = tpu.memref_slice %arg9[%dma_wait3A_130] : memref<512xi32, #tpu.memory_space<vmem>> -> memref<128xi32, #tpu.memory_space<vmem>>
        %dma_wait3A_132 = arith.constant 0 : i32
        %dma_wait3A_133 = arith.constant 0 : i32
        %dma_wait3A_134 = tpu.memref_slice %arg3[%dma_wait3A_132, %dma_wait3A_133] : memref<10000x64xf32, #tpu.memory_space<hbm>> -> memref<10000x64xf32, #tpu.memory_space<hbm>>
        tpu.wait_indirect_dma semaphore(%arg14 : memref<!tpu.dma_semaphore, #tpu.memory_space<semaphore_mem>>) src(%dma_wait3A_134 : memref<10000x64xf32, #tpu.memory_space<hbm>>) dst(%dma_wait3A_129 : memref<128x64xf32, #tpu.memory_space<vmem>>)
        %dma_wait3A_135 = arith.constant 1 : i32
        %dma_wait3A_136 = arith.constant 0 : i32
        %dma_wait3A_137 = arith.constant 0 : i32
        %dma_wait3A_138 = tpu.memref_slice %arg10[%dma_wait3A_135, %dma_wait3A_136, %dma_wait3A_137] : memref<4x128x64xf32, #tpu.memory_space<vmem>> -> memref<1x128x64xf32, #tpu.memory_space<vmem>>
        %dma_wait3A_139 = tpu.memref_squeeze %dma_wait3A_138 : memref<1x128x64xf32, #tpu.memory_space<vmem>> -> memref<128x64xf32, #tpu.memory_space<vmem>>
        %dma_wait3A_140 = arith.constant 128 : i32
        %dma_wait3A_141 = tpu.memref_slice %arg8[%dma_wait3A_140] : memref<512xi32, #tpu.memory_space<vmem>> -> memref<128xi32, #tpu.memory_space<vmem>>
        %dma_wait3A_142 = arith.constant 0 : i32
        %dma_wait3A_143 = arith.constant 0 : i32
        %dma_wait3A_144 = tpu.memref_slice %arg12[%dma_wait3A_142, %dma_wait3A_143] : memref<10000x64xf32, #tpu.memory_space<vmem_shared>> -> memref<10000x64xf32, #tpu.memory_space<vmem_shared>>
        tpu.wait_indirect_dma semaphore(%arg13 : memref<!tpu.dma_semaphore, #tpu.memory_space<semaphore_mem>>) src(%dma_wait3A_144 : memref<10000x64xf32, #tpu.memory_space<vmem_shared>>) dst(%dma_wait3A_139 : memref<128x64xf32, #tpu.memory_space<vmem>>)
        %dma_wait3A_145 = arith.constant 1 : i32
        %dma_wait3A_146 = arith.constant 0 : i32
        %dma_wait3A_147 = arith.constant 0 : i32
        %dma_wait3A_148 = tpu.memref_slice %arg11[%dma_wait3A_145, %dma_wait3A_146, %dma_wait3A_147] : memref<4x128x64xf32, #tpu.memory_space<vmem>> -> memref<1x128x64xf32, #tpu.memory_space<vmem>>
        %dma_wait3A_149 = tpu.memref_squeeze %dma_wait3A_148 : memref<1x128x64xf32, #tpu.memory_space<vmem>> -> memref<128x64xf32, #tpu.memory_space<vmem>>
        %dma_wait3A_150 = arith.constant 128 : i32
        %dma_wait3A_151 = tpu.memref_slice %arg9[%dma_wait3A_150] : memref<512xi32, #tpu.memory_space<vmem>> -> memref<128xi32, #tpu.memory_space<vmem>>
        %dma_wait3A_152 = arith.constant 0 : i32
        %dma_wait3A_153 = arith.constant 0 : i32
        %dma_wait3A_154 = tpu.memref_slice %arg3[%dma_wait3A_152, %dma_wait3A_153] : memref<10000x64xf32, #tpu.memory_space<hbm>> -> memref<10000x64xf32, #tpu.memory_space<hbm>>
        tpu.wait_indirect_dma semaphore(%arg14 : memref<!tpu.dma_semaphore, #tpu.memory_space<semaphore_mem>>) src(%dma_wait3A_154 : memref<10000x64xf32, #tpu.memory_space<hbm>>) dst(%dma_wait3A_149 : memref<128x64xf32, #tpu.memory_space<vmem>>)
        %dma_wait3A_155 = arith.constant 2 : i32
        %dma_wait3A_156 = arith.constant 0 : i32
        %dma_wait3A_157 = arith.constant 0 : i32
        %dma_wait3A_158 = tpu.memref_slice %arg10[%dma_wait3A_155, %dma_wait3A_156, %dma_wait3A_157] : memref<4x128x64xf32, #tpu.memory_space<vmem>> -> memref<1x128x64xf32, #tpu.memory_space<vmem>>
        %dma_wait3A_159 = tpu.memref_squeeze %dma_wait3A_158 : memref<1x128x64xf32, #tpu.memory_space<vmem>> -> memref<128x64xf32, #tpu.memory_space<vmem>>
        %dma_wait3A_160 = arith.constant 256 : i32
        %dma_wait3A_161 = tpu.memref_slice %arg8[%dma_wait3A_160] : memref<512xi32, #tpu.memory_space<vmem>> -> memref<128xi32, #tpu.memory_space<vmem>>
        %dma_wait3A_162 = arith.constant 0 : i32
        %dma_wait3A_163 = arith.constant 0 : i32
        %dma_wait3A_164 = tpu.memref_slice %arg12[%dma_wait3A_162, %dma_wait3A_163] : memref<10000x64xf32, #tpu.memory_space<vmem_shared>> -> memref<10000x64xf32, #tpu.memory_space<vmem_shared>>
        tpu.wait_indirect_dma semaphore(%arg13 : memref<!tpu.dma_semaphore, #tpu.memory_space<semaphore_mem>>) src(%dma_wait3A_164 : memref<10000x64xf32, #tpu.memory_space<vmem_shared>>) dst(%dma_wait3A_159 : memref<128x64xf32, #tpu.memory_space<vmem>>)
        %dma_wait3A_165 = arith.constant 2 : i32
        %dma_wait3A_166 = arith.constant 0 : i32
        %dma_wait3A_167 = arith.constant 0 : i32
        %dma_wait3A_168 = tpu.memref_slice %arg11[%dma_wait3A_165, %dma_wait3A_166, %dma_wait3A_167] : memref<4x128x64xf32, #tpu.memory_space<vmem>> -> memref<1x128x64xf32, #tpu.memory_space<vmem>>
        %dma_wait3A_169 = tpu.memref_squeeze %dma_wait3A_168 : memref<1x128x64xf32, #tpu.memory_space<vmem>> -> memref<128x64xf32, #tpu.memory_space<vmem>>
        %dma_wait3A_170 = arith.constant 256 : i32
        %dma_wait3A_171 = tpu.memref_slice %arg9[%dma_wait3A_170] : memref<512xi32, #tpu.memory_space<vmem>> -> memref<128xi32, #tpu.memory_space<vmem>>
        %dma_wait3A_172 = arith.constant 0 : i32
        %dma_wait3A_173 = arith.constant 0 : i32
        %dma_wait3A_174 = tpu.memref_slice %arg3[%dma_wait3A_172, %dma_wait3A_173] : memref<10000x64xf32, #tpu.memory_space<hbm>> -> memref<10000x64xf32, #tpu.memory_space<hbm>>
        tpu.wait_indirect_dma semaphore(%arg14 : memref<!tpu.dma_semaphore, #tpu.memory_space<semaphore_mem>>) src(%dma_wait3A_174 : memref<10000x64xf32, #tpu.memory_space<hbm>>) dst(%dma_wait3A_169 : memref<128x64xf32, #tpu.memory_space<vmem>>)
        %dma_wait3A_175 = arith.constant 3 : i32
        %dma_wait3A_176 = arith.constant 0 : i32
        %dma_wait3A_177 = arith.constant 0 : i32
        %dma_wait3A_178 = tpu.memref_slice %arg10[%dma_wait3A_175, %dma_wait3A_176, %dma_wait3A_177] : memref<4x128x64xf32, #tpu.memory_space<vmem>> -> memref<1x128x64xf32, #tpu.memory_space<vmem>>
        %dma_wait3A_179 = tpu.memref_squeeze %dma_wait3A_178 : memref<1x128x64xf32, #tpu.memory_space<vmem>> -> memref<128x64xf32, #tpu.memory_space<vmem>>
        %dma_wait3A_180 = arith.constant 384 : i32
        %dma_wait3A_181 = tpu.memref_slice %arg8[%dma_wait3A_180] : memref<512xi32, #tpu.memory_space<vmem>> -> memref<128xi32, #tpu.memory_space<vmem>>
        %dma_wait3A_182 = arith.constant 0 : i32
        %dma_wait3A_183 = arith.constant 0 : i32
        %dma_wait3A_184 = tpu.memref_slice %arg12[%dma_wait3A_182, %dma_wait3A_183] : memref<10000x64xf32, #tpu.memory_space<vmem_shared>> -> memref<10000x64xf32, #tpu.memory_space<vmem_shared>>
        tpu.wait_indirect_dma semaphore(%arg13 : memref<!tpu.dma_semaphore, #tpu.memory_space<semaphore_mem>>) src(%dma_wait3A_184 : memref<10000x64xf32, #tpu.memory_space<vmem_shared>>) dst(%dma_wait3A_179 : memref<128x64xf32, #tpu.memory_space<vmem>>)
        %dma_wait3A_185 = arith.constant 3 : i32
        %dma_wait3A_186 = arith.constant 0 : i32
        %dma_wait3A_187 = arith.constant 0 : i32
        %dma_wait3A_188 = tpu.memref_slice %arg11[%dma_wait3A_185, %dma_wait3A_186, %dma_wait3A_187] : memref<4x128x64xf32, #tpu.memory_space<vmem>> -> memref<1x128x64xf32, #tpu.memory_space<vmem>>
        %dma_wait3A_189 = tpu.memref_squeeze %dma_wait3A_188 : memref<1x128x64xf32, #tpu.memory_space<vmem>> -> memref<128x64xf32, #tpu.memory_space<vmem>>
        %dma_wait3A_190 = arith.constant 384 : i32
        %dma_wait3A_191 = tpu.memref_slice %arg9[%dma_wait3A_190] : memref<512xi32, #tpu.memory_space<vmem>> -> memref<128xi32, #tpu.memory_space<vmem>>
        %dma_wait3A_192 = arith.constant 0 : i32
        %dma_wait3A_193 = arith.constant 0 : i32
        %dma_wait3A_194 = tpu.memref_slice %arg3[%dma_wait3A_192, %dma_wait3A_193] : memref<10000x64xf32, #tpu.memory_space<hbm>> -> memref<10000x64xf32, #tpu.memory_space<hbm>>
        tpu.wait_indirect_dma semaphore(%arg14 : memref<!tpu.dma_semaphore, #tpu.memory_space<semaphore_mem>>) src(%dma_wait3A_194 : memref<10000x64xf32, #tpu.memory_space<hbm>>) dst(%dma_wait3A_189 : memref<128x64xf32, #tpu.memory_space<vmem>>)
        %mul3A_195 = arith.constant 4 : i32
        %mul3A_196 = arith.muli %add3A_21, %mul3A_195 : i32
        %dma_start3A_197 = arith.constant 0 : i32
        %dma_start3A_198 = arith.constant 0 : i32
        %dma_start3A_199 = tpu.memref_slice %arg6[%mul3A_196, %dma_start3A_197, %dma_start3A_198] : memref<2500x128x64xf32, #tpu.memory_space<hbm>> -> memref<4x128x64xf32, #tpu.memory_space<hbm>>
        %dma_start3A_200 = arith.constant 0 : i32
        %dma_start3A_201 = arith.constant 0 : i32
        %dma_start3A_202 = tpu.memref_slice %arg6[%mul3A_196, %dma_start3A_200, %dma_start3A_201] : memref<2500x128x64xf32, #tpu.memory_space<hbm>> -> memref<4x128x64xf32, #tpu.memory_space<hbm>>
        tpu.enqueue_dma source(%arg10 : memref<4x128x64xf32, #tpu.memory_space<vmem>>) target(%dma_start3A_202 : memref<4x128x64xf32, #tpu.memory_space<hbm>>) target_semaphore(%arg13 : memref<!tpu.dma_semaphore, #tpu.memory_space<semaphore_mem>>)
        %mul3A_203 = arith.constant 4 : i32
        %mul3A_204 = arith.muli %add3A_21, %mul3A_203 : i32
        %dma_start3A_205 = arith.constant 0 : i32
        %dma_start3A_206 = arith.constant 0 : i32
        %dma_start3A_207 = tpu.memref_slice %arg7[%mul3A_204, %dma_start3A_205, %dma_start3A_206] : memref<2500x128x64xf32, #tpu.memory_space<hbm>> -> memref<4x128x64xf32, #tpu.memory_space<hbm>>
        %dma_start3A_208 = arith.constant 0 : i32
        %dma_start3A_209 = arith.constant 0 : i32
        %dma_start3A_210 = tpu.memref_slice %arg7[%mul3A_204, %dma_start3A_208, %dma_start3A_209] : memref<2500x128x64xf32, #tpu.memory_space<hbm>> -> memref<4x128x64xf32, #tpu.memory_space<hbm>>
        tpu.enqueue_dma source(%arg11 : memref<4x128x64xf32, #tpu.memory_space<vmem>>) target(%dma_start3A_210 : memref<4x128x64xf32, #tpu.memory_space<hbm>>) target_semaphore(%arg14 : memref<!tpu.dma_semaphore, #tpu.memory_space<semaphore_mem>>)
        %dma_wait3A_211 = arith.constant 0 : i32
        %dma_wait3A_212 = arith.constant 0 : i32
        %dma_wait3A_213 = tpu.memref_slice %arg6[%mul3A_196, %dma_wait3A_211, %dma_wait3A_212] : memref<2500x128x64xf32, #tpu.memory_space<hbm>> -> memref<4x128x64xf32, #tpu.memory_space<hbm>>
        %dma_wait3A_214 = arith.constant 0 : i32
        %dma_wait3A_215 = arith.constant 0 : i32
        %dma_wait3A_216 = tpu.memref_slice %arg6[%mul3A_196, %dma_wait3A_214, %dma_wait3A_215] : memref<2500x128x64xf32, #tpu.memory_space<hbm>> -> memref<4x128x64xf32, #tpu.memory_space<hbm>>
        tpu.wait_dma2 semaphore(%arg13 : memref<!tpu.dma_semaphore, #tpu.memory_space<semaphore_mem>>) src(%arg10 : memref<4x128x64xf32, #tpu.memory_space<vmem>>) dst(%dma_wait3A_216 : memref<4x128x64xf32, #tpu.memory_space<hbm>>)
        %dma_wait3A_217 = arith.constant 0 : i32
        %dma_wait3A_218 = arith.constant 0 : i32
        %dma_wait3A_219 = tpu.memref_slice %arg7[%mul3A_204, %dma_wait3A_217, %dma_wait3A_218] : memref<2500x128x64xf32, #tpu.memory_space<hbm>> -> memref<4x128x64xf32, #tpu.memory_space<hbm>>
        %dma_wait3A_220 = arith.constant 0 : i32
        %dma_wait3A_221 = arith.constant 0 : i32
        %dma_wait3A_222 = tpu.memref_slice %arg7[%mul3A_204, %dma_wait3A_220, %dma_wait3A_221] : memref<2500x128x64xf32, #tpu.memory_space<hbm>> -> memref<4x128x64xf32, #tpu.memory_space<hbm>>
        tpu.wait_dma2 semaphore(%arg14 : memref<!tpu.dma_semaphore, #tpu.memory_space<semaphore_mem>>) src(%arg11 : memref<4x128x64xf32, #tpu.memory_space<vmem>>) dst(%dma_wait3A_222 : memref<4x128x64xf32, #tpu.memory_space<hbm>>)
      } else {
      }
      %scan3A_24 = arith.constant 0 : i32
      scf.yield %scan3A_24 : i32
    }
    %scan3A_16 = arith.constant 20 : i32
    return
  }
}

#map = affine_map<(d0, d1) -> (0, 0, 0)>
#map1 = affine_map<(d0, d1) -> (0)>
#map2 = affine_map<(d0, d1) -> (0, 0)>
#map3 = affine_map<(d0, d1) -> (0, 0, 0, 0)>
module attributes {stable_mosaic.version = 14 : i64} {
  func.func @_sc_scatter_body(%arg0: i32, %arg1: i32, %arg2: memref<2500x128x64xf32, #tpu.memory_space<hbm>>, %arg3: memref<320000xi32, #tpu.memory_space<hbm>>, %arg4: memref<10000x64xf32, #tpu.memory_space<hbm>>, %arg5: memref<2x16x625x64xf32, #tpu.memory_space<hbm>>, %arg6: memref<128xi32, #tpu.memory_space<vmem>>, %arg7: memref<128x64xf32, #tpu.memory_space<vmem>>, %arg8: memref<10000x64xf32, #tpu.memory_space<vmem_shared>>, %arg9: memref<!tpu.dma_semaphore, #tpu.memory_space<semaphore_mem>>) attributes {dimension_semantics = [#tpu.dimension_semantics<core_parallel>, #tpu.dimension_semantics<subcore_parallel>], iteration_bounds = array<i64: 2, 16>, scalar_prefetch = 0 : i64, scratch_operands = 4 : i64, tpu.core_type = #tpu.core_type<sc_vector_subcore>, window_params = [{transform_indices = #map}, {transform_indices = #map1}, {transform_indices = #map2}, {transform_indices = #map3}]} {
    %mul3A = arith.constant 16 : i32
    %mul3A_0 = arith.muli %arg0, %mul3A : i32
    %add3A = arith.addi %mul3A_0, %arg1 : i32
    %mul3A_1 = arith.constant 625 : i32
    %mul3A_2 = arith.muli %arg1, %mul3A_1 : i32
    %mul3A_3 = arith.constant 625 : i32
    %mul3A_4 = arith.muli %arg1, %mul3A_3 : i32
    "tpu.region"() ({
      %run_scoped3A = tpu.sem_alloc : memref<!tpu.dma_semaphore, #tpu.memory_space<semaphore_mem>>
      %dma_start3A = arith.constant 0 : i32
      %dma_start3A_14 = tpu.memref_slice %arg8[%mul3A_4, %dma_start3A] : memref<10000x64xf32, #tpu.memory_space<vmem_shared>> -> memref<625x64xf32, #tpu.memory_space<vmem_shared>>
      %dma_start3A_15 = arith.constant 0 : i32
      %dma_start3A_16 = tpu.memref_slice %arg4[%mul3A_2, %dma_start3A_15] : memref<10000x64xf32, #tpu.memory_space<hbm>> -> memref<625x64xf32, #tpu.memory_space<hbm>>
      tpu.enqueue_dma source(%dma_start3A_16 : memref<625x64xf32, #tpu.memory_space<hbm>>) target(%dma_start3A_14 : memref<625x64xf32, #tpu.memory_space<vmem_shared>>) target_semaphore(%run_scoped3A : memref<!tpu.dma_semaphore, #tpu.memory_space<semaphore_mem>>)
      %dma_wait3A = arith.constant 0 : i32
      %dma_wait3A_17 = tpu.memref_slice %arg8[%mul3A_4, %dma_wait3A] : memref<10000x64xf32, #tpu.memory_space<vmem_shared>> -> memref<625x64xf32, #tpu.memory_space<vmem_shared>>
      %dma_wait3A_18 = arith.constant 0 : i32
      %dma_wait3A_19 = tpu.memref_slice %arg4[%mul3A_2, %dma_wait3A_18] : memref<10000x64xf32, #tpu.memory_space<hbm>> -> memref<625x64xf32, #tpu.memory_space<hbm>>
      tpu.wait_dma2 semaphore(%run_scoped3A : memref<!tpu.dma_semaphore, #tpu.memory_space<semaphore_mem>>) src(%dma_wait3A_19 : memref<625x64xf32, #tpu.memory_space<hbm>>) dst(%dma_wait3A_17 : memref<625x64xf32, #tpu.memory_space<vmem_shared>>)
      tpu.yield
    }) : () -> ()
    %barrier3A = arith.constant 0 : index
    tpu.barrier barrier_id(%barrier3A)
    %scan3A = arith.constant 0 : i32
    %scan3A_5 = arith.constant 0 : i32
    %scan3A_6 = arith.constant 79 : i32
    %scan3A_7 = arith.addi %scan3A_5, %scan3A_6 : i32
    %scan3A_8 = arith.constant 1 : i32
    %scan3A_9 = scf.for %scan3A_14 = %scan3A_5 to %scan3A_7 step %scan3A_8 iter_args(%scan3A_15 = %scan3A) -> (i32)  : i32 {
      %mul3A_16 = arith.constant 32 : i32
      %mul3A_17 = arith.muli %scan3A_14, %mul3A_16 : i32
      %add3A_18 = arith.addi %add3A, %mul3A_17 : i32
      %lt3A = arith.constant 2500 : i32
      %lt3A_19 = arith.cmpi slt, %add3A_18, %lt3A : i32
      %convert_element_type3A = arith.extui %lt3A_19 : i1 to i32
      %cond3A = arith.constant 0 : i32
      %cond3A_20 = arith.cmpi ne, %convert_element_type3A, %cond3A : i32
      scf.if %cond3A_20 {
        %mul3A_22 = arith.constant 128 : i32
        %mul3A_23 = arith.muli %add3A_18, %mul3A_22 : i32
        %dma_start3A = tpu.memref_slice %arg3[%mul3A_23] : memref<320000xi32, #tpu.memory_space<hbm>> -> memref<128xi32, #tpu.memory_space<hbm>>
        %dma_start3A_24 = tpu.memref_slice %arg3[%mul3A_23] : memref<320000xi32, #tpu.memory_space<hbm>> -> memref<128xi32, #tpu.memory_space<hbm>>
        tpu.enqueue_dma source(%dma_start3A_24 : memref<128xi32, #tpu.memory_space<hbm>>) target(%arg6 : memref<128xi32, #tpu.memory_space<vmem>>) target_semaphore(%arg9 : memref<!tpu.dma_semaphore, #tpu.memory_space<semaphore_mem>>)
        %dma_start3A_25 = arith.constant 0 : i32
        %dma_start3A_26 = arith.constant 0 : i32
        %dma_start3A_27 = tpu.memref_slice %arg2[%add3A_18, %dma_start3A_25, %dma_start3A_26] : memref<2500x128x64xf32, #tpu.memory_space<hbm>> -> memref<1x128x64xf32, #tpu.memory_space<hbm>>
        %dma_start3A_28 = tpu.memref_squeeze %dma_start3A_27 : memref<1x128x64xf32, #tpu.memory_space<hbm>> -> memref<128x64xf32, #tpu.memory_space<hbm>>
        %dma_start3A_29 = arith.constant 0 : i32
        %dma_start3A_30 = arith.constant 0 : i32
        %dma_start3A_31 = tpu.memref_slice %arg2[%add3A_18, %dma_start3A_29, %dma_start3A_30] : memref<2500x128x64xf32, #tpu.memory_space<hbm>> -> memref<1x128x64xf32, #tpu.memory_space<hbm>>
        %dma_start3A_32 = tpu.memref_squeeze %dma_start3A_31 : memref<1x128x64xf32, #tpu.memory_space<hbm>> -> memref<128x64xf32, #tpu.memory_space<hbm>>
        tpu.enqueue_dma source(%dma_start3A_32 : memref<128x64xf32, #tpu.memory_space<hbm>>) target(%arg7 : memref<128x64xf32, #tpu.memory_space<vmem>>) target_semaphore(%arg9 : memref<!tpu.dma_semaphore, #tpu.memory_space<semaphore_mem>>)
        %dma_wait3A = tpu.memref_slice %arg3[%mul3A_23] : memref<320000xi32, #tpu.memory_space<hbm>> -> memref<128xi32, #tpu.memory_space<hbm>>
        %dma_wait3A_33 = tpu.memref_slice %arg3[%mul3A_23] : memref<320000xi32, #tpu.memory_space<hbm>> -> memref<128xi32, #tpu.memory_space<hbm>>
        tpu.wait_dma2 semaphore(%arg9 : memref<!tpu.dma_semaphore, #tpu.memory_space<semaphore_mem>>) src(%dma_wait3A_33 : memref<128xi32, #tpu.memory_space<hbm>>) dst(%arg6 : memref<128xi32, #tpu.memory_space<vmem>>)
        %dma_wait3A_34 = arith.constant 0 : i32
        %dma_wait3A_35 = arith.constant 0 : i32
        %dma_wait3A_36 = tpu.memref_slice %arg2[%add3A_18, %dma_wait3A_34, %dma_wait3A_35] : memref<2500x128x64xf32, #tpu.memory_space<hbm>> -> memref<1x128x64xf32, #tpu.memory_space<hbm>>
        %dma_wait3A_37 = tpu.memref_squeeze %dma_wait3A_36 : memref<1x128x64xf32, #tpu.memory_space<hbm>> -> memref<128x64xf32, #tpu.memory_space<hbm>>
        %dma_wait3A_38 = arith.constant 0 : i32
        %dma_wait3A_39 = arith.constant 0 : i32
        %dma_wait3A_40 = tpu.memref_slice %arg2[%add3A_18, %dma_wait3A_38, %dma_wait3A_39] : memref<2500x128x64xf32, #tpu.memory_space<hbm>> -> memref<1x128x64xf32, #tpu.memory_space<hbm>>
        %dma_wait3A_41 = tpu.memref_squeeze %dma_wait3A_40 : memref<1x128x64xf32, #tpu.memory_space<hbm>> -> memref<128x64xf32, #tpu.memory_space<hbm>>
        tpu.wait_dma2 semaphore(%arg9 : memref<!tpu.dma_semaphore, #tpu.memory_space<semaphore_mem>>) src(%dma_wait3A_41 : memref<128x64xf32, #tpu.memory_space<hbm>>) dst(%arg7 : memref<128x64xf32, #tpu.memory_space<vmem>>)
        "tpu.region"() ({
          %run_scoped3A = tpu.sem_alloc : memref<!tpu.dma_semaphore, #tpu.memory_space<semaphore_mem>>
          %dma_start3A_42 = arith.constant 0 : i32
          %dma_start3A_43 = arith.constant 0 : i32
          %dma_start3A_44 = tpu.memref_slice %arg8[%dma_start3A_42, %dma_start3A_43] : memref<10000x64xf32, #tpu.memory_space<vmem_shared>> -> memref<10000x64xf32, #tpu.memory_space<vmem_shared>>
          tpu.enqueue_indirect_dma source(%arg7 : memref<128x64xf32, #tpu.memory_space<vmem>>) target(%dma_start3A_44 : memref<10000x64xf32, #tpu.memory_space<vmem_shared>>) offsets(%arg6 : memref<128xi32, #tpu.memory_space<vmem>>) semaphore(%run_scoped3A : memref<!tpu.dma_semaphore, #tpu.memory_space<semaphore_mem>>) {add = true}
          %dma_wait3A_45 = arith.constant 0 : i32
          %dma_wait3A_46 = arith.constant 0 : i32
          %dma_wait3A_47 = tpu.memref_slice %arg8[%dma_wait3A_45, %dma_wait3A_46] : memref<10000x64xf32, #tpu.memory_space<vmem_shared>> -> memref<10000x64xf32, #tpu.memory_space<vmem_shared>>
          tpu.wait_indirect_dma semaphore(%run_scoped3A : memref<!tpu.dma_semaphore, #tpu.memory_space<semaphore_mem>>) src(%arg7 : memref<128x64xf32, #tpu.memory_space<vmem>>) dst(%dma_wait3A_47 : memref<10000x64xf32, #tpu.memory_space<vmem_shared>>)
          tpu.yield
        }) : () -> ()
      } else {
      }
      %scan3A_21 = arith.constant 0 : i32
      scf.yield %scan3A_21 : i32
    }
    %scan3A_10 = arith.constant 79 : i32
    %barrier3A_11 = arith.constant 0 : index
    tpu.barrier barrier_id(%barrier3A_11)
    %mul3A_12 = arith.constant 625 : i32
    %mul3A_13 = arith.muli %arg1, %mul3A_12 : i32
    "tpu.region"() ({
      %run_scoped3A = tpu.sem_alloc : memref<!tpu.dma_semaphore, #tpu.memory_space<semaphore_mem>>
      %dma_start3A = arith.constant 0 : i32
      %dma_start3A_14 = arith.constant 0 : i32
      %dma_start3A_15 = tpu.memref_slice %arg5[%arg0, %arg1, %dma_start3A, %dma_start3A_14] : memref<2x16x625x64xf32, #tpu.memory_space<hbm>> -> memref<1x1x625x64xf32, #tpu.memory_space<hbm>>
      %dma_start3A_16 = tpu.memref_squeeze %dma_start3A_15 : memref<1x1x625x64xf32, #tpu.memory_space<hbm>> -> memref<625x64xf32, #tpu.memory_space<hbm>>
      %dma_start3A_17 = arith.constant 0 : i32
      %dma_start3A_18 = tpu.memref_slice %arg8[%mul3A_13, %dma_start3A_17] : memref<10000x64xf32, #tpu.memory_space<vmem_shared>> -> memref<625x64xf32, #tpu.memory_space<vmem_shared>>
      tpu.enqueue_dma source(%dma_start3A_18 : memref<625x64xf32, #tpu.memory_space<vmem_shared>>) target(%dma_start3A_16 : memref<625x64xf32, #tpu.memory_space<hbm>>) target_semaphore(%run_scoped3A : memref<!tpu.dma_semaphore, #tpu.memory_space<semaphore_mem>>)
      %dma_wait3A = arith.constant 0 : i32
      %dma_wait3A_19 = arith.constant 0 : i32
      %dma_wait3A_20 = tpu.memref_slice %arg5[%arg0, %arg1, %dma_wait3A, %dma_wait3A_19] : memref<2x16x625x64xf32, #tpu.memory_space<hbm>> -> memref<1x1x625x64xf32, #tpu.memory_space<hbm>>
      %dma_wait3A_21 = tpu.memref_squeeze %dma_wait3A_20 : memref<1x1x625x64xf32, #tpu.memory_space<hbm>> -> memref<625x64xf32, #tpu.memory_space<hbm>>
      %dma_wait3A_22 = arith.constant 0 : i32
      %dma_wait3A_23 = tpu.memref_slice %arg8[%mul3A_13, %dma_wait3A_22] : memref<10000x64xf32, #tpu.memory_space<vmem_shared>> -> memref<625x64xf32, #tpu.memory_space<vmem_shared>>
      tpu.wait_dma2 semaphore(%run_scoped3A : memref<!tpu.dma_semaphore, #tpu.memory_space<semaphore_mem>>) src(%dma_wait3A_23 : memref<625x64xf32, #tpu.memory_space<vmem_shared>>) dst(%dma_wait3A_21 : memref<625x64xf32, #tpu.memory_space<hbm>>)
      tpu.yield
    }) : () -> ()
    return
  }
}

module attributes {stable_mosaic.version = 14 : i64} {
  func.func @_enc_tables_body(%arg0: memref<5000x256xf32, #tpu.memory_space<vmem>>, %arg1: memref<256x128xf32, #tpu.memory_space<vmem>>, %arg2: memref<256x128xf32, #tpu.memory_space<vmem>>, %arg3: memref<5000x128xf32, #tpu.memory_space<vmem>>, %arg4: memref<5000x128xf32, #tpu.memory_space<vmem>>) attributes {dimension_semantics = [], scalar_prefetch = 0 : i64, scratch_operands = 0 : i64, tpu.core_type = #tpu.core_type<tc>} {
    %get3A = arith.constant 0 : index
    %get3A_0 = arith.constant 0 : index
    %get3A_1 = vector.load %arg0[%get3A, %get3A_0] : memref<5000x256xf32, #tpu.memory_space<vmem>>, vector<5000x256xf32>
    %get3A_2 = arith.constant 0 : index
    %get3A_3 = arith.constant 0 : index
    %get3A_4 = vector.load %arg1[%get3A_2, %get3A_3] : memref<256x128xf32, #tpu.memory_space<vmem>>, vector<256x128xf32>
    %dot_general3A = arith.constant dense<0.000000e+00> : vector<5000x128xf32>
    %dot_general3A_5 = tpu.matmul %get3A_1, %get3A_4, %dot_general3A {dimension_numbers = #tpu.dot_dimension_numbers<[1], [0], [0], [1], [0, 0, 1, 1], [], []>, transpose_lhs_hint = false} : vector<5000x256xf32>, vector<256x128xf32>, vector<5000x128xf32> -> vector<5000x128xf32>
    %swap3A = arith.constant 0 : index
    %swap3A_6 = arith.constant 0 : index
    %swap3A_7 = vector.load %arg3[%swap3A, %swap3A_6] : memref<5000x128xf32, #tpu.memory_space<vmem>>, vector<5000x128xf32>
    tpu.vector_store %arg3[%swap3A, %swap3A_6], %dot_general3A_5 {strides = array<i32>} : memref<5000x128xf32, #tpu.memory_space<vmem>>, vector<5000x128xf32>,
    %get3A_8 = arith.constant 0 : index
    %get3A_9 = arith.constant 0 : index
    %get3A_10 = vector.load %arg0[%get3A_8, %get3A_9] : memref<5000x256xf32, #tpu.memory_space<vmem>>, vector<5000x256xf32>
    %get3A_11 = arith.constant 0 : index
    %get3A_12 = arith.constant 0 : index
    %get3A_13 = vector.load %arg2[%get3A_11, %get3A_12] : memref<256x128xf32, #tpu.memory_space<vmem>>, vector<256x128xf32>
    %dot_general3A_14 = arith.constant dense<0.000000e+00> : vector<5000x128xf32>
    %dot_general3A_15 = tpu.matmul %get3A_10, %get3A_13, %dot_general3A_14 {dimension_numbers = #tpu.dot_dimension_numbers<[1], [0], [0], [1], [0, 0, 1, 1], [], []>, transpose_lhs_hint = false} : vector<5000x256xf32>, vector<256x128xf32>, vector<5000x128xf32> -> vector<5000x128xf32>
    %swap3A_16 = arith.constant 0 : index
    %swap3A_17 = arith.constant 0 : index
    %swap3A_18 = vector.load %arg4[%swap3A_16, %swap3A_17] : memref<5000x128xf32, #tpu.memory_space<vmem>>, vector<5000x128xf32>
    tpu.vector_store %arg4[%swap3A_16, %swap3A_17], %dot_general3A_15 {strides = array<i32>} : memref<5000x128xf32, #tpu.memory_space<vmem>>, vector<5000x128xf32>,
    return
  }
}

module attributes {stable_mosaic.version = 14 : i64} {
  func.func @_edge_mlp_body(%arg0: i32, %arg1: memref<1000x32xf32, #tpu.memory_space<vmem>>, %arg2: memref<1000x128xf32, #tpu.memory_space<vmem>>, %arg3: memref<1000x128xf32, #tpu.memory_space<vmem>>, %arg4: memref<1x128xf32, #tpu.memory_space<vmem>>, %arg5: memref<32x128xf32, #tpu.memory_space<vmem>>, %arg6: memref<128x128xf32, #tpu.memory_space<vmem>>, %arg7: memref<1x128xf32, #tpu.memory_space<vmem>>, %arg8: memref<128x128xf32, #tpu.memory_space<vmem>>, %arg9: memref<1x128xf32, #tpu.memory_space<vmem>>, %arg10: memref<128x128xf32, #tpu.memory_space<vmem>>, %arg11: memref<1x128xf32, #tpu.memory_space<vmem>>, %arg12: memref<128x128xf32, #tpu.memory_space<vmem>>, %arg13: memref<1x128xf32, #tpu.memory_space<vmem>>, %arg14: memref<1x128xf32, #tpu.memory_space<vmem>>, %arg15: memref<1000x128xf32, #tpu.memory_space<vmem>>) attributes {dimension_semantics = [#tpu.dimension_semantics<arbitrary>], iteration_bounds = array<i64: 160>, scalar_prefetch = 0 : i64, scratch_operands = 0 : i64, tpu.core_type = #tpu.core_type<tc>, window_params = [{transform_indices = @transform_0, window_bounds = array<i64: 1000, 32>}, {transform_indices = @transform_1, window_bounds = array<i64: 1000, 128>}, {transform_indices = @transform_2, window_bounds = array<i64: 1000, 128>}, {pipeline_mode = #tpu.pipeline_mode<synchronous>, transform_indices = @transform_3, window_bounds = array<i64: 1, 128>}, {pipeline_mode = #tpu.pipeline_mode<synchronous>, transform_indices = @transform_4, window_bounds = array<i64: 32, 128>}, {pipeline_mode = #tpu.pipeline_mode<synchronous>, transform_indices = @transform_5, window_bounds = array<i64: 128, 128>}, {pipeline_mode = #tpu.pipeline_mode<synchronous>, transform_indices = @transform_6, window_bounds = array<i64: 1, 128>}, {pipeline_mode = #tpu.pipeline_mode<synchronous>, transform_indices = @transform_7, window_bounds = array<i64: 128, 128>}, {pipeline_mode = #tpu.pipeline_mode<synchronous>, transform_indices = @transform_8, window_bounds = array<i64: 1, 128>}, {pipeline_mode = #tpu.pipeline_mode<synchronous>, transform_indices = @transform_9, window_bounds = array<i64: 128, 128>}, {pipeline_mode = #tpu.pipeline_mode<synchronous>, transform_indices = @transform_10, window_bounds = array<i64: 1, 128>}, {pipeline_mode = #tpu.pipeline_mode<synchronous>, transform_indices = @transform_11, window_bounds = array<i64: 128, 128>}, {pipeline_mode = #tpu.pipeline_mode<synchronous>, transform_indices = @transform_12, window_bounds = array<i64: 1, 128>}, {pipeline_mode = #tpu.pipeline_mode<synchronous>, transform_indices = @transform_13, window_bounds = array<i64: 1, 128>}, {transform_indices = @transform_14, window_bounds = array<i64: 1000, 128>}]} {
    %get3A = arith.constant 0 : index
    %get3A_0 = arith.constant 0 : index
    %get3A_1 = vector.load %arg1[%get3A, %get3A_0] : memref<1000x32xf32, #tpu.memory_space<vmem>>, vector<1000x32xf32>
    %get3A_2 = arith.constant 0 : index
    %get3A_3 = arith.constant 0 : index
    %get3A_4 = vector.load %arg5[%get3A_2, %get3A_3] : memref<32x128xf32, #tpu.memory_space<vmem>>, vector<32x128xf32>
    %dot_general3A = arith.constant dense<0.000000e+00> : vector<1000x128xf32>
    %dot_general3A_5 = tpu.matmul %get3A_1, %get3A_4, %dot_general3A {dimension_numbers = #tpu.dot_dimension_numbers<[1], [0], [0], [1], [0, 0, 1, 1], [], []>, transpose_lhs_hint = false} : vector<1000x32xf32>, vector<32x128xf32>, vector<1000x128xf32> -> vector<1000x128xf32>
    %get3A_6 = arith.constant 0 : index
    %get3A_7 = arith.constant 0 : index
    %get3A_8 = vector.load %arg2[%get3A_6, %get3A_7] : memref<1000x128xf32, #tpu.memory_space<vmem>>, vector<1000x128xf32>
    %add3A = arith.addf %dot_general3A_5, %get3A_8 : vector<1000x128xf32>
    %get3A_9 = arith.constant 0 : index
    %get3A_10 = arith.constant 0 : index
    %get3A_11 = vector.load %arg3[%get3A_9, %get3A_10] : memref<1000x128xf32, #tpu.memory_space<vmem>>, vector<1000x128xf32>
    %add3A_12 = arith.addf %add3A, %get3A_11 : vector<1000x128xf32>
    %get3A_13 = arith.constant 0 : index
    %get3A_14 = arith.constant 0 : index
    %get3A_15 = vector.load %arg4[%get3A_13, %get3A_14] : memref<1x128xf32, #tpu.memory_space<vmem>>, vector<1x128xf32>
    %add3A_16 = vector.broadcast %get3A_15 : vector<1x128xf32> to vector<1000x128xf32>
    %add3A_17 = arith.addf %add3A_12, %add3A_16 : vector<1000x128xf32>
    %gt3A = arith.constant 0.000000e+00 : f32
    %gt3A_18 = vector.broadcast %gt3A : f32 to vector<1000x128xf32>
    %gt3A_19 = arith.cmpf ogt, %add3A_17, %gt3A_18 : vector<1000x128xf32>
    %mul3A = arith.constant 0.00999999977 : f32
    %mul3A_20 = vector.broadcast %mul3A : f32 to vector<1000x128xf32>
    %mul3A_21 = arith.mulf %mul3A_20, %add3A_17 : vector<1000x128xf32>
    %select_n3A = arith.select %gt3A_19, %add3A_17, %mul3A_21 : vector<1000x128xi1>, vector<1000x128xf32>
    %get3A_22 = arith.constant 0 : index
    %get3A_23 = arith.constant 0 : index
    %get3A_24 = vector.load %arg6[%get3A_22, %get3A_23] : memref<128x128xf32, #tpu.memory_space<vmem>>, vector<128x128xf32>
    %dot_general3A_25 = arith.constant dense<0.000000e+00> : vector<1000x128xf32>
    %dot_general3A_26 = tpu.matmul %select_n3A, %get3A_24, %dot_general3A_25 {dimension_numbers = #tpu.dot_dimension_numbers<[1], [0], [0], [1], [0, 0, 1, 1], [], []>, transpose_lhs_hint = false} : vector<1000x128xf32>, vector<128x128xf32>, vector<1000x128xf32> -> vector<1000x128xf32>
    %get3A_27 = arith.constant 0 : index
    %get3A_28 = arith.constant 0 : index
    %get3A_29 = vector.load %arg7[%get3A_27, %get3A_28] : memref<1x128xf32, #tpu.memory_space<vmem>>, vector<1x128xf32>
    %add3A_30 = vector.broadcast %get3A_29 : vector<1x128xf32> to vector<1000x128xf32>
    %add3A_31 = arith.addf %dot_general3A_26, %add3A_30 : vector<1000x128xf32>
    %gt3A_32 = arith.constant 0.000000e+00 : f32
    %gt3A_33 = vector.broadcast %gt3A_32 : f32 to vector<1000x128xf32>
    %gt3A_34 = arith.cmpf ogt, %add3A_31, %gt3A_33 : vector<1000x128xf32>
    %mul3A_35 = arith.constant 0.00999999977 : f32
    %mul3A_36 = vector.broadcast %mul3A_35 : f32 to vector<1000x128xf32>
    %mul3A_37 = arith.mulf %mul3A_36, %add3A_31 : vector<1000x128xf32>
    %select_n3A_38 = arith.select %gt3A_34, %add3A_31, %mul3A_37 : vector<1000x128xi1>, vector<1000x128xf32>
    %get3A_39 = arith.constant 0 : index
    %get3A_40 = arith.constant 0 : index
    %get3A_41 = vector.load %arg8[%get3A_39, %get3A_40] : memref<128x128xf32, #tpu.memory_space<vmem>>, vector<128x128xf32>
    %dot_general3A_42 = arith.constant dense<0.000000e+00> : vector<1000x128xf32>
    %dot_general3A_43 = tpu.matmul %select_n3A_38, %get3A_41, %dot_general3A_42 {dimension_numbers = #tpu.dot_dimension_numbers<[1], [0], [0], [1], [0, 0, 1, 1], [], []>, transpose_lhs_hint = false} : vector<1000x128xf32>, vector<128x128xf32>, vector<1000x128xf32> -> vector<1000x128xf32>
    %get3A_44 = arith.constant 0 : index
    %get3A_45 = arith.constant 0 : index
    %get3A_46 = vector.load %arg9[%get3A_44, %get3A_45] : memref<1x128xf32, #tpu.memory_space<vmem>>, vector<1x128xf32>
    %add3A_47 = vector.broadcast %get3A_46 : vector<1x128xf32> to vector<1000x128xf32>
    %add3A_48 = arith.addf %dot_general3A_43, %add3A_47 : vector<1000x128xf32>
    %gt3A_49 = arith.constant 0.000000e+00 : f32
    %gt3A_50 = vector.broadcast %gt3A_49 : f32 to vector<1000x128xf32>
    %gt3A_51 = arith.cmpf ogt, %add3A_48, %gt3A_50 : vector<1000x128xf32>
    %mul3A_52 = arith.constant 0.00999999977 : f32
    %mul3A_53 = vector.broadcast %mul3A_52 : f32 to vector<1000x128xf32>
    %mul3A_54 = arith.mulf %mul3A_53, %add3A_48 : vector<1000x128xf32>
    %select_n3A_55 = arith.select %gt3A_51, %add3A_48, %mul3A_54 : vector<1000x128xi1>, vector<1000x128xf32>
    %get3A_56 = arith.constant 0 : index
    %get3A_57 = arith.constant 0 : index
    %get3A_58 = vector.load %arg10[%get3A_56, %get3A_57] : memref<128x128xf32, #tpu.memory_space<vmem>>, vector<128x128xf32>
    %dot_general3A_59 = arith.constant dense<0.000000e+00> : vector<1000x128xf32>
    %dot_general3A_60 = tpu.matmul %select_n3A_55, %get3A_58, %dot_general3A_59 {dimension_numbers = #tpu.dot_dimension_numbers<[1], [0], [0], [1], [0, 0, 1, 1], [], []>, transpose_lhs_hint = false} : vector<1000x128xf32>, vector<128x128xf32>, vector<1000x128xf32> -> vector<1000x128xf32>
    %get3A_61 = arith.constant 0 : index
    %get3A_62 = arith.constant 0 : index
    %get3A_63 = vector.load %arg11[%get3A_61, %get3A_62] : memref<1x128xf32, #tpu.memory_space<vmem>>, vector<1x128xf32>
    %add3A_64 = vector.broadcast %get3A_63 : vector<1x128xf32> to vector<1000x128xf32>
    %add3A_65 = arith.addf %dot_general3A_60, %add3A_64 : vector<1000x128xf32>
    %get3A_66 = arith.constant 0 : index
    %get3A_67 = arith.constant 0 : index
    %get3A_68 = vector.load %arg12[%get3A_66, %get3A_67] : memref<128x128xf32, #tpu.memory_space<vmem>>, vector<128x128xf32>
    %get3A_69 = arith.constant 0 : index
    %get3A_70 = arith.constant 0 : index
    %get3A_71 = vector.load %arg13[%get3A_69, %get3A_70] : memref<1x128xf32, #tpu.memory_space<vmem>>, vector<1x128xf32>
    %get3A_72 = arith.constant 0 : index
    %get3A_73 = arith.constant 0 : index
    %get3A_74 = vector.load %arg14[%get3A_72, %get3A_73] : memref<1x128xf32, #tpu.memory_space<vmem>>, vector<1x128xf32>
    %dot_general3A_75 = arith.constant dense<0.000000e+00> : vector<1000x128xf32>
    %dot_general3A_76 = tpu.matmul %add3A_65, %get3A_68, %dot_general3A_75 {dimension_numbers = #tpu.dot_dimension_numbers<[1], [0], [0], [1], [0, 0, 1, 1], [], []>, transpose_lhs_hint = false} : vector<1000x128xf32>, vector<128x128xf32>, vector<1000x128xf32> -> vector<1000x128xf32>
    %sub3A = arith.subf %add3A_65, %dot_general3A_76 : vector<1000x128xf32>
    %mul3A_77 = arith.mulf %sub3A, %sub3A : vector<1000x128xf32>
    %dot_general3A_78 = arith.constant dense<0.000000e+00> : vector<1000x128xf32>
    %dot_general3A_79 = tpu.matmul %mul3A_77, %get3A_68, %dot_general3A_78 {dimension_numbers = #tpu.dot_dimension_numbers<[1], [0], [0], [1], [0, 0, 1, 1], [], []>, transpose_lhs_hint = false} : vector<1000x128xf32>, vector<128x128xf32>, vector<1000x128xf32> -> vector<1000x128xf32>
    %add3A_80 = arith.constant 9.99999974E-6 : f32
    %add3A_81 = vector.broadcast %add3A_80 : f32 to vector<1000x128xf32>
    %add3A_82 = arith.addf %dot_general3A_79, %add3A_81 : vector<1000x128xf32>
    %rsqrt3A = math.rsqrt %add3A_82 : vector<1000x128xf32>
    %mul3A_83 = arith.mulf %sub3A, %rsqrt3A : vector<1000x128xf32>
    %mul3A_84 = vector.broadcast %get3A_71 : vector<1x128xf32> to vector<1000x128xf32>
    %mul3A_85 = arith.mulf %mul3A_83, %mul3A_84 : vector<1000x128xf32>
    %add3A_86 = vector.broadcast %get3A_74 : vector<1x128xf32> to vector<1000x128xf32>
    %add3A_87 = arith.addf %mul3A_85, %add3A_86 : vector<1000x128xf32>
    %swap3A = arith.constant 0 : index
    %swap3A_88 = arith.constant 0 : index
    %swap3A_89 = vector.load %arg15[%swap3A, %swap3A_88] : memref<1000x128xf32, #tpu.memory_space<vmem>>, vector<1000x128xf32>
    tpu.vector_store %arg15[%swap3A, %swap3A_88], %add3A_87 {strides = array<i32>} : memref<1000x128xf32, #tpu.memory_space<vmem>>, vector<1000x128xf32>,
    return
  }
  func.func @transform_0(%arg0: i32) -> (i32, i32) {
    %c0_i32 = arith.constant 0 : i32
    %c0_i32_0 = arith.constant 0 : i32
    return %arg0, %c0_i32 : i32, i32
  }
  func.func @transform_1(%arg0: i32) -> (i32, i32) {
    %c0_i32 = arith.constant 0 : i32
    %c0_i32_0 = arith.constant 0 : i32
    return %arg0, %c0_i32 : i32, i32
  }
  func.func @transform_2(%arg0: i32) -> (i32, i32) {
    %c0_i32 = arith.constant 0 : i32
    %c0_i32_0 = arith.constant 0 : i32
    return %arg0, %c0_i32 : i32, i32
  }
  func.func @transform_3(%arg0: i32) -> (i32, i32) {
    %c0_i32 = arith.constant 0 : i32
    %c0_i32_0 = arith.constant 0 : i32
    %c0_i32_1 = arith.constant 0 : i32
    return %c0_i32, %c0_i32_0 : i32, i32
  }
  func.func @transform_4(%arg0: i32) -> (i32, i32) {
    %c0_i32 = arith.constant 0 : i32
    %c0_i32_0 = arith.constant 0 : i32
    %c0_i32_1 = arith.constant 0 : i32
    return %c0_i32, %c0_i32_0 : i32, i32
  }
  func.func @transform_5(%arg0: i32) -> (i32, i32) {
    %c0_i32 = arith.constant 0 : i32
    %c0_i32_0 = arith.constant 0 : i32
    %c0_i32_1 = arith.constant 0 : i32
    return %c0_i32, %c0_i32_0 : i32, i32
  }
  func.func @transform_6(%arg0: i32) -> (i32, i32) {
    %c0_i32 = arith.constant 0 : i32
    %c0_i32_0 = arith.constant 0 : i32
    %c0_i32_1 = arith.constant 0 : i32
    return %c0_i32, %c0_i32_0 : i32, i32
  }
  func.func @transform_7(%arg0: i32) -> (i32, i32) {
    %c0_i32 = arith.constant 0 : i32
    %c0_i32_0 = arith.constant 0 : i32
    %c0_i32_1 = arith.constant 0 : i32
    return %c0_i32, %c0_i32_0 : i32, i32
  }
  func.func @transform_8(%arg0: i32) -> (i32, i32) {
    %c0_i32 = arith.constant 0 : i32
    %c0_i32_0 = arith.constant 0 : i32
    %c0_i32_1 = arith.constant 0 : i32
    return %c0_i32, %c0_i32_0 : i32, i32
  }
  func.func @transform_9(%arg0: i32) -> (i32, i32) {
    %c0_i32 = arith.constant 0 : i32
    %c0_i32_0 = arith.constant 0 : i32
    %c0_i32_1 = arith.constant 0 : i32
    return %c0_i32, %c0_i32_0 : i32, i32
  }
  func.func @transform_10(%arg0: i32) -> (i32, i32) {
    %c0_i32 = arith.constant 0 : i32
    %c0_i32_0 = arith.constant 0 : i32
    %c0_i32_1 = arith.constant 0 : i32
    return %c0_i32, %c0_i32_0 : i32, i32
  }
  func.func @transform_11(%arg0: i32) -> (i32, i32) {
    %c0_i32 = arith.constant 0 : i32
    %c0_i32_0 = arith.constant 0 : i32
    %c0_i32_1 = arith.constant 0 : i32
    return %c0_i32, %c0_i32_0 : i32, i32
  }
  func.func @transform_12(%arg0: i32) -> (i32, i32) {
    %c0_i32 = arith.constant 0 : i32
    %c0_i32_0 = arith.constant 0 : i32
    %c0_i32_1 = arith.constant 0 : i32
    return %c0_i32, %c0_i32_0 : i32, i32
  }
  func.func @transform_13(%arg0: i32) -> (i32, i32) {
    %c0_i32 = arith.constant 0 : i32
    %c0_i32_0 = arith.constant 0 : i32
    %c0_i32_1 = arith.constant 0 : i32
    return %c0_i32, %c0_i32_0 : i32, i32
  }
  func.func @transform_14(%arg0: i32) -> (i32, i32) {
    %c0_i32 = arith.constant 0 : i32
    %c0_i32_0 = arith.constant 0 : i32
    return %arg0, %c0_i32 : i32, i32
  }
}

module attributes {stable_mosaic.version = 14 : i64} {
  func.func @_enc_node_body(%arg0: memref<5000x256xf32, #tpu.memory_space<vmem>>, %arg1: memref<5000x128xf32, #tpu.memory_space<vmem>>, %arg2: memref<5000x128xf32, #tpu.memory_space<vmem>>, %arg3: memref<256x128xf32, #tpu.memory_space<vmem>>, %arg4: memref<128x128xf32, #tpu.memory_space<vmem>>, %arg5: memref<1x128xf32, #tpu.memory_space<vmem>>, %arg6: memref<128x128xf32, #tpu.memory_space<vmem>>, %arg7: memref<1x128xf32, #tpu.memory_space<vmem>>, %arg8: memref<128x128xf32, #tpu.memory_space<vmem>>, %arg9: memref<1x128xf32, #tpu.memory_space<vmem>>, %arg10: memref<128x128xf32, #tpu.memory_space<vmem>>, %arg11: memref<1x128xf32, #tpu.memory_space<vmem>>, %arg12: memref<128x128xf32, #tpu.memory_space<vmem>>, %arg13: memref<1x128xf32, #tpu.memory_space<vmem>>, %arg14: memref<1x128xf32, #tpu.memory_space<vmem>>, %arg15: memref<128x128xf32, #tpu.memory_space<vmem>>, %arg16: memref<128x128xf32, #tpu.memory_space<vmem>>, %arg17: memref<128x128xf32, #tpu.memory_space<vmem>>, %arg18: memref<128x128xf32, #tpu.memory_space<vmem>>, %arg19: memref<128x128xf32, #tpu.memory_space<vmem>>, %arg20: memref<128x128xf32, #tpu.memory_space<vmem>>, %arg21: memref<1x128xf32, #tpu.memory_space<vmem>>, %arg22: memref<5000x128xf32, #tpu.memory_space<vmem>>, %arg23: memref<5000x128xf32, #tpu.memory_space<vmem>>, %arg24: memref<5000x128xf32, #tpu.memory_space<vmem>>, %arg25: memref<5000x128xf32, #tpu.memory_space<vmem>>, %arg26: memref<5000x128xf32, #tpu.memory_space<vmem>>, %arg27: memref<5000x128xf32, #tpu.memory_space<vmem>>) attributes {dimension_semantics = [], scalar_prefetch = 0 : i64, scratch_operands = 0 : i64, tpu.core_type = #tpu.core_type<tc>} {
    %get3A = arith.constant 0 : index
    %get3A_0 = arith.constant 0 : index
    %get3A_1 = vector.load %arg1[%get3A, %get3A_0] : memref<5000x128xf32, #tpu.memory_space<vmem>>, vector<5000x128xf32>
    %get3A_2 = arith.constant 0 : index
    %get3A_3 = arith.constant 0 : index
    %get3A_4 = vector.load %arg2[%get3A_2, %get3A_3] : memref<5000x128xf32, #tpu.memory_space<vmem>>, vector<5000x128xf32>
    %add3A = arith.addf %get3A_1, %get3A_4 : vector<5000x128xf32>
    %get3A_5 = arith.constant 0 : index
    %get3A_6 = arith.constant 0 : index
    %get3A_7 = vector.load %arg0[%get3A_5, %get3A_6] : memref<5000x256xf32, #tpu.memory_space<vmem>>, vector<5000x256xf32>
    %get3A_8 = arith.constant 0 : index
    %get3A_9 = arith.constant 0 : index
    %get3A_10 = vector.load %arg3[%get3A_8, %get3A_9] : memref<256x128xf32, #tpu.memory_space<vmem>>, vector<256x128xf32>
    %dot_general3A = arith.constant dense<0.000000e+00> : vector<5000x128xf32>
    %dot_general3A_11 = tpu.matmul %get3A_7, %get3A_10, %dot_general3A {dimension_numbers = #tpu.dot_dimension_numbers<[1], [0], [0], [1], [0, 0, 1, 1], [], []>, transpose_lhs_hint = false} : vector<5000x256xf32>, vector<256x128xf32>, vector<5000x128xf32> -> vector<5000x128xf32>
    %get3A_12 = arith.constant 0 : index
    %get3A_13 = arith.constant 0 : index
    %get3A_14 = vector.load %arg4[%get3A_12, %get3A_13] : memref<128x128xf32, #tpu.memory_space<vmem>>, vector<128x128xf32>
    %dot_general3A_15 = arith.constant dense<0.000000e+00> : vector<5000x128xf32>
    %dot_general3A_16 = tpu.matmul %add3A, %get3A_14, %dot_general3A_15 {dimension_numbers = #tpu.dot_dimension_numbers<[1], [0], [0], [1], [0, 0, 1, 1], [], []>, transpose_lhs_hint = false} : vector<5000x128xf32>, vector<128x128xf32>, vector<5000x128xf32> -> vector<5000x128xf32>
    %add3A_17 = arith.addf %dot_general3A_11, %dot_general3A_16 : vector<5000x128xf32>
    %get3A_18 = arith.constant 0 : index
    %get3A_19 = arith.constant 0 : index
    %get3A_20 = vector.load %arg5[%get3A_18, %get3A_19] : memref<1x128xf32, #tpu.memory_space<vmem>>, vector<1x128xf32>
    %add3A_21 = vector.broadcast %get3A_20 : vector<1x128xf32> to vector<5000x128xf32>
    %add3A_22 = arith.addf %add3A_17, %add3A_21 : vector<5000x128xf32>
    %gt3A = arith.constant 0.000000e+00 : f32
    %gt3A_23 = vector.broadcast %gt3A : f32 to vector<5000x128xf32>
    %gt3A_24 = arith.cmpf ogt, %add3A_22, %gt3A_23 : vector<5000x128xf32>
    %mul3A = arith.constant 0.00999999977 : f32
    %mul3A_25 = vector.broadcast %mul3A : f32 to vector<5000x128xf32>
    %mul3A_26 = arith.mulf %mul3A_25, %add3A_22 : vector<5000x128xf32>
    %select_n3A = arith.select %gt3A_24, %add3A_22, %mul3A_26 : vector<5000x128xi1>, vector<5000x128xf32>
    %get3A_27 = arith.constant 0 : index
    %get3A_28 = arith.constant 0 : index
    %get3A_29 = vector.load %arg6[%get3A_27, %get3A_28] : memref<128x128xf32, #tpu.memory_space<vmem>>, vector<128x128xf32>
    %dot_general3A_30 = arith.constant dense<0.000000e+00> : vector<5000x128xf32>
    %dot_general3A_31 = tpu.matmul %select_n3A, %get3A_29, %dot_general3A_30 {dimension_numbers = #tpu.dot_dimension_numbers<[1], [0], [0], [1], [0, 0, 1, 1], [], []>, transpose_lhs_hint = false} : vector<5000x128xf32>, vector<128x128xf32>, vector<5000x128xf32> -> vector<5000x128xf32>
    %get3A_32 = arith.constant 0 : index
    %get3A_33 = arith.constant 0 : index
    %get3A_34 = vector.load %arg7[%get3A_32, %get3A_33] : memref<1x128xf32, #tpu.memory_space<vmem>>, vector<1x128xf32>
    %add3A_35 = vector.broadcast %get3A_34 : vector<1x128xf32> to vector<5000x128xf32>
    %add3A_36 = arith.addf %dot_general3A_31, %add3A_35 : vector<5000x128xf32>
    %gt3A_37 = arith.constant 0.000000e+00 : f32
    %gt3A_38 = vector.broadcast %gt3A_37 : f32 to vector<5000x128xf32>
    %gt3A_39 = arith.cmpf ogt, %add3A_36, %gt3A_38 : vector<5000x128xf32>
    %mul3A_40 = arith.constant 0.00999999977 : f32
    %mul3A_41 = vector.broadcast %mul3A_40 : f32 to vector<5000x128xf32>
    %mul3A_42 = arith.mulf %mul3A_41, %add3A_36 : vector<5000x128xf32>
    %select_n3A_43 = arith.select %gt3A_39, %add3A_36, %mul3A_42 : vector<5000x128xi1>, vector<5000x128xf32>
    %get3A_44 = arith.constant 0 : index
    %get3A_45 = arith.constant 0 : index
    %get3A_46 = vector.load %arg8[%get3A_44, %get3A_45] : memref<128x128xf32, #tpu.memory_space<vmem>>, vector<128x128xf32>
    %dot_general3A_47 = arith.constant dense<0.000000e+00> : vector<5000x128xf32>
    %dot_general3A_48 = tpu.matmul %select_n3A_43, %get3A_46, %dot_general3A_47 {dimension_numbers = #tpu.dot_dimension_numbers<[1], [0], [0], [1], [0, 0, 1, 1], [], []>, transpose_lhs_hint = false} : vector<5000x128xf32>, vector<128x128xf32>, vector<5000x128xf32> -> vector<5000x128xf32>
    %get3A_49 = arith.constant 0 : index
    %get3A_50 = arith.constant 0 : index
    %get3A_51 = vector.load %arg9[%get3A_49, %get3A_50] : memref<1x128xf32, #tpu.memory_space<vmem>>, vector<1x128xf32>
    %add3A_52 = vector.broadcast %get3A_51 : vector<1x128xf32> to vector<5000x128xf32>
    %add3A_53 = arith.addf %dot_general3A_48, %add3A_52 : vector<5000x128xf32>
    %gt3A_54 = arith.constant 0.000000e+00 : f32
    %gt3A_55 = vector.broadcast %gt3A_54 : f32 to vector<5000x128xf32>
    %gt3A_56 = arith.cmpf ogt, %add3A_53, %gt3A_55 : vector<5000x128xf32>
    %mul3A_57 = arith.constant 0.00999999977 : f32
    %mul3A_58 = vector.broadcast %mul3A_57 : f32 to vector<5000x128xf32>
    %mul3A_59 = arith.mulf %mul3A_58, %add3A_53 : vector<5000x128xf32>
    %select_n3A_60 = arith.select %gt3A_56, %add3A_53, %mul3A_59 : vector<5000x128xi1>, vector<5000x128xf32>
    %get3A_61 = arith.constant 0 : index
    %get3A_62 = arith.constant 0 : index
    %get3A_63 = vector.load %arg10[%get3A_61, %get3A_62] : memref<128x128xf32, #tpu.memory_space<vmem>>, vector<128x128xf32>
    %dot_general3A_64 = arith.constant dense<0.000000e+00> : vector<5000x128xf32>
    %dot_general3A_65 = tpu.matmul %select_n3A_60, %get3A_63, %dot_general3A_64 {dimension_numbers = #tpu.dot_dimension_numbers<[1], [0], [0], [1], [0, 0, 1, 1], [], []>, transpose_lhs_hint = false} : vector<5000x128xf32>, vector<128x128xf32>, vector<5000x128xf32> -> vector<5000x128xf32>
    %get3A_66 = arith.constant 0 : index
    %get3A_67 = arith.constant 0 : index
    %get3A_68 = vector.load %arg11[%get3A_66, %get3A_67] : memref<1x128xf32, #tpu.memory_space<vmem>>, vector<1x128xf32>
    %add3A_69 = vector.broadcast %get3A_68 : vector<1x128xf32> to vector<5000x128xf32>
    %add3A_70 = arith.addf %dot_general3A_65, %add3A_69 : vector<5000x128xf32>
    %get3A_71 = arith.constant 0 : index
    %get3A_72 = arith.constant 0 : index
    %get3A_73 = vector.load %arg12[%get3A_71, %get3A_72] : memref<128x128xf32, #tpu.memory_space<vmem>>, vector<128x128xf32>
    %get3A_74 = arith.constant 0 : index
    %get3A_75 = arith.constant 0 : index
    %get3A_76 = vector.load %arg13[%get3A_74, %get3A_75] : memref<1x128xf32, #tpu.memory_space<vmem>>, vector<1x128xf32>
    %get3A_77 = arith.constant 0 : index
    %get3A_78 = arith.constant 0 : index
    %get3A_79 = vector.load %arg14[%get3A_77, %get3A_78] : memref<1x128xf32, #tpu.memory_space<vmem>>, vector<1x128xf32>
    %dot_general3A_80 = arith.constant dense<0.000000e+00> : vector<5000x128xf32>
    %dot_general3A_81 = tpu.matmul %add3A_70, %get3A_73, %dot_general3A_80 {dimension_numbers = #tpu.dot_dimension_numbers<[1], [0], [0], [1], [0, 0, 1, 1], [], []>, transpose_lhs_hint = false} : vector<5000x128xf32>, vector<128x128xf32>, vector<5000x128xf32> -> vector<5000x128xf32>
    %sub3A = arith.subf %add3A_70, %dot_general3A_81 : vector<5000x128xf32>
    %mul3A_82 = arith.mulf %sub3A, %sub3A : vector<5000x128xf32>
    %dot_general3A_83 = arith.constant dense<0.000000e+00> : vector<5000x128xf32>
    %dot_general3A_84 = tpu.matmul %mul3A_82, %get3A_73, %dot_general3A_83 {dimension_numbers = #tpu.dot_dimension_numbers<[1], [0], [0], [1], [0, 0, 1, 1], [], []>, transpose_lhs_hint = false} : vector<5000x128xf32>, vector<128x128xf32>, vector<5000x128xf32> -> vector<5000x128xf32>
    %add3A_85 = arith.constant 9.99999974E-6 : f32
    %add3A_86 = vector.broadcast %add3A_85 : f32 to vector<5000x128xf32>
    %add3A_87 = arith.addf %dot_general3A_84, %add3A_86 : vector<5000x128xf32>
    %rsqrt3A = math.rsqrt %add3A_87 : vector<5000x128xf32>
    %mul3A_88 = arith.mulf %sub3A, %rsqrt3A : vector<5000x128xf32>
    %mul3A_89 = vector.broadcast %get3A_76 : vector<1x128xf32> to vector<5000x128xf32>
    %mul3A_90 = arith.mulf %mul3A_88, %mul3A_89 : vector<5000x128xf32>
    %add3A_91 = vector.broadcast %get3A_79 : vector<1x128xf32> to vector<5000x128xf32>
    %add3A_92 = arith.addf %mul3A_90, %add3A_91 : vector<5000x128xf32>
    %swap3A = arith.constant 0 : index
    %swap3A_93 = arith.constant 0 : index
    %swap3A_94 = vector.load %arg22[%swap3A, %swap3A_93] : memref<5000x128xf32, #tpu.memory_space<vmem>>, vector<5000x128xf32>
    tpu.vector_store %arg22[%swap3A, %swap3A_93], %add3A_92 {strides = array<i32>} : memref<5000x128xf32, #tpu.memory_space<vmem>>, vector<5000x128xf32>,
    %get3A_95 = arith.constant 0 : index
    %get3A_96 = arith.constant 0 : index
    %get3A_97 = vector.load %arg15[%get3A_95, %get3A_96] : memref<128x128xf32, #tpu.memory_space<vmem>>, vector<128x128xf32>
    %dot_general3A_98 = arith.constant dense<0.000000e+00> : vector<5000x128xf32>
    %dot_general3A_99 = tpu.matmul %add3A_92, %get3A_97, %dot_general3A_98 {dimension_numbers = #tpu.dot_dimension_numbers<[1], [0], [0], [1], [0, 0, 1, 1], [], []>, transpose_lhs_hint = false} : vector<5000x128xf32>, vector<128x128xf32>, vector<5000x128xf32> -> vector<5000x128xf32>
    %swap3A_100 = arith.constant 0 : index
    %swap3A_101 = arith.constant 0 : index
    %swap3A_102 = vector.load %arg25[%swap3A_100, %swap3A_101] : memref<5000x128xf32, #tpu.memory_space<vmem>>, vector<5000x128xf32>
    tpu.vector_store %arg25[%swap3A_100, %swap3A_101], %dot_general3A_99 {strides = array<i32>} : memref<5000x128xf32, #tpu.memory_space<vmem>>, vector<5000x128xf32>,
    %get3A_103 = arith.constant 0 : index
    %get3A_104 = arith.constant 0 : index
    %get3A_105 = vector.load %arg16[%get3A_103, %get3A_104] : memref<128x128xf32, #tpu.memory_space<vmem>>, vector<128x128xf32>
    %dot_general3A_106 = arith.constant dense<0.000000e+00> : vector<5000x128xf32>
    %dot_general3A_107 = tpu.matmul %add3A_92, %get3A_105, %dot_general3A_106 {dimension_numbers = #tpu.dot_dimension_numbers<[1], [0], [0], [1], [0, 0, 1, 1], [], []>, transpose_lhs_hint = false} : vector<5000x128xf32>, vector<128x128xf32>, vector<5000x128xf32> -> vector<5000x128xf32>
    %swap3A_108 = arith.constant 0 : index
    %swap3A_109 = arith.constant 0 : index
    %swap3A_110 = vector.load %arg26[%swap3A_108, %swap3A_109] : memref<5000x128xf32, #tpu.memory_space<vmem>>, vector<5000x128xf32>
    tpu.vector_store %arg26[%swap3A_108, %swap3A_109], %dot_general3A_107 {strides = array<i32>} : memref<5000x128xf32, #tpu.memory_space<vmem>>, vector<5000x128xf32>,
    %get3A_111 = arith.constant 0 : index
    %get3A_112 = arith.constant 0 : index
    %get3A_113 = vector.load %arg17[%get3A_111, %get3A_112] : memref<128x128xf32, #tpu.memory_space<vmem>>, vector<128x128xf32>
    %dot_general3A_114 = arith.constant dense<0.000000e+00> : vector<5000x128xf32>
    %dot_general3A_115 = tpu.matmul %add3A_92, %get3A_113, %dot_general3A_114 {dimension_numbers = #tpu.dot_dimension_numbers<[1], [0], [0], [1], [0, 0, 1, 1], [], []>, transpose_lhs_hint = false} : vector<5000x128xf32>, vector<128x128xf32>, vector<5000x128xf32> -> vector<5000x128xf32>
    %swap3A_116 = arith.constant 0 : index
    %swap3A_117 = arith.constant 0 : index
    %swap3A_118 = vector.load %arg23[%swap3A_116, %swap3A_117] : memref<5000x128xf32, #tpu.memory_space<vmem>>, vector<5000x128xf32>
    tpu.vector_store %arg23[%swap3A_116, %swap3A_117], %dot_general3A_115 {strides = array<i32>} : memref<5000x128xf32, #tpu.memory_space<vmem>>, vector<5000x128xf32>,
    %get3A_119 = arith.constant 0 : index
    %get3A_120 = arith.constant 0 : index
    %get3A_121 = vector.load %arg18[%get3A_119, %get3A_120] : memref<128x128xf32, #tpu.memory_space<vmem>>, vector<128x128xf32>
    %dot_general3A_122 = arith.constant dense<0.000000e+00> : vector<5000x128xf32>
    %dot_general3A_123 = tpu.matmul %add3A_92, %get3A_121, %dot_general3A_122 {dimension_numbers = #tpu.dot_dimension_numbers<[1], [0], [0], [1], [0, 0, 1, 1], [], []>, transpose_lhs_hint = false} : vector<5000x128xf32>, vector<128x128xf32>, vector<5000x128xf32> -> vector<5000x128xf32>
    %swap3A_124 = arith.constant 0 : index
    %swap3A_125 = arith.constant 0 : index
    %swap3A_126 = vector.load %arg24[%swap3A_124, %swap3A_125] : memref<5000x128xf32, #tpu.memory_space<vmem>>, vector<5000x128xf32>
    tpu.vector_store %arg24[%swap3A_124, %swap3A_125], %dot_general3A_123 {strides = array<i32>} : memref<5000x128xf32, #tpu.memory_space<vmem>>, vector<5000x128xf32>,
    %get3A_127 = arith.constant 0 : index
    %get3A_128 = arith.constant 0 : index
    %get3A_129 = vector.load %arg19[%get3A_127, %get3A_128] : memref<128x128xf32, #tpu.memory_space<vmem>>, vector<128x128xf32>
    %dot_general3A_130 = arith.constant dense<0.000000e+00> : vector<5000x128xf32>
    %dot_general3A_131 = tpu.matmul %add3A_92, %get3A_129, %dot_general3A_130 {dimension_numbers = #tpu.dot_dimension_numbers<[1], [0], [0], [1], [0, 0, 1, 1], [], []>, transpose_lhs_hint = false} : vector<5000x128xf32>, vector<128x128xf32>, vector<5000x128xf32> -> vector<5000x128xf32>
    %get3A_132 = arith.constant 0 : index
    %get3A_133 = arith.constant 0 : index
    %get3A_134 = vector.load %arg20[%get3A_132, %get3A_133] : memref<128x128xf32, #tpu.memory_space<vmem>>, vector<128x128xf32>
    %dot_general3A_135 = arith.constant dense<0.000000e+00> : vector<5000x128xf32>
    %dot_general3A_136 = tpu.matmul %add3A, %get3A_134, %dot_general3A_135 {dimension_numbers = #tpu.dot_dimension_numbers<[1], [0], [0], [1], [0, 0, 1, 1], [], []>, transpose_lhs_hint = false} : vector<5000x128xf32>, vector<128x128xf32>, vector<5000x128xf32> -> vector<5000x128xf32>
    %add3A_137 = arith.addf %dot_general3A_131, %dot_general3A_136 : vector<5000x128xf32>
    %get3A_138 = arith.constant 0 : index
    %get3A_139 = arith.constant 0 : index
    %get3A_140 = vector.load %arg21[%get3A_138, %get3A_139] : memref<1x128xf32, #tpu.memory_space<vmem>>, vector<1x128xf32>
    %add3A_141 = vector.broadcast %get3A_140 : vector<1x128xf32> to vector<5000x128xf32>
    %add3A_142 = arith.addf %add3A_137, %add3A_141 : vector<5000x128xf32>
    %swap3A_143 = arith.constant 0 : index
    %swap3A_144 = arith.constant 0 : index
    %swap3A_145 = vector.load %arg27[%swap3A_143, %swap3A_144] : memref<5000x128xf32, #tpu.memory_space<vmem>>, vector<5000x128xf32>
    tpu.vector_store %arg27[%swap3A_143, %swap3A_144], %add3A_142 {strides = array<i32>} : memref<5000x128xf32, #tpu.memory_space<vmem>>, vector<5000x128xf32>,
    return
  }
}

module attributes {stable_mosaic.version = 14 : i64} {
  func.func @_ce_body(%arg0: i32, %arg1: memref<1000x128xf32, #tpu.memory_space<vmem>>, %arg2: memref<1000x128xf32, #tpu.memory_space<vmem>>, %arg3: memref<1000x128xf32, #tpu.memory_space<vmem>>, %arg4: memref<128x128xf32, #tpu.memory_space<vmem>>, %arg5: memref<1x128xf32, #tpu.memory_space<vmem>>, %arg6: memref<1000x128xf32, #tpu.memory_space<vmem>>) attributes {dimension_semantics = [#tpu.dimension_semantics<arbitrary>], iteration_bounds = array<i64: 160>, scalar_prefetch = 0 : i64, scratch_operands = 0 : i64, tpu.core_type = #tpu.core_type<tc>, window_params = [{transform_indices = @transform_0, window_bounds = array<i64: 1000, 128>}, {transform_indices = @transform_1, window_bounds = array<i64: 1000, 128>}, {transform_indices = @transform_2, window_bounds = array<i64: 1000, 128>}, {pipeline_mode = #tpu.pipeline_mode<synchronous>, transform_indices = @transform_3, window_bounds = array<i64: 128, 128>}, {pipeline_mode = #tpu.pipeline_mode<synchronous>, transform_indices = @transform_4, window_bounds = array<i64: 1, 128>}, {transform_indices = @transform_5, window_bounds = array<i64: 1000, 128>}]} {
    %get3A = arith.constant 0 : index
    %get3A_0 = arith.constant 0 : index
    %get3A_1 = vector.load %arg1[%get3A, %get3A_0] : memref<1000x128xf32, #tpu.memory_space<vmem>>, vector<1000x128xf32>
    %get3A_2 = arith.constant 0 : index
    %get3A_3 = arith.constant 0 : index
    %get3A_4 = vector.load %arg4[%get3A_2, %get3A_3] : memref<128x128xf32, #tpu.memory_space<vmem>>, vector<128x128xf32>
    %dot_general3A = arith.constant dense<0.000000e+00> : vector<1000x128xf32>
    %dot_general3A_5 = tpu.matmul %get3A_1, %get3A_4, %dot_general3A {dimension_numbers = #tpu.dot_dimension_numbers<[1], [0], [0], [1], [0, 0, 1, 1], [], []>, transpose_lhs_hint = false} : vector<1000x128xf32>, vector<128x128xf32>, vector<1000x128xf32> -> vector<1000x128xf32>
    %get3A_6 = arith.constant 0 : index
    %get3A_7 = arith.constant 0 : index
    %get3A_8 = vector.load %arg2[%get3A_6, %get3A_7] : memref<1000x128xf32, #tpu.memory_space<vmem>>, vector<1000x128xf32>
    %add3A = arith.addf %dot_general3A_5, %get3A_8 : vector<1000x128xf32>
    %get3A_9 = arith.constant 0 : index
    %get3A_10 = arith.constant 0 : index
    %get3A_11 = vector.load %arg3[%get3A_9, %get3A_10] : memref<1000x128xf32, #tpu.memory_space<vmem>>, vector<1000x128xf32>
    %add3A_12 = arith.addf %add3A, %get3A_11 : vector<1000x128xf32>
    %get3A_13 = arith.constant 0 : index
    %get3A_14 = arith.constant 0 : index
    %get3A_15 = vector.load %arg5[%get3A_13, %get3A_14] : memref<1x128xf32, #tpu.memory_space<vmem>>, vector<1x128xf32>
    %add3A_16 = vector.broadcast %get3A_15 : vector<1x128xf32> to vector<1000x128xf32>
    %add3A_17 = arith.addf %add3A_12, %add3A_16 : vector<1000x128xf32>
    %swap3A = arith.constant 0 : index
    %swap3A_18 = arith.constant 0 : index
    %swap3A_19 = vector.load %arg6[%swap3A, %swap3A_18] : memref<1000x128xf32, #tpu.memory_space<vmem>>, vector<1000x128xf32>
    tpu.vector_store %arg6[%swap3A, %swap3A_18], %add3A_17 {strides = array<i32>} : memref<1000x128xf32, #tpu.memory_space<vmem>>, vector<1000x128xf32>,
    return
  }
  func.func @transform_0(%arg0: i32) -> (i32, i32) {
    %c0_i32 = arith.constant 0 : i32
    %c0_i32_0 = arith.constant 0 : i32
    return %arg0, %c0_i32 : i32, i32
  }
  func.func @transform_1(%arg0: i32) -> (i32, i32) {
    %c0_i32 = arith.constant 0 : i32
    %c0_i32_0 = arith.constant 0 : i32
    return %arg0, %c0_i32 : i32, i32
  }
  func.func @transform_2(%arg0: i32) -> (i32, i32) {
    %c0_i32 = arith.constant 0 : i32
    %c0_i32_0 = arith.constant 0 : i32
    return %arg0, %c0_i32 : i32, i32
  }
  func.func @transform_3(%arg0: i32) -> (i32, i32) {
    %c0_i32 = arith.constant 0 : i32
    %c0_i32_0 = arith.constant 0 : i32
    %c0_i32_1 = arith.constant 0 : i32
    return %c0_i32, %c0_i32_0 : i32, i32
  }
  func.func @transform_4(%arg0: i32) -> (i32, i32) {
    %c0_i32 = arith.constant 0 : i32
    %c0_i32_0 = arith.constant 0 : i32
    %c0_i32_1 = arith.constant 0 : i32
    return %c0_i32, %c0_i32_0 : i32, i32
  }
  func.func @transform_5(%arg0: i32) -> (i32, i32) {
    %c0_i32 = arith.constant 0 : i32
    %c0_i32_0 = arith.constant 0 : i32
    return %arg0, %c0_i32 : i32, i32
  }
}

module attributes {stable_mosaic.version = 14 : i64} {
  func.func @_edge_mlp_body(%arg0: i32, %arg1: memref<1000x128xf32, #tpu.memory_space<vmem>>, %arg2: memref<1000x128xf32, #tpu.memory_space<vmem>>, %arg3: memref<1000x128xf32, #tpu.memory_space<vmem>>, %arg4: memref<1000x128xf32, #tpu.memory_space<vmem>>, %arg5: memref<128x128xf32, #tpu.memory_space<vmem>>, %arg6: memref<128x128xf32, #tpu.memory_space<vmem>>, %arg7: memref<1x128xf32, #tpu.memory_space<vmem>>, %arg8: memref<128x128xf32, #tpu.memory_space<vmem>>, %arg9: memref<1x128xf32, #tpu.memory_space<vmem>>, %arg10: memref<128x128xf32, #tpu.memory_space<vmem>>, %arg11: memref<1x128xf32, #tpu.memory_space<vmem>>, %arg12: memref<128x128xf32, #tpu.memory_space<vmem>>, %arg13: memref<1x128xf32, #tpu.memory_space<vmem>>, %arg14: memref<1x128xf32, #tpu.memory_space<vmem>>, %arg15: memref<1000x128xf32, #tpu.memory_space<vmem>>) attributes {dimension_semantics = [#tpu.dimension_semantics<arbitrary>], iteration_bounds = array<i64: 160>, scalar_prefetch = 0 : i64, scratch_operands = 0 : i64, tpu.core_type = #tpu.core_type<tc>, window_params = [{transform_indices = @transform_0, window_bounds = array<i64: 1000, 128>}, {transform_indices = @transform_1, window_bounds = array<i64: 1000, 128>}, {transform_indices = @transform_2, window_bounds = array<i64: 1000, 128>}, {transform_indices = @transform_3, window_bounds = array<i64: 1000, 128>}, {pipeline_mode = #tpu.pipeline_mode<synchronous>, transform_indices = @transform_4, window_bounds = array<i64: 128, 128>}, {pipeline_mode = #tpu.pipeline_mode<synchronous>, transform_indices = @transform_5, window_bounds = array<i64: 128, 128>}, {pipeline_mode = #tpu.pipeline_mode<synchronous>, transform_indices = @transform_6, window_bounds = array<i64: 1, 128>}, {pipeline_mode = #tpu.pipeline_mode<synchronous>, transform_indices = @transform_7, window_bounds = array<i64: 128, 128>}, {pipeline_mode = #tpu.pipeline_mode<synchronous>, transform_indices = @transform_8, window_bounds = array<i64: 1, 128>}, {pipeline_mode = #tpu.pipeline_mode<synchronous>, transform_indices = @transform_9, window_bounds = array<i64: 128, 128>}, {pipeline_mode = #tpu.pipeline_mode<synchronous>, transform_indices = @transform_10, window_bounds = array<i64: 1, 128>}, {pipeline_mode = #tpu.pipeline_mode<synchronous>, transform_indices = @transform_11, window_bounds = array<i64: 128, 128>}, {pipeline_mode = #tpu.pipeline_mode<synchronous>, transform_indices = @transform_12, window_bounds = array<i64: 1, 128>}, {pipeline_mode = #tpu.pipeline_mode<synchronous>, transform_indices = @transform_13, window_bounds = array<i64: 1, 128>}, {transform_indices = @transform_14, window_bounds = array<i64: 1000, 128>}]} {
    %get3A = arith.constant 0 : index
    %get3A_0 = arith.constant 0 : index
    %get3A_1 = vector.load %arg1[%get3A, %get3A_0] : memref<1000x128xf32, #tpu.memory_space<vmem>>, vector<1000x128xf32>
    %get3A_2 = arith.constant 0 : index
    %get3A_3 = arith.constant 0 : index
    %get3A_4 = vector.load %arg5[%get3A_2, %get3A_3] : memref<128x128xf32, #tpu.memory_space<vmem>>, vector<128x128xf32>
    %dot_general3A = arith.constant dense<0.000000e+00> : vector<1000x128xf32>
    %dot_general3A_5 = tpu.matmul %get3A_1, %get3A_4, %dot_general3A {dimension_numbers = #tpu.dot_dimension_numbers<[1], [0], [0], [1], [0, 0, 1, 1], [], []>, transpose_lhs_hint = false} : vector<1000x128xf32>, vector<128x128xf32>, vector<1000x128xf32> -> vector<1000x128xf32>
    %get3A_6 = arith.constant 0 : index
    %get3A_7 = arith.constant 0 : index
    %get3A_8 = vector.load %arg2[%get3A_6, %get3A_7] : memref<1000x128xf32, #tpu.memory_space<vmem>>, vector<1000x128xf32>
    %add3A = arith.addf %dot_general3A_5, %get3A_8 : vector<1000x128xf32>
    %get3A_9 = arith.constant 0 : index
    %get3A_10 = arith.constant 0 : index
    %get3A_11 = vector.load %arg3[%get3A_9, %get3A_10] : memref<1000x128xf32, #tpu.memory_space<vmem>>, vector<1000x128xf32>
    %add3A_12 = arith.addf %add3A, %get3A_11 : vector<1000x128xf32>
    %get3A_13 = arith.constant 0 : index
    %get3A_14 = arith.constant 0 : index
    %get3A_15 = vector.load %arg4[%get3A_13, %get3A_14] : memref<1000x128xf32, #tpu.memory_space<vmem>>, vector<1000x128xf32>
    %add3A_16 = arith.addf %add3A_12, %get3A_15 : vector<1000x128xf32>
    %gt3A = arith.constant 0.000000e+00 : f32
    %gt3A_17 = vector.broadcast %gt3A : f32 to vector<1000x128xf32>
    %gt3A_18 = arith.cmpf ogt, %add3A_16, %gt3A_17 : vector<1000x128xf32>
    %mul3A = arith.constant 0.00999999977 : f32
    %mul3A_19 = vector.broadcast %mul3A : f32 to vector<1000x128xf32>
    %mul3A_20 = arith.mulf %mul3A_19, %add3A_16 : vector<1000x128xf32>
    %select_n3A = arith.select %gt3A_18, %add3A_16, %mul3A_20 : vector<1000x128xi1>, vector<1000x128xf32>
    %get3A_21 = arith.constant 0 : index
    %get3A_22 = arith.constant 0 : index
    %get3A_23 = vector.load %arg6[%get3A_21, %get3A_22] : memref<128x128xf32, #tpu.memory_space<vmem>>, vector<128x128xf32>
    %dot_general3A_24 = arith.constant dense<0.000000e+00> : vector<1000x128xf32>
    %dot_general3A_25 = tpu.matmul %select_n3A, %get3A_23, %dot_general3A_24 {dimension_numbers = #tpu.dot_dimension_numbers<[1], [0], [0], [1], [0, 0, 1, 1], [], []>, transpose_lhs_hint = false} : vector<1000x128xf32>, vector<128x128xf32>, vector<1000x128xf32> -> vector<1000x128xf32>
    %get3A_26 = arith.constant 0 : index
    %get3A_27 = arith.constant 0 : index
    %get3A_28 = vector.load %arg7[%get3A_26, %get3A_27] : memref<1x128xf32, #tpu.memory_space<vmem>>, vector<1x128xf32>
    %add3A_29 = vector.broadcast %get3A_28 : vector<1x128xf32> to vector<1000x128xf32>
    %add3A_30 = arith.addf %dot_general3A_25, %add3A_29 : vector<1000x128xf32>
    %gt3A_31 = arith.constant 0.000000e+00 : f32
    %gt3A_32 = vector.broadcast %gt3A_31 : f32 to vector<1000x128xf32>
    %gt3A_33 = arith.cmpf ogt, %add3A_30, %gt3A_32 : vector<1000x128xf32>
    %mul3A_34 = arith.constant 0.00999999977 : f32
    %mul3A_35 = vector.broadcast %mul3A_34 : f32 to vector<1000x128xf32>
    %mul3A_36 = arith.mulf %mul3A_35, %add3A_30 : vector<1000x128xf32>
    %select_n3A_37 = arith.select %gt3A_33, %add3A_30, %mul3A_36 : vector<1000x128xi1>, vector<1000x128xf32>
    %get3A_38 = arith.constant 0 : index
    %get3A_39 = arith.constant 0 : index
    %get3A_40 = vector.load %arg8[%get3A_38, %get3A_39] : memref<128x128xf32, #tpu.memory_space<vmem>>, vector<128x128xf32>
    %dot_general3A_41 = arith.constant dense<0.000000e+00> : vector<1000x128xf32>
    %dot_general3A_42 = tpu.matmul %select_n3A_37, %get3A_40, %dot_general3A_41 {dimension_numbers = #tpu.dot_dimension_numbers<[1], [0], [0], [1], [0, 0, 1, 1], [], []>, transpose_lhs_hint = false} : vector<1000x128xf32>, vector<128x128xf32>, vector<1000x128xf32> -> vector<1000x128xf32>
    %get3A_43 = arith.constant 0 : index
    %get3A_44 = arith.constant 0 : index
    %get3A_45 = vector.load %arg9[%get3A_43, %get3A_44] : memref<1x128xf32, #tpu.memory_space<vmem>>, vector<1x128xf32>
    %add3A_46 = vector.broadcast %get3A_45 : vector<1x128xf32> to vector<1000x128xf32>
    %add3A_47 = arith.addf %dot_general3A_42, %add3A_46 : vector<1000x128xf32>
    %gt3A_48 = arith.constant 0.000000e+00 : f32
    %gt3A_49 = vector.broadcast %gt3A_48 : f32 to vector<1000x128xf32>
    %gt3A_50 = arith.cmpf ogt, %add3A_47, %gt3A_49 : vector<1000x128xf32>
    %mul3A_51 = arith.constant 0.00999999977 : f32
    %mul3A_52 = vector.broadcast %mul3A_51 : f32 to vector<1000x128xf32>
    %mul3A_53 = arith.mulf %mul3A_52, %add3A_47 : vector<1000x128xf32>
    %select_n3A_54 = arith.select %gt3A_50, %add3A_47, %mul3A_53 : vector<1000x128xi1>, vector<1000x128xf32>
    %get3A_55 = arith.constant 0 : index
    %get3A_56 = arith.constant 0 : index
    %get3A_57 = vector.load %arg10[%get3A_55, %get3A_56] : memref<128x128xf32, #tpu.memory_space<vmem>>, vector<128x128xf32>
    %dot_general3A_58 = arith.constant dense<0.000000e+00> : vector<1000x128xf32>
    %dot_general3A_59 = tpu.matmul %select_n3A_54, %get3A_57, %dot_general3A_58 {dimension_numbers = #tpu.dot_dimension_numbers<[1], [0], [0], [1], [0, 0, 1, 1], [], []>, transpose_lhs_hint = false} : vector<1000x128xf32>, vector<128x128xf32>, vector<1000x128xf32> -> vector<1000x128xf32>
    %get3A_60 = arith.constant 0 : index
    %get3A_61 = arith.constant 0 : index
    %get3A_62 = vector.load %arg11[%get3A_60, %get3A_61] : memref<1x128xf32, #tpu.memory_space<vmem>>, vector<1x128xf32>
    %add3A_63 = vector.broadcast %get3A_62 : vector<1x128xf32> to vector<1000x128xf32>
    %add3A_64 = arith.addf %dot_general3A_59, %add3A_63 : vector<1000x128xf32>
    %get3A_65 = arith.constant 0 : index
    %get3A_66 = arith.constant 0 : index
    %get3A_67 = vector.load %arg12[%get3A_65, %get3A_66] : memref<128x128xf32, #tpu.memory_space<vmem>>, vector<128x128xf32>
    %get3A_68 = arith.constant 0 : index
    %get3A_69 = arith.constant 0 : index
    %get3A_70 = vector.load %arg13[%get3A_68, %get3A_69] : memref<1x128xf32, #tpu.memory_space<vmem>>, vector<1x128xf32>
    %get3A_71 = arith.constant 0 : index
    %get3A_72 = arith.constant 0 : index
    %get3A_73 = vector.load %arg14[%get3A_71, %get3A_72] : memref<1x128xf32, #tpu.memory_space<vmem>>, vector<1x128xf32>
    %dot_general3A_74 = arith.constant dense<0.000000e+00> : vector<1000x128xf32>
    %dot_general3A_75 = tpu.matmul %add3A_64, %get3A_67, %dot_general3A_74 {dimension_numbers = #tpu.dot_dimension_numbers<[1], [0], [0], [1], [0, 0, 1, 1], [], []>, transpose_lhs_hint = false} : vector<1000x128xf32>, vector<128x128xf32>, vector<1000x128xf32> -> vector<1000x128xf32>
    %sub3A = arith.subf %add3A_64, %dot_general3A_75 : vector<1000x128xf32>
    %mul3A_76 = arith.mulf %sub3A, %sub3A : vector<1000x128xf32>
    %dot_general3A_77 = arith.constant dense<0.000000e+00> : vector<1000x128xf32>
    %dot_general3A_78 = tpu.matmul %mul3A_76, %get3A_67, %dot_general3A_77 {dimension_numbers = #tpu.dot_dimension_numbers<[1], [0], [0], [1], [0, 0, 1, 1], [], []>, transpose_lhs_hint = false} : vector<1000x128xf32>, vector<128x128xf32>, vector<1000x128xf32> -> vector<1000x128xf32>
    %add3A_79 = arith.constant 9.99999974E-6 : f32
    %add3A_80 = vector.broadcast %add3A_79 : f32 to vector<1000x128xf32>
    %add3A_81 = arith.addf %dot_general3A_78, %add3A_80 : vector<1000x128xf32>
    %rsqrt3A = math.rsqrt %add3A_81 : vector<1000x128xf32>
    %mul3A_82 = arith.mulf %sub3A, %rsqrt3A : vector<1000x128xf32>
    %mul3A_83 = vector.broadcast %get3A_70 : vector<1x128xf32> to vector<1000x128xf32>
    %mul3A_84 = arith.mulf %mul3A_82, %mul3A_83 : vector<1000x128xf32>
    %add3A_85 = vector.broadcast %get3A_73 : vector<1x128xf32> to vector<1000x128xf32>
    %add3A_86 = arith.addf %mul3A_84, %add3A_85 : vector<1000x128xf32>
    %swap3A = arith.constant 0 : index
    %swap3A_87 = arith.constant 0 : index
    %swap3A_88 = vector.load %arg15[%swap3A, %swap3A_87] : memref<1000x128xf32, #tpu.memory_space<vmem>>, vector<1000x128xf32>
    tpu.vector_store %arg15[%swap3A, %swap3A_87], %add3A_86 {strides = array<i32>} : memref<1000x128xf32, #tpu.memory_space<vmem>>, vector<1000x128xf32>,
    return
  }
  func.func @transform_0(%arg0: i32) -> (i32, i32) {
    %c0_i32 = arith.constant 0 : i32
    %c0_i32_0 = arith.constant 0 : i32
    return %arg0, %c0_i32 : i32, i32
  }
  func.func @transform_1(%arg0: i32) -> (i32, i32) {
    %c0_i32 = arith.constant 0 : i32
    %c0_i32_0 = arith.constant 0 : i32
    return %arg0, %c0_i32 : i32, i32
  }
  func.func @transform_2(%arg0: i32) -> (i32, i32) {
    %c0_i32 = arith.constant 0 : i32
    %c0_i32_0 = arith.constant 0 : i32
    return %arg0, %c0_i32 : i32, i32
  }
  func.func @transform_3(%arg0: i32) -> (i32, i32) {
    %c0_i32 = arith.constant 0 : i32
    %c0_i32_0 = arith.constant 0 : i32
    return %arg0, %c0_i32 : i32, i32
  }
  func.func @transform_4(%arg0: i32) -> (i32, i32) {
    %c0_i32 = arith.constant 0 : i32
    %c0_i32_0 = arith.constant 0 : i32
    %c0_i32_1 = arith.constant 0 : i32
    return %c0_i32, %c0_i32_0 : i32, i32
  }
  func.func @transform_5(%arg0: i32) -> (i32, i32) {
    %c0_i32 = arith.constant 0 : i32
    %c0_i32_0 = arith.constant 0 : i32
    %c0_i32_1 = arith.constant 0 : i32
    return %c0_i32, %c0_i32_0 : i32, i32
  }
  func.func @transform_6(%arg0: i32) -> (i32, i32) {
    %c0_i32 = arith.constant 0 : i32
    %c0_i32_0 = arith.constant 0 : i32
    %c0_i32_1 = arith.constant 0 : i32
    return %c0_i32, %c0_i32_0 : i32, i32
  }
  func.func @transform_7(%arg0: i32) -> (i32, i32) {
    %c0_i32 = arith.constant 0 : i32
    %c0_i32_0 = arith.constant 0 : i32
    %c0_i32_1 = arith.constant 0 : i32
    return %c0_i32, %c0_i32_0 : i32, i32
  }
  func.func @transform_8(%arg0: i32) -> (i32, i32) {
    %c0_i32 = arith.constant 0 : i32
    %c0_i32_0 = arith.constant 0 : i32
    %c0_i32_1 = arith.constant 0 : i32
    return %c0_i32, %c0_i32_0 : i32, i32
  }
  func.func @transform_9(%arg0: i32) -> (i32, i32) {
    %c0_i32 = arith.constant 0 : i32
    %c0_i32_0 = arith.constant 0 : i32
    %c0_i32_1 = arith.constant 0 : i32
    return %c0_i32, %c0_i32_0 : i32, i32
  }
  func.func @transform_10(%arg0: i32) -> (i32, i32) {
    %c0_i32 = arith.constant 0 : i32
    %c0_i32_0 = arith.constant 0 : i32
    %c0_i32_1 = arith.constant 0 : i32
    return %c0_i32, %c0_i32_0 : i32, i32
  }
  func.func @transform_11(%arg0: i32) -> (i32, i32) {
    %c0_i32 = arith.constant 0 : i32
    %c0_i32_0 = arith.constant 0 : i32
    %c0_i32_1 = arith.constant 0 : i32
    return %c0_i32, %c0_i32_0 : i32, i32
  }
  func.func @transform_12(%arg0: i32) -> (i32, i32) {
    %c0_i32 = arith.constant 0 : i32
    %c0_i32_0 = arith.constant 0 : i32
    %c0_i32_1 = arith.constant 0 : i32
    return %c0_i32, %c0_i32_0 : i32, i32
  }
  func.func @transform_13(%arg0: i32) -> (i32, i32) {
    %c0_i32 = arith.constant 0 : i32
    %c0_i32_0 = arith.constant 0 : i32
    %c0_i32_1 = arith.constant 0 : i32
    return %c0_i32, %c0_i32_0 : i32, i32
  }
  func.func @transform_14(%arg0: i32) -> (i32, i32) {
    %c0_i32 = arith.constant 0 : i32
    %c0_i32_0 = arith.constant 0 : i32
    return %arg0, %c0_i32 : i32, i32
  }
}

module attributes {stable_mosaic.version = 14 : i64} {
  func.func @_step_node_body(%arg0: memref<5000x128xf32, #tpu.memory_space<vmem>>, %arg1: memref<5000x128xf32, #tpu.memory_space<vmem>>, %arg2: memref<5000x128xf32, #tpu.memory_space<vmem>>, %arg3: memref<5000x128xf32, #tpu.memory_space<vmem>>, %arg4: memref<128x128xf32, #tpu.memory_space<vmem>>, %arg5: memref<128x128xf32, #tpu.memory_space<vmem>>, %arg6: memref<128x128xf32, #tpu.memory_space<vmem>>, %arg7: memref<1x128xf32, #tpu.memory_space<vmem>>, %arg8: memref<128x128xf32, #tpu.memory_space<vmem>>, %arg9: memref<1x128xf32, #tpu.memory_space<vmem>>, %arg10: memref<128x128xf32, #tpu.memory_space<vmem>>, %arg11: memref<1x128xf32, #tpu.memory_space<vmem>>, %arg12: memref<128x128xf32, #tpu.memory_space<vmem>>, %arg13: memref<1x128xf32, #tpu.memory_space<vmem>>, %arg14: memref<1x128xf32, #tpu.memory_space<vmem>>, %arg15: memref<128x128xf32, #tpu.memory_space<vmem>>, %arg16: memref<128x128xf32, #tpu.memory_space<vmem>>, %arg17: memref<5000x128xf32, #tpu.memory_space<vmem>>, %arg18: memref<5000x128xf32, #tpu.memory_space<vmem>>, %arg19: memref<5000x128xf32, #tpu.memory_space<vmem>>) attributes {dimension_semantics = [], scalar_prefetch = 0 : i64, scratch_operands = 0 : i64, tpu.core_type = #tpu.core_type<tc>} {
    %get3A = arith.constant 0 : index
    %get3A_0 = arith.constant 0 : index
    %get3A_1 = vector.load %arg1[%get3A, %get3A_0] : memref<5000x128xf32, #tpu.memory_space<vmem>>, vector<5000x128xf32>
    %get3A_2 = arith.constant 0 : index
    %get3A_3 = arith.constant 0 : index
    %get3A_4 = vector.load %arg2[%get3A_2, %get3A_3] : memref<5000x128xf32, #tpu.memory_space<vmem>>, vector<5000x128xf32>
    %add3A = arith.addf %get3A_1, %get3A_4 : vector<5000x128xf32>
    %get3A_5 = arith.constant 0 : index
    %get3A_6 = arith.constant 0 : index
    %get3A_7 = vector.load %arg0[%get3A_5, %get3A_6] : memref<5000x128xf32, #tpu.memory_space<vmem>>, vector<5000x128xf32>
    %get3A_8 = arith.constant 0 : index
    %get3A_9 = arith.constant 0 : index
    %get3A_10 = vector.load %arg4[%get3A_8, %get3A_9] : memref<128x128xf32, #tpu.memory_space<vmem>>, vector<128x128xf32>
    %dot_general3A = arith.constant dense<0.000000e+00> : vector<5000x128xf32>
    %dot_general3A_11 = tpu.matmul %get3A_7, %get3A_10, %dot_general3A {dimension_numbers = #tpu.dot_dimension_numbers<[1], [0], [0], [1], [0, 0, 1, 1], [], []>, transpose_lhs_hint = false} : vector<5000x128xf32>, vector<128x128xf32>, vector<5000x128xf32> -> vector<5000x128xf32>
    %get3A_12 = arith.constant 0 : index
    %get3A_13 = arith.constant 0 : index
    %get3A_14 = vector.load %arg5[%get3A_12, %get3A_13] : memref<128x128xf32, #tpu.memory_space<vmem>>, vector<128x128xf32>
    %dot_general3A_15 = arith.constant dense<0.000000e+00> : vector<5000x128xf32>
    %dot_general3A_16 = tpu.matmul %add3A, %get3A_14, %dot_general3A_15 {dimension_numbers = #tpu.dot_dimension_numbers<[1], [0], [0], [1], [0, 0, 1, 1], [], []>, transpose_lhs_hint = false} : vector<5000x128xf32>, vector<128x128xf32>, vector<5000x128xf32> -> vector<5000x128xf32>
    %add3A_17 = arith.addf %dot_general3A_11, %dot_general3A_16 : vector<5000x128xf32>
    %get3A_18 = arith.constant 0 : index
    %get3A_19 = arith.constant 0 : index
    %get3A_20 = vector.load %arg3[%get3A_18, %get3A_19] : memref<5000x128xf32, #tpu.memory_space<vmem>>, vector<5000x128xf32>
    %add3A_21 = arith.addf %add3A_17, %get3A_20 : vector<5000x128xf32>
    %gt3A = arith.constant 0.000000e+00 : f32
    %gt3A_22 = vector.broadcast %gt3A : f32 to vector<5000x128xf32>
    %gt3A_23 = arith.cmpf ogt, %add3A_21, %gt3A_22 : vector<5000x128xf32>
    %mul3A = arith.constant 0.00999999977 : f32
    %mul3A_24 = vector.broadcast %mul3A : f32 to vector<5000x128xf32>
    %mul3A_25 = arith.mulf %mul3A_24, %add3A_21 : vector<5000x128xf32>
    %select_n3A = arith.select %gt3A_23, %add3A_21, %mul3A_25 : vector<5000x128xi1>, vector<5000x128xf32>
    %get3A_26 = arith.constant 0 : index
    %get3A_27 = arith.constant 0 : index
    %get3A_28 = vector.load %arg6[%get3A_26, %get3A_27] : memref<128x128xf32, #tpu.memory_space<vmem>>, vector<128x128xf32>
    %dot_general3A_29 = arith.constant dense<0.000000e+00> : vector<5000x128xf32>
    %dot_general3A_30 = tpu.matmul %select_n3A, %get3A_28, %dot_general3A_29 {dimension_numbers = #tpu.dot_dimension_numbers<[1], [0], [0], [1], [0, 0, 1, 1], [], []>, transpose_lhs_hint = false} : vector<5000x128xf32>, vector<128x128xf32>, vector<5000x128xf32> -> vector<5000x128xf32>
    %get3A_31 = arith.constant 0 : index
    %get3A_32 = arith.constant 0 : index
    %get3A_33 = vector.load %arg7[%get3A_31, %get3A_32] : memref<1x128xf32, #tpu.memory_space<vmem>>, vector<1x128xf32>
    %add3A_34 = vector.broadcast %get3A_33 : vector<1x128xf32> to vector<5000x128xf32>
    %add3A_35 = arith.addf %dot_general3A_30, %add3A_34 : vector<5000x128xf32>
    %gt3A_36 = arith.constant 0.000000e+00 : f32
    %gt3A_37 = vector.broadcast %gt3A_36 : f32 to vector<5000x128xf32>
    %gt3A_38 = arith.cmpf ogt, %add3A_35, %gt3A_37 : vector<5000x128xf32>
    %mul3A_39 = arith.constant 0.00999999977 : f32
    %mul3A_40 = vector.broadcast %mul3A_39 : f32 to vector<5000x128xf32>
    %mul3A_41 = arith.mulf %mul3A_40, %add3A_35 : vector<5000x128xf32>
    %select_n3A_42 = arith.select %gt3A_38, %add3A_35, %mul3A_41 : vector<5000x128xi1>, vector<5000x128xf32>
    %get3A_43 = arith.constant 0 : index
    %get3A_44 = arith.constant 0 : index
    %get3A_45 = vector.load %arg8[%get3A_43, %get3A_44] : memref<128x128xf32, #tpu.memory_space<vmem>>, vector<128x128xf32>
    %dot_general3A_46 = arith.constant dense<0.000000e+00> : vector<5000x128xf32>
    %dot_general3A_47 = tpu.matmul %select_n3A_42, %get3A_45, %dot_general3A_46 {dimension_numbers = #tpu.dot_dimension_numbers<[1], [0], [0], [1], [0, 0, 1, 1], [], []>, transpose_lhs_hint = false} : vector<5000x128xf32>, vector<128x128xf32>, vector<5000x128xf32> -> vector<5000x128xf32>
    %get3A_48 = arith.constant 0 : index
    %get3A_49 = arith.constant 0 : index
    %get3A_50 = vector.load %arg9[%get3A_48, %get3A_49] : memref<1x128xf32, #tpu.memory_space<vmem>>, vector<1x128xf32>
    %add3A_51 = vector.broadcast %get3A_50 : vector<1x128xf32> to vector<5000x128xf32>
    %add3A_52 = arith.addf %dot_general3A_47, %add3A_51 : vector<5000x128xf32>
    %gt3A_53 = arith.constant 0.000000e+00 : f32
    %gt3A_54 = vector.broadcast %gt3A_53 : f32 to vector<5000x128xf32>
    %gt3A_55 = arith.cmpf ogt, %add3A_52, %gt3A_54 : vector<5000x128xf32>
    %mul3A_56 = arith.constant 0.00999999977 : f32
    %mul3A_57 = vector.broadcast %mul3A_56 : f32 to vector<5000x128xf32>
    %mul3A_58 = arith.mulf %mul3A_57, %add3A_52 : vector<5000x128xf32>
    %select_n3A_59 = arith.select %gt3A_55, %add3A_52, %mul3A_58 : vector<5000x128xi1>, vector<5000x128xf32>
    %get3A_60 = arith.constant 0 : index
    %get3A_61 = arith.constant 0 : index
    %get3A_62 = vector.load %arg10[%get3A_60, %get3A_61] : memref<128x128xf32, #tpu.memory_space<vmem>>, vector<128x128xf32>
    %dot_general3A_63 = arith.constant dense<0.000000e+00> : vector<5000x128xf32>
    %dot_general3A_64 = tpu.matmul %select_n3A_59, %get3A_62, %dot_general3A_63 {dimension_numbers = #tpu.dot_dimension_numbers<[1], [0], [0], [1], [0, 0, 1, 1], [], []>, transpose_lhs_hint = false} : vector<5000x128xf32>, vector<128x128xf32>, vector<5000x128xf32> -> vector<5000x128xf32>
    %get3A_65 = arith.constant 0 : index
    %get3A_66 = arith.constant 0 : index
    %get3A_67 = vector.load %arg11[%get3A_65, %get3A_66] : memref<1x128xf32, #tpu.memory_space<vmem>>, vector<1x128xf32>
    %add3A_68 = vector.broadcast %get3A_67 : vector<1x128xf32> to vector<5000x128xf32>
    %add3A_69 = arith.addf %dot_general3A_64, %add3A_68 : vector<5000x128xf32>
    %get3A_70 = arith.constant 0 : index
    %get3A_71 = arith.constant 0 : index
    %get3A_72 = vector.load %arg12[%get3A_70, %get3A_71] : memref<128x128xf32, #tpu.memory_space<vmem>>, vector<128x128xf32>
    %get3A_73 = arith.constant 0 : index
    %get3A_74 = arith.constant 0 : index
    %get3A_75 = vector.load %arg13[%get3A_73, %get3A_74] : memref<1x128xf32, #tpu.memory_space<vmem>>, vector<1x128xf32>
    %get3A_76 = arith.constant 0 : index
    %get3A_77 = arith.constant 0 : index
    %get3A_78 = vector.load %arg14[%get3A_76, %get3A_77] : memref<1x128xf32, #tpu.memory_space<vmem>>, vector<1x128xf32>
    %dot_general3A_79 = arith.constant dense<0.000000e+00> : vector<5000x128xf32>
    %dot_general3A_80 = tpu.matmul %add3A_69, %get3A_72, %dot_general3A_79 {dimension_numbers = #tpu.dot_dimension_numbers<[1], [0], [0], [1], [0, 0, 1, 1], [], []>, transpose_lhs_hint = false} : vector<5000x128xf32>, vector<128x128xf32>, vector<5000x128xf32> -> vector<5000x128xf32>
    %sub3A = arith.subf %add3A_69, %dot_general3A_80 : vector<5000x128xf32>
    %mul3A_81 = arith.mulf %sub3A, %sub3A : vector<5000x128xf32>
    %dot_general3A_82 = arith.constant dense<0.000000e+00> : vector<5000x128xf32>
    %dot_general3A_83 = tpu.matmul %mul3A_81, %get3A_72, %dot_general3A_82 {dimension_numbers = #tpu.dot_dimension_numbers<[1], [0], [0], [1], [0, 0, 1, 1], [], []>, transpose_lhs_hint = false} : vector<5000x128xf32>, vector<128x128xf32>, vector<5000x128xf32> -> vector<5000x128xf32>
    %add3A_84 = arith.constant 9.99999974E-6 : f32
    %add3A_85 = vector.broadcast %add3A_84 : f32 to vector<5000x128xf32>
    %add3A_86 = arith.addf %dot_general3A_83, %add3A_85 : vector<5000x128xf32>
    %rsqrt3A = math.rsqrt %add3A_86 : vector<5000x128xf32>
    %mul3A_87 = arith.mulf %sub3A, %rsqrt3A : vector<5000x128xf32>
    %mul3A_88 = vector.broadcast %get3A_75 : vector<1x128xf32> to vector<5000x128xf32>
    %mul3A_89 = arith.mulf %mul3A_87, %mul3A_88 : vector<5000x128xf32>
    %add3A_90 = vector.broadcast %get3A_78 : vector<1x128xf32> to vector<5000x128xf32>
    %add3A_91 = arith.addf %mul3A_89, %add3A_90 : vector<5000x128xf32>
    %swap3A = arith.constant 0 : index
    %swap3A_92 = arith.constant 0 : index
    %swap3A_93 = vector.load %arg17[%swap3A, %swap3A_92] : memref<5000x128xf32, #tpu.memory_space<vmem>>, vector<5000x128xf32>
    tpu.vector_store %arg17[%swap3A, %swap3A_92], %add3A_91 {strides = array<i32>} : memref<5000x128xf32, #tpu.memory_space<vmem>>, vector<5000x128xf32>,
    %get3A_94 = arith.constant 0 : index
    %get3A_95 = arith.constant 0 : index
    %get3A_96 = vector.load %arg15[%get3A_94, %get3A_95] : memref<128x128xf32, #tpu.memory_space<vmem>>, vector<128x128xf32>
    %dot_general3A_97 = arith.constant dense<0.000000e+00> : vector<5000x128xf32>
    %dot_general3A_98 = tpu.matmul %add3A_91, %get3A_96, %dot_general3A_97 {dimension_numbers = #tpu.dot_dimension_numbers<[1], [0], [0], [1], [0, 0, 1, 1], [], []>, transpose_lhs_hint = false} : vector<5000x128xf32>, vector<128x128xf32>, vector<5000x128xf32> -> vector<5000x128xf32>
    %swap3A_99 = arith.constant 0 : index
    %swap3A_100 = arith.constant 0 : index
    %swap3A_101 = vector.load %arg18[%swap3A_99, %swap3A_100] : memref<5000x128xf32, #tpu.memory_space<vmem>>, vector<5000x128xf32>
    tpu.vector_store %arg18[%swap3A_99, %swap3A_100], %dot_general3A_98 {strides = array<i32>} : memref<5000x128xf32, #tpu.memory_space<vmem>>, vector<5000x128xf32>,
    %get3A_102 = arith.constant 0 : index
    %get3A_103 = arith.constant 0 : index
    %get3A_104 = vector.load %arg16[%get3A_102, %get3A_103] : memref<128x128xf32, #tpu.memory_space<vmem>>, vector<128x128xf32>
    %dot_general3A_105 = arith.constant dense<0.000000e+00> : vector<5000x128xf32>
    %dot_general3A_106 = tpu.matmul %add3A_91, %get3A_104, %dot_general3A_105 {dimension_numbers = #tpu.dot_dimension_numbers<[1], [0], [0], [1], [0, 0, 1, 1], [], []>, transpose_lhs_hint = false} : vector<5000x128xf32>, vector<128x128xf32>, vector<5000x128xf32> -> vector<5000x128xf32>
    %swap3A_107 = arith.constant 0 : index
    %swap3A_108 = arith.constant 0 : index
    %swap3A_109 = vector.load %arg19[%swap3A_107, %swap3A_108] : memref<5000x128xf32, #tpu.memory_space<vmem>>, vector<5000x128xf32>
    tpu.vector_store %arg19[%swap3A_107, %swap3A_108], %dot_general3A_106 {strides = array<i32>} : memref<5000x128xf32, #tpu.memory_space<vmem>>, vector<5000x128xf32>,
    return
  }
}

module attributes {stable_mosaic.version = 14 : i64} {
  func.func @_dec_body(%arg0: memref<5000x128xf32, #tpu.memory_space<vmem>>, %arg1: memref<128x128xf32, #tpu.memory_space<vmem>>, %arg2: memref<1x128xf32, #tpu.memory_space<vmem>>, %arg3: memref<128x128xf32, #tpu.memory_space<vmem>>, %arg4: memref<1x128xf32, #tpu.memory_space<vmem>>, %arg5: memref<128x128xf32, #tpu.memory_space<vmem>>, %arg6: memref<1x128xf32, #tpu.memory_space<vmem>>, %arg7: memref<128x256xf32, #tpu.memory_space<vmem>>, %arg8: memref<1x256xf32, #tpu.memory_space<vmem>>, %arg9: memref<5000x256xf32, #tpu.memory_space<vmem>>) attributes {dimension_semantics = [], scalar_prefetch = 0 : i64, scratch_operands = 0 : i64, tpu.core_type = #tpu.core_type<tc>} {
    %get3A = arith.constant 0 : index
    %get3A_0 = arith.constant 0 : index
    %get3A_1 = vector.load %arg0[%get3A, %get3A_0] : memref<5000x128xf32, #tpu.memory_space<vmem>>, vector<5000x128xf32>
    %get3A_2 = arith.constant 0 : index
    %get3A_3 = arith.constant 0 : index
    %get3A_4 = vector.load %arg1[%get3A_2, %get3A_3] : memref<128x128xf32, #tpu.memory_space<vmem>>, vector<128x128xf32>
    %dot_general3A = arith.constant dense<0.000000e+00> : vector<5000x128xf32>
    %dot_general3A_5 = tpu.matmul %get3A_1, %get3A_4, %dot_general3A {dimension_numbers = #tpu.dot_dimension_numbers<[1], [0], [0], [1], [0, 0, 1, 1], [], []>, transpose_lhs_hint = false} : vector<5000x128xf32>, vector<128x128xf32>, vector<5000x128xf32> -> vector<5000x128xf32>
    %get3A_6 = arith.constant 0 : index
    %get3A_7 = arith.constant 0 : index
    %get3A_8 = vector.load %arg2[%get3A_6, %get3A_7] : memref<1x128xf32, #tpu.memory_space<vmem>>, vector<1x128xf32>
    %add3A = vector.broadcast %get3A_8 : vector<1x128xf32> to vector<5000x128xf32>
    %add3A_9 = arith.addf %dot_general3A_5, %add3A : vector<5000x128xf32>
    %gt3A = arith.constant 0.000000e+00 : f32
    %gt3A_10 = vector.broadcast %gt3A : f32 to vector<5000x128xf32>
    %gt3A_11 = arith.cmpf ogt, %add3A_9, %gt3A_10 : vector<5000x128xf32>
    %mul3A = arith.constant 0.00999999977 : f32
    %mul3A_12 = vector.broadcast %mul3A : f32 to vector<5000x128xf32>
    %mul3A_13 = arith.mulf %mul3A_12, %add3A_9 : vector<5000x128xf32>
    %select_n3A = arith.select %gt3A_11, %add3A_9, %mul3A_13 : vector<5000x128xi1>, vector<5000x128xf32>
    %get3A_14 = arith.constant 0 : index
    %get3A_15 = arith.constant 0 : index
    %get3A_16 = vector.load %arg3[%get3A_14, %get3A_15] : memref<128x128xf32, #tpu.memory_space<vmem>>, vector<128x128xf32>
    %dot_general3A_17 = arith.constant dense<0.000000e+00> : vector<5000x128xf32>
    %dot_general3A_18 = tpu.matmul %select_n3A, %get3A_16, %dot_general3A_17 {dimension_numbers = #tpu.dot_dimension_numbers<[1], [0], [0], [1], [0, 0, 1, 1], [], []>, transpose_lhs_hint = false} : vector<5000x128xf32>, vector<128x128xf32>, vector<5000x128xf32> -> vector<5000x128xf32>
    %get3A_19 = arith.constant 0 : index
    %get3A_20 = arith.constant 0 : index
    %get3A_21 = vector.load %arg4[%get3A_19, %get3A_20] : memref<1x128xf32, #tpu.memory_space<vmem>>, vector<1x128xf32>
    %add3A_22 = vector.broadcast %get3A_21 : vector<1x128xf32> to vector<5000x128xf32>
    %add3A_23 = arith.addf %dot_general3A_18, %add3A_22 : vector<5000x128xf32>
    %gt3A_24 = arith.constant 0.000000e+00 : f32
    %gt3A_25 = vector.broadcast %gt3A_24 : f32 to vector<5000x128xf32>
    %gt3A_26 = arith.cmpf ogt, %add3A_23, %gt3A_25 : vector<5000x128xf32>
    %mul3A_27 = arith.constant 0.00999999977 : f32
    %mul3A_28 = vector.broadcast %mul3A_27 : f32 to vector<5000x128xf32>
    %mul3A_29 = arith.mulf %mul3A_28, %add3A_23 : vector<5000x128xf32>
    %select_n3A_30 = arith.select %gt3A_26, %add3A_23, %mul3A_29 : vector<5000x128xi1>, vector<5000x128xf32>
    %get3A_31 = arith.constant 0 : index
    %get3A_32 = arith.constant 0 : index
    %get3A_33 = vector.load %arg5[%get3A_31, %get3A_32] : memref<128x128xf32, #tpu.memory_space<vmem>>, vector<128x128xf32>
    %dot_general3A_34 = arith.constant dense<0.000000e+00> : vector<5000x128xf32>
    %dot_general3A_35 = tpu.matmul %select_n3A_30, %get3A_33, %dot_general3A_34 {dimension_numbers = #tpu.dot_dimension_numbers<[1], [0], [0], [1], [0, 0, 1, 1], [], []>, transpose_lhs_hint = false} : vector<5000x128xf32>, vector<128x128xf32>, vector<5000x128xf32> -> vector<5000x128xf32>
    %get3A_36 = arith.constant 0 : index
    %get3A_37 = arith.constant 0 : index
    %get3A_38 = vector.load %arg6[%get3A_36, %get3A_37] : memref<1x128xf32, #tpu.memory_space<vmem>>, vector<1x128xf32>
    %add3A_39 = vector.broadcast %get3A_38 : vector<1x128xf32> to vector<5000x128xf32>
    %add3A_40 = arith.addf %dot_general3A_35, %add3A_39 : vector<5000x128xf32>
    %gt3A_41 = arith.constant 0.000000e+00 : f32
    %gt3A_42 = vector.broadcast %gt3A_41 : f32 to vector<5000x128xf32>
    %gt3A_43 = arith.cmpf ogt, %add3A_40, %gt3A_42 : vector<5000x128xf32>
    %mul3A_44 = arith.constant 0.00999999977 : f32
    %mul3A_45 = vector.broadcast %mul3A_44 : f32 to vector<5000x128xf32>
    %mul3A_46 = arith.mulf %mul3A_45, %add3A_40 : vector<5000x128xf32>
    %select_n3A_47 = arith.select %gt3A_43, %add3A_40, %mul3A_46 : vector<5000x128xi1>, vector<5000x128xf32>
    %get3A_48 = arith.constant 0 : index
    %get3A_49 = arith.constant 0 : index
    %get3A_50 = vector.load %arg7[%get3A_48, %get3A_49] : memref<128x256xf32, #tpu.memory_space<vmem>>, vector<128x256xf32>
    %dot_general3A_51 = arith.constant dense<0.000000e+00> : vector<5000x256xf32>
    %dot_general3A_52 = tpu.matmul %select_n3A_47, %get3A_50, %dot_general3A_51 {dimension_numbers = #tpu.dot_dimension_numbers<[1], [0], [0], [1], [0, 0, 1, 1], [], []>, transpose_lhs_hint = false} : vector<5000x128xf32>, vector<128x256xf32>, vector<5000x256xf32> -> vector<5000x256xf32>
    %get3A_53 = arith.constant 0 : index
    %get3A_54 = arith.constant 0 : index
    %get3A_55 = vector.load %arg8[%get3A_53, %get3A_54] : memref<1x256xf32, #tpu.memory_space<vmem>>, vector<1x256xf32>
    %add3A_56 = vector.broadcast %get3A_55 : vector<1x256xf32> to vector<5000x256xf32>
    %add3A_57 = arith.addf %dot_general3A_52, %add3A_56 : vector<5000x256xf32>
    %swap3A = arith.constant 0 : index
    %swap3A_58 = arith.constant 0 : index
    %swap3A_59 = vector.load %arg9[%swap3A, %swap3A_58] : memref<5000x256xf32, #tpu.memory_space<vmem>>, vector<5000x256xf32>
    tpu.vector_store %arg9[%swap3A, %swap3A_58], %add3A_57 {strides = array<i32>} : memref<5000x256xf32, #tpu.memory_space<vmem>>, vector<5000x256xf32>,
    return
  }
}

</mosaic_0001>

<sc_bundles>
// kernel: body.22.cloned.1.call-start
scs
__scs_entry_jumppad:
0x0: {  	(pc) =	sbr.rel $0x88, $3  }
0x1: {  	(tag) =	ssettag $0x0;
	lr =	simm.s32 $0x1  }
0x2: {  	[smem:$0x3F6C] =	sst lr;
	_ =	strace $0xD0000000  }
0x3: {  	_ = 	snop  }
0x4: {  	_ = 	snop  }
0x5: {  	_ = 	snop  }
0x6: {  	_ = 	snop  }
0x7: {  	_ = 	snop  }
__scs_overlays_trampoline_lowered:
0x8: {  	[smem:$0x3F7B] =	sst s0  }
0x9: {  	[smem:$0x3F7C] =	sst s1  }
0xa: {  	[smem:$0x3F7D] =	sst s2  }
0xb: {  	[smem:$0x3F7E] =	sst s3  }
0xc: {  	[smem:$0x3F7F] =	sst s4  }
0xd: {  	[smem:$0x3F80] =	sst s5  }
0xe: {  	[smem:$0x3F81] =	sst s6  }
0xf: {  	[smem:$0x3F82] =	sst s7  }
0x10: {  	[smem:$0x3F83] =	sst s8  }
0x11: {  	[smem:$0x3F84] =	sst s9;
	s0 =	simm.s32 @!p0 $0x0  }
0x12: {  	s1 =	sld [smem:$0x3F6A];
	s0 =	simm.s32 @p0 $0x1  }
0x13: {  	[smem:$0x3F85] =	sst s0;
	s0 =	simm.s32 @!p1 $0x0  }
0x14: {  	s2 =	sld [smem:$0x3F69];
	s0 =	simm.s32 @p1 $0x1  }
0x15: {  	[smem:$0x3F86] =	sst s0;
	s0 =	simm.s32 @!p2 $0x0  }
0x16: {  	s3 =	sld [smem:$0x3FDB];
	s0 =	simm.s32 @p2 $0x1  }
0x17: {  	s4 =	simm.s32 $0x1BF5;
	[smem:$0x3F88] =	sst s0  }
0x18: {  	s0 =	sld [smem:$0x3F6B];
	_ =	swait.ge [sflag:s4], $0x0  }
0x19: {  	s7 =	sld [smem:$0x3F6C]  }
0x1a: {  	s8 =	sadd.s32 $0xFFFFE003, lr  }
0x1b: {  	s9 =	sadd.s32 $0xFFFFFEF7, lr;
	s5 =	simm.s32 $0xFFFFFFFF;
	p2 =	slt.u32 s8, $0xFFFFF086  }
0x1c: {  	p1 =	slt.u32 s9, $0xF7A;
	s5 =	simm.s32 @!p2 $0x0  }
0x1d: {  	s5 =	simm.s32 @p1 $0x1;
	p0 =	seq.s32 s7, s2  }
0x1e: {  	s7 =	smul.u32 @!p0 $0xF7A, s2;
	p2 =	seq.s32 @!p0 s5, $0x0  }
0x1f: {  	s9 =	smul.u32 $0xF7A, s1;
	s8 =	simm.s32 @!p0 $0x1BF5;
	p2 =	por !p2, p0  }
0x20: {  	[sflag:s8] =	ssyncset.s32 @!p0 $0xFFFFF086;
	s6 =	sadd.s32 @!p0 s3, s7;
	s7 =	simm.s32 @!p0 $0x108  }
0x21: {  	s3 =	sadd.s32 s3, s9;
	s6 =	sadd.s32 @!p0 $0x88, s6;
	s7 =	simm.s32 @p2 $0x1082  }
0x22: {  	[simem:s7], [sflag:s8] =	dma.local @!p0 [hbm:s6], $0xF7A  }
0x23: {  	s9 =	sor.u32 $0xD0000000, s2;
	s6 =	simm.s32 $0x108;
	_ =	swait.ge @!p0 [sflag:s8], $0x0  }
0x24: {  	s3 =	sadd.s32 $0x88, s3;
	s6 =	simm.s32 @!p1 $0x1082;
	[sflag:s4] =	ssyncset.s32 $0xFFFFF086  }
0x25: {  	[simem:s6], [sflag:s4] =	dma.local [hbm:s3], $0xF7A  }
0x26: {  	[smem:$0x3F6C] =	sst s1;
	(tag) =	ssettag s2;
	_ =	strace s9  }
0x27: {  	s1 =	sld [smem:$0x3F7C]  }
0x28: {  	s2 =	sld [smem:$0x3F7D]  }
0x29: {  	s4 =	sld [smem:$0x3F7F]  }
0x2a: {  	p0 =	seq.s32 s5, $0x0;
	s5 =	sld [smem:$0x3F80]  }
0x2b: {  	s6 =	sld [smem:$0x3F81]  }
0x2c: {  	s7 =	sld [smem:$0x3F82]  }
0x2d: {  	s3 =	simm.s32 $0x108;
	s8 =	sld [smem:$0x3F83]  }
0x2e: {  	s3 =	simm.s32 @!p0 $0x1082;
	s9 =	sld [smem:$0x3F84]  }
0x2f: {  	lr =	sadd.s32 s0, s3;
	s0 =	sld [smem:$0x3F7B]  }
0x30: {  	s3 =	sld [smem:$0x3F7E]  }
0x31: {  	[smem:$0x3F87] =	sst s10  }
0x32: {  	s10 =	sld [smem:$0x3F85];
	_ =	sdelay $0x3  }
0x33: {  	p0 =	seq.s32 s10, $0x1;
	s10 =	sld [smem:$0x3F87];
	_ =	sdelay $0x3  }
0x34: {  	[smem:$0x3F87] =	sst s10  }
0x35: {  	s10 =	sld [smem:$0x3F86];
	_ =	sdelay $0x3  }
0x36: {  	p1 =	seq.s32 s10, $0x1;
	s10 =	sld [smem:$0x3F87];
	_ =	sdelay $0x3  }
0x37: {  	[smem:$0x3F87] =	sst s10  }
0x38: {  	s10 =	sld [smem:$0x3F88]  }
0x39: {  	_ = 	snop;
	(pc) =	sbr.ind lr, $3  }
0x3a: {  	_ = 	snop  }
0x3b: {  	_ = 	snop  }
0x3c: {  	p2 =	seq.s32 s10, $0x1;
	s10 =	sld [smem:$0x3F87]  }
0x3d: {  	_ =	shalt  }
0x3e: {  	_ =	shalt  }
0x3f: {  	_ =	shalt  }
0x40: {  	_ =	shalt  }
0x41: {  	_ =	shalt  }
0x42: {  	_ =	shalt  }
0x43: {  	_ =	shalt  }
0x44: {  	_ =	shalt  }
0x45: {  	_ =	shalt  }
0x46: {  	_ =	shalt  }
0x47: {  	_ =	shalt  }
0x48: {  	_ =	shalt  }
0x49: {  	_ =	shalt  }
0x4a: {  	_ =	shalt  }
0x4b: {  	_ =	shalt  }
0x4c: {  	_ =	shalt  }
0x4d: {  	_ =	shalt  }
0x4e: {  	_ =	shalt  }
0x4f: {  	_ =	shalt  }
0x50: {  	_ =	shalt  }
0x51: {  	_ =	shalt  }
0x52: {  	_ =	shalt  }
0x53: {  	_ =	shalt  }
0x54: {  	_ =	shalt  }
0x55: {  	_ =	shalt  }
0x56: {  	_ =	shalt  }
0x57: {  	_ =	shalt  }
0x58: {  	_ =	shalt  }
0x59: {  	_ =	shalt  }
0x5a: {  	_ =	shalt  }
0x5b: {  	_ =	shalt  }
0x5c: {  	_ =	shalt  }
0x5d: {  	_ =	shalt  }
0x5e: {  	_ =	shalt  }
0x5f: {  	_ =	shalt  }
0x60: {  	_ =	shalt  }
0x61: {  	_ =	shalt  }
0x62: {  	_ =	shalt  }
0x63: {  	_ =	shalt  }
0x64: {  	_ =	shalt  }
0x65: {  	_ =	shalt  }
0x66: {  	_ =	shalt  }
0x67: {  	_ =	shalt  }
0x68: {  	_ =	shalt  }
0x69: {  	_ =	shalt  }
0x6a: {  	_ =	shalt  }
0x6b: {  	_ =	shalt  }
0x6c: {  	_ =	shalt  }
0x6d: {  	_ =	shalt  }
0x6e: {  	_ =	shalt  }
0x6f: {  	_ =	shalt  }
0x70: {  	_ =	shalt  }
0x71: {  	_ =	shalt  }
0x72: {  	_ =	shalt  }
0x73: {  	_ =	shalt  }
0x74: {  	_ =	shalt  }
0x75: {  	_ =	shalt  }
0x76: {  	_ =	shalt  }
0x77: {  	_ =	shalt  }
0x78: {  	_ =	shalt  }
0x79: {  	_ =	shalt  }
0x7a: {  	_ =	shalt  }
0x7b: {  	_ =	shalt  }
0x7c: {  	_ =	shalt  }
0x7d: {  	_ =	shalt  }
0x7e: {  	_ =	shalt  }
0x7f: {  	_ =	shalt  }
0x80: {  	_ =	shalt  }
0x81: {  	_ =	shalt  }
0x82: {  	_ =	shalt  }
0x83: {  	_ =	shalt  }
0x84: {  	_ =	shalt  }
0x85: {  	_ =	shalt  }
0x86: {  	_ =	shalt  }
0x87: {  	_ =	shalt  }
.Lfunc_end0:
.L_simem_size_0:
called_computation_lowered:
.L_overlay_start_0:
0x88: {  	s2 =	sld [smem:$0x3FD9]  }
0x89: {  	s3 =	sld [smem:$0x3FFE];
	_ =	sdelay $0x1  }
0x8a: {  	s1 =	srdreg.scid  }
0x8b: {  	s0 =	sand.u32 $0x1, s1  }
0x8c: {  	s17 =	sshll.u32 s0, $0xA;
	s2 =	sadd.s32 s3, s2  }
0x8d: {  	s2 =	sadd.s32 s2, s17  }
0x8e: {  	[smem:$0x3F93] =	sst s2  }
0x8f: {  	_ = 	snop  }
0x90: {  	s2 =	sld [smem:$0x3FC7]  }
0x91: {  	s18 =	sld [smem:$0x3FC6]  }
0x92: {  	s4 =	sld [smem:$0x3FD0];
	(tm) =	ssettm $0x1  }
0x93: {  	s5 =	sld [smem:$0x3FFB];
	_ =	sdelay $0x3  }
0x94: {  	_ =	strace s5  }
0x95: {  	s5 =	sld [smem:$0x3FFC];
	_ =	sdelay $0x3  }
0x96: {  	_ =	strace s5  }
0x97: {  	s5 =	sld [smem:$0x3FFD];
	_ =	sdelay $0x3  }
0x98: {  	_ =	strace s5  }
0x99: {  	_ =	strace $0x8FFFFFFF  }
0x9a: {  	s19 =	sld [smem:$0x3FDB];
	_ =	sdelay $0x1  }
0x9b: {  	s6 =	simm.s32 $_scs_section_size  }
0x9c: {  	s7 =	simm.s32 $_size__tile_overlayer_lowered;
	s8 =	simm.s32 $_tile_overlayer_lowered  }
0x9d: {  	s22 =	simm.s32 $0x1BFF;
	s21 =	sshll.u32 s8, $0x1;
	s5 =	sadd.s32 s6, s19  }
0x9e: {  	s9 =	simm.s32 $0x0;
	s20 =	sshll.u32 s7, $0x1;
	s7 =	sadd.s32 s21, s5  }
0x9f: {  	[timem:s9], [sflag:s22] =	dma.local [hbm:s7], s20  }
0xa0: {  	_ =	swait.ge [sflag:s22], s20  }
0xa1: {  	s6 =	ssub.s32 $0x0, s20;
	[sflag:s22] =	ssyncset.done $0x0  }
0xa2: {  	[sflag:s22] =	ssyncadd.s32 s6;
	_ =	sdelay $0x1  }
0xa3: {  	s23 =	simm.s32 $0x1B8B  }
0xa4: {  	_ =	swait.ge [sflag:s23], $0x1  }
0xa5: {  	[sflag:s23] =	ssyncset.done $0x0  }
0xa6: {  	s25 =	simm.s32 $0x1B8E;
	s24 =	sld [smem:$0x3FFE];
	[sflag:s23] =	ssyncadd.s32 $0xFFFFFFFF  }
0xa7: {  	s26 =	simm.s32 $execute0_lowered;
	[smem:$0x3FD2] =	sst s25  }
0xa8: {  	s7 =	sshll.u32 s26, $0x1;
	_ =	strace $0x8000004F;
	[dreg:$0x1] =	wrdreg $0xFFFFFFFF  }
0xa9: {  	s28 =	simm.s32 $_size_execute0_lowered;
	s5 =	sadd.s32 s5, s7;
	[dreg:$0x0] =	wrdreg $0x0  }
0xaa: {  	s7 =	sshll.u32 s28, $0x1;
	[dreg:$0x2] =	wrdreg s5  }
0xab: {  	[dreg:$0x3] =	wrdreg s7  }
0xac: {  	[dreg:$0x4] =	wrdreg $0xC0  }
0xad: {  	_ =	task [dreg:s9], $0x5FFFF  }
0xae: {  	[dreg:$0x1] =	wrdreg $0xFFFFFFFF  }
0xaf: {  	[dreg:$0x0] =	wrdreg $0x60  }
0xb0: {  	[dreg:$0x2] =	wrdreg s4  }
0xb1: {  	[dreg:$0x3] =	wrdreg s24  }
0xb2: {  	[dreg:$0x4] =	wrdreg s2  }
0xb3: {  	[dreg:$0x5] =	wrdreg s18  }
0xb4: {  	[dreg:$0x6] =	wrdreg $0x104000  }
0xb5: {  	[dreg:$0x7] =	wrdreg $0x9  }
0xb6: {  	_ =	task.clear_ibuf [dreg:s9], $0x8FFFF;
	_ =	strace $0x9000004F  }
0xb7: {  	s29 =	simm.s32 $0x9;
	_ =	strace $0x80000051  }
0xb8: {  	_ =	swait.ge [sflag:s29], $0x1  }
0xb9: {  	[sflag:s29] =	ssyncadd.s32 $0xFFFFFFFF  }
0xba: {  	_ =	strace $0x90000051  }
0xbb: {  	_ =	sfence  }
0xbc: {  	s30 =	sld [smem:$0x0];
	_ =	sdelay $0x2  }
0xbd: {  	s31 =	sshll.u32 s1, $0xD;
	s1 =	sshrl.u32 s1, $0x2  }
0xbe: {  	s3 =	sand.u32 $0x4000, s31;
	s1 =	sadd.s32 s1, s30  }
0xbf: {  	s0 =	sor.u32 s3, s0;
	s1 =	sshll.u32 s1, $0x11  }
0xc0: {  	s0 =	sor.u32 s1, s0  }
0xc1: {  	s0 =	sadd.s32 $0x8F2B, s0  }
0xc2: {  	[sflag:s0] =	ssyncadd.remote.s32 $0x1  }
0xc3: {  	_ =	sfence.sel $0xFFFF  }
0xc4: {  	[dreg:$0x0] =	wrdreg $0xFFFFFFFF;
	(pc) =	sbr.abs _section_cstart, $3  }
0xc5: {  	[dreg:$0x1] =	wrdreg $0xFFFFFFFF  }
0xc6: {  	_ =	task.clear_ibuf [dreg:s9], $0x2FFFF;
	_ =	strace $0x9FFFFFFF  }
0xc7: {  	(tm) =	ssettm $0x7FFFFFFF  }
tec
execute0_lowered:
.L_overlay_start_1:
0x0: {  	(tag) =	ssettag $0x1  }
0x1: {  	s0 =	rddreg [dreg:$0x0]  }
0x2: {  	s3 =	rddreg [dreg:$0x1]  }
0x3: {  	s5 =	rddreg [dreg:$0x2]  }
0x4: {  	s6 =	rddreg [dreg:$0x3]  }
0x5: {  	s1 =	rddreg [dreg:$0x4];
	s2 =	simm.s32 $0x0;
	s4 =	srdreg.scid  }
0x6: {  	s13 =	stileid.u32;
	s14 =	simm.s32 $0x1;
	s15 =	simm.s32 $0x200  }
0x7: {  	s16 =	simm.s32 $0x3;
	s17 =	simm.s32 $0x80;
	s28 =	simm.s32 $0x180  }
0x8: {  	s29 =	simm.s32 $0x6400;
	s30 =	simm.s32 $0x380;
	s31 =	simm.s32 $0xE400  }
0x9: {  	[smem:$0x7FF] =	sst s2;
	s7 =	sand.u32 $0x1, s4;
	s4 =	sadd.s32 $0x23600, s3  }
0xa: {  	s11 =	smul.u32 $0x9C40, s13;
	s20 =	sshll.u32 s13, $0x6;
	s24 =	sshll.u32 s13, $0xC  }
0xb: {  	_ =	strace $0x80000050;
	s8 =	ssub.s32 $0x2, s7;
	s9 =	sshll.u32 s7, $0x10  }
0xc: {  	s18 =	sshll.u32 s7, $0x4;
	s21 =	sor.u32 $0x1C01, s20;
	s22 =	sshll.u32 s7, $0xA  }
0xd: {  	s10 =	sshrl.u32 s8, $0x1;
	s3 =	sadd.s32 s9, s3;
	s12 =	sadd.s32 s11, s1  }
0xe: {  	s19 =	sshrl.u32 s11, $0x3;
	[dreg:$0x7] =	wrdreg s21;
	s6 =	sadd.s32 s22, s6  }
0xf: {  	s21 =	simm.s32 $0x280;
	s8 =	ssub.s32 s8, s10;
	s0 =	sadd.s32 s0, s19  }
0x10: {  	s3 =	sadd.s32 s24, s3;
	s19 =	simm.s32 $0x8400;
	s24 =	simm.s32 $0x4400  }
0x11: {  	[dreg:$0x6] =	wrdreg s0;
	s23 =	smax.u32 s8, $0x1;
	s8 =	sadd.s32 s20, s6  }
0x12: {  	s0 =	sadd.s32 s22, s5;
	s25 =	sadd.s32 $0x4AA00, s3;
	s26 =	sadd.s32 $0x79A600, s3  }
.Ltmp0:
0x13: {  	s5 =	sor.u32 s18, s13;
	s13 =	sshrl.u32 s12, $0x3;
	(pc) =	sbr.rel .LBB2_1-.Ltmp0, $4  }
0x14: {  	s18 =	simm.s32 $0x400;
	s22 =	simm.s32 $0xA400;
	[dreg:$0x8] =	wrdreg s23  }
0x15: {  	s3 =	simm.s32 $0x0;
	s9 =	sadd.s32 s20, s0;
	[dreg:$0x9] =	wrdreg s25  }
0x16: {  	[dreg:$0xa] =	wrdreg s26;
	s20 =	simm.s32 $0x2400;
	s23 =	simm.s32 $0x100  }
0x17: {  	s25 =	simm.s32 $0x300;
	s26 =	simm.s32 $0xC400;
	s0 =	simm.s32 $0x2  }
.LBB2_5:
0x18: {  	s3 =	sadd.s32 $0x1, s3;
	s6 =	rddreg [dreg:$0x8]  }
0x19: {  	p0 =	sne.s32 s3, s6  }
.Ltmp1:
0x1a: {  	_ = 	snop;
	(pc) =	sbr.rel @!p0 .LBB2_6-.Ltmp1, $1  }
0x1b: {  	_ =	sdelay $0x3  }
.LBB2_1:
0x1c: {  	s6 =	rddreg [dreg:$0x6]  }
0x1d: {  	s7 =	rddreg [dreg:$0x7]  }
0x1e: {  	[spmem:s13], [sflag:s7] =	dma.local [hbm:s6], $0x1388  }
0x1f: {  	_ =	swait.ge [sflag:s14], $0x1388  }
.Ltmp2:
0x20: {  	[sflag:s14] =	ssyncset.done $0x0;
	(pc) =	sbr.rel .LBB2_2-.Ltmp2, $4  }
0x21: {  	[sflag:s14] =	ssyncadd.s32 $0xFFFFEC78  }
0x22: {  	[bflag:$0x0] =	sbarrier.arrive $0xFFFF  }
0x23: {  	s11 =	rddreg [dreg:$0xa]  }
0x24: {  	s12 =	smov.u32 s5;
	s7 =	simm.s32 $0x0;
	s10 =	rddreg [dreg:$0x9]  }
.LBB2_4:
0x25: {  	s7 =	sadd.s32 $0x800, s7  }
0x26: {  	p0 =	sne.s32 s7, $0xA000  }
.Ltmp3:
0x27: {  	_ = 	snop;
	(pc) =	sbr.rel @!p0 .LBB2_5-.Ltmp3, $2  }
0x28: {  	_ =	sdelay $0x2  }
0x29: {  	s10 =	sadd.s32 $0x20000, s10;
	s11 =	sadd.s32 $0x20000, s11;
	s12 =	sadd.s32 $0x20, s12  }
.LBB2_2:
0x2a: {  	p0 =	sgt.u32 s12, $0x270  }
.Ltmp4:
0x2b: {  	_ = 	snop;
	(pc) =	sbr.rel @p0 .LBB2_4-.Ltmp4, $1  }
0x2c: {  	_ =	sdelay $0x3  }
0x2d: {  	s6 =	sadd.s32 s7, s9  }
0x2e: {  	[tilespmem:s2], [sflag:$0x3] =	stream.linear.gather [hbm4b:s6+s2], $0x200, $0x38;
	[tilespmem:$0x1A040] =	vst v63  }
0x2f: {  	s6 =	sadd.s32 s7, s8  }
0x30: {  	[tilespmem:s15], [sflag:$0x3] =	stream.linear.gather [hbm4b:s6+s2], $0x200, $0x38;
	[tilespmem:$0x1A040] =	vst v63  }
0x31: {  	_ =	swait.ge [sflag:s16], $0x200  }
0x32: {  	[sflag:s16] =	ssyncset.done $0x0  }
0x33: {  	[sflag:s16] =	ssyncadd.s32 $0xFFFFFE00  }
0x34: {  	_ =	swait.ge [sflag:s16], $0x200  }
0x35: {  	[sflag:s16] =	ssyncset.done $0x0  }
0x36: {  	[sflag:s16] =	ssyncadd.s32 $0xFFFFFE00  }
0x37: {  	[tilespmem:s18], [sflag:$0x1] =	stream.indirect.gather [spmem:s1], $0x40, s2, s17, $0xb8;
	[tilespmem:$0x1A040] =	vst v63  }
0x38: {  	_ = 	snop  }
0x39: {  	[tilespmem:s19], [sflag:$0x2] =	stream.indirect.gather [hbm4b:s4+s17], $0x40, s15, s17, $0xb8;
	[tilespmem:$0x1A040] =	vst v63  }
0x3a: {  	_ = 	snop  }
0x3b: {  	[tilespmem:s20], [sflag:$0x1] =	stream.indirect.gather [spmem:s1], $0x40, s17, s17, $0xb8;
	[tilespmem:$0x1A040] =	vst v63  }
0x3c: {  	_ = 	snop  }
0x3d: {  	[tilespmem:s22], [sflag:$0x2] =	stream.indirect.gather [hbm4b:s4+s17], $0x40, s21, s17, $0xb8;
	[tilespmem:$0x1A040] =	vst v63  }
0x3e: {  	_ = 	snop  }
0x3f: {  	[tilespmem:s24], [sflag:$0x1] =	stream.indirect.gather [spmem:s1], $0x40, s23, s17, $0xb8;
	[tilespmem:$0x1A040] =	vst v63  }
0x40: {  	_ = 	snop  }
0x41: {  	[tilespmem:s26], [sflag:$0x2] =	stream.indirect.gather [hbm4b:s4+s17], $0x40, s25, s17, $0xb8;
	[tilespmem:$0x1A040] =	vst v63  }
0x42: {  	_ = 	snop  }
0x43: {  	[tilespmem:s29], [sflag:$0x1] =	stream.indirect.gather [spmem:s1], $0x40, s28, s17, $0xb8;
	[tilespmem:$0x1A040] =	vst v63  }
0x44: {  	_ = 	snop  }
0x45: {  	[tilespmem:s31], [sflag:$0x2] =	stream.indirect.gather [hbm4b:s4+s17], $0x40, s30, s17, $0xb8;
	[tilespmem:$0x1A040] =	vst v63  }
0x46: {  	_ =	swait.ge [sflag:s14], $0x2000  }
0x47: {  	[sflag:s14] =	ssyncset.done $0x0  }
0x48: {  	[sflag:s14] =	ssyncadd.s32 $0xFFFFE000  }
0x49: {  	_ =	swait.ge [sflag:s0], $0x2000  }
0x4a: {  	[sflag:s0] =	ssyncset.done $0x0  }
0x4b: {  	[sflag:s0] =	ssyncadd.s32 $0xFFFFE000  }
0x4c: {  	_ =	swait.ge [sflag:s14], $0x2000  }
0x4d: {  	[sflag:s14] =	ssyncset.done $0x0  }
0x4e: {  	[sflag:s14] =	ssyncadd.s32 $0xFFFFE000  }
0x4f: {  	_ =	swait.ge [sflag:s0], $0x2000  }
0x50: {  	[sflag:s0] =	ssyncset.done $0x0  }
0x51: {  	[sflag:s0] =	ssyncadd.s32 $0xFFFFE000  }
0x52: {  	_ =	swait.ge [sflag:s14], $0x2000  }
0x53: {  	[sflag:s14] =	ssyncset.done $0x0  }
0x54: {  	[sflag:s14] =	ssyncadd.s32 $0xFFFFE000  }
0x55: {  	_ =	swait.ge [sflag:s0], $0x2000  }
0x56: {  	[sflag:s0] =	ssyncset.done $0x0  }
0x57: {  	[sflag:s0] =	ssyncadd.s32 $0xFFFFE000  }
0x58: {  	_ =	swait.ge [sflag:s14], $0x2000  }
0x59: {  	[sflag:s14] =	ssyncset.done $0x0  }
0x5a: {  	[sflag:s14] =	ssyncadd.s32 $0xFFFFE000  }
0x5b: {  	_ =	swait.ge [sflag:s0], $0x2000  }
0x5c: {  	[sflag:s0] =	ssyncset.done $0x0  }
0x5d: {  	[sflag:s0] =	ssyncadd.s32 $0xFFFFE000  }
0x5e: {  	[hbm4b:s11+s2] =	stream.linear.scatter [tilespmem:s18], [sflag:$0x1], $0x8000, $0x38;
	[tilespmem:$0x1A040] =	vst v63  }
0x5f: {  	_ = 	snop  }
0x60: {  	[hbm4b:s10+s2] =	stream.linear.scatter [tilespmem:s19], [sflag:$0x2], $0x8000, $0x38;
	[tilespmem:$0x1A040] =	vst v63  }
0x61: {  	_ =	swait.ge [sflag:s14], $0x8000  }
.Ltmp5:
0x62: {  	[sflag:s14] =	ssyncset.done $0x0;
	(pc) =	sbr.rel .LBB2_4-.Ltmp5, $4  }
0x63: {  	[sflag:s14] =	ssyncadd.s32 $0xFFFF8000  }
0x64: {  	_ =	swait.ge [sflag:s0], $0x8000  }
0x65: {  	[sflag:s0] =	ssyncset.done $0x0  }
0x66: {  	[sflag:s0] =	ssyncadd.s32 $0xFFFF8000  }
.LBB2_6:
0x67: {  	_ =	sfence.sel $0x180000  }
0x68: {  	[bflag:$0x0] =	sbarrier.arrive $0xFFFF  }
0x69: {  	_ =	strace $0x90000050  }
0x6a: {  	s0 =	stileid.u32;
	[bflag:$0x2] =	sbarrier.arrive $0xFFFF  }
0x6b: {  	p0 =	sne.s32 s0, $0x0;
	s0 =	rddreg [dreg:$0x5]  }
0x6c: {  	s0 =	sadd.s32 @!p0 $0x100000, s0  }
0x6d: {  	[sflag:s0] =	ssyncadd.tile.s32 @!p0 $0x1;
	_ =	shalt  }
.Lfunc_end2:
_tile_overlayer_lowered:
.L_overlay_start_2:
0x6e: {  	(tag) =	ssettag $0x2  }
0x6f: {  	s0 =	rddreg [dreg:$0x0];
	s2 =	stileid.u32  }
0x70: {  	s1 =	rddreg [dreg:$0x1];
	p0 =	sne.s32 s2, $0x0  }
0x71: {  	s3 =	rddreg [dreg:$0x2];
	[bflag:$0x3] =	sbarrier.arrive $0xFFFF;
	s2 =	simm.s32 @!p0 $0x1C04  }
0x72: {  	[timem:s3], [sflag:s2] =	dma.local @!p0 [hbm:s0], s1  }
0x73: {  	s0 =	simm.s32 @!p0 $0x4  }
0x74: {  	_ =	swait.ge @!p0 [sflag:s0], s1  }
0x75: {  	s1 =	ssub.s32 @!p0 $0x0, s1;
	[sflag:s0] =	ssyncset.done @!p0 $0x0  }
0x76: {  	[sflag:s0] =	ssyncadd.s32 @!p0 s1  }
0x77: {  	[bflag:$0x3] =	sbarrier.arrive $0xFFFF  }
0x78: {  	_ =	shalt  }

// kernel: body.25.cloned.1.call-start
scs
__scs_entry_jumppad:
0x0: {  	(pc) =	sbr.rel $0x88, $3  }
0x1: {  	(tag) =	ssettag $0x0;
	lr =	simm.s32 $0x1  }
0x2: {  	[smem:$0x3F6C] =	sst lr;
	_ =	strace $0xD0000000  }
0x3: {  	_ = 	snop  }
0x4: {  	_ = 	snop  }
0x5: {  	_ = 	snop  }
0x6: {  	_ = 	snop  }
0x7: {  	_ = 	snop  }
__scs_overlays_trampoline_lowered:
0x8: {  	[smem:$0x3F7B] =	sst s0  }
0x9: {  	[smem:$0x3F7C] =	sst s1  }
0xa: {  	[smem:$0x3F7D] =	sst s2  }
0xb: {  	[smem:$0x3F7E] =	sst s3  }
0xc: {  	[smem:$0x3F7F] =	sst s4  }
0xd: {  	[smem:$0x3F80] =	sst s5  }
0xe: {  	[smem:$0x3F81] =	sst s6  }
0xf: {  	[smem:$0x3F82] =	sst s7  }
0x10: {  	[smem:$0x3F83] =	sst s8  }
0x11: {  	[smem:$0x3F84] =	sst s9;
	s0 =	simm.s32 @!p0 $0x0  }
0x12: {  	s1 =	sld [smem:$0x3F6A];
	s0 =	simm.s32 @p0 $0x1  }
0x13: {  	[smem:$0x3F85] =	sst s0;
	s0 =	simm.s32 @!p1 $0x0  }
0x14: {  	s2 =	sld [smem:$0x3F69];
	s0 =	simm.s32 @p1 $0x1  }
0x15: {  	[smem:$0x3F86] =	sst s0;
	s0 =	simm.s32 @!p2 $0x0  }
0x16: {  	s3 =	sld [smem:$0x3FDB];
	s0 =	simm.s32 @p2 $0x1  }
0x17: {  	s4 =	simm.s32 $0x1BF5;
	[smem:$0x3F88] =	sst s0  }
0x18: {  	s0 =	sld [smem:$0x3F6B];
	_ =	swait.ge [sflag:s4], $0x0  }
0x19: {  	s7 =	sld [smem:$0x3F6C]  }
0x1a: {  	s8 =	sadd.s32 $0xFFFFE003, lr  }
0x1b: {  	s9 =	sadd.s32 $0xFFFFFEF7, lr;
	s5 =	simm.s32 $0xFFFFFFFF;
	p2 =	slt.u32 s8, $0xFFFFF086  }
0x1c: {  	p1 =	slt.u32 s9, $0xF7A;
	s5 =	simm.s32 @!p2 $0x0  }
0x1d: {  	s5 =	simm.s32 @p1 $0x1;
	p0 =	seq.s32 s7, s2  }
0x1e: {  	s7 =	smul.u32 @!p0 $0xF7A, s2;
	p2 =	seq.s32 @!p0 s5, $0x0  }
0x1f: {  	s9 =	smul.u32 $0xF7A, s1;
	s8 =	simm.s32 @!p0 $0x1BF5;
	p2 =	por !p2, p0  }
0x20: {  	[sflag:s8] =	ssyncset.s32 @!p0 $0xFFFFF086;
	s6 =	sadd.s32 @!p0 s3, s7;
	s7 =	simm.s32 @!p0 $0x108  }
0x21: {  	s3 =	sadd.s32 s3, s9;
	s6 =	sadd.s32 @!p0 $0x88, s6;
	s7 =	simm.s32 @p2 $0x1082  }
0x22: {  	[simem:s7], [sflag:s8] =	dma.local @!p0 [hbm:s6], $0xF7A  }
0x23: {  	s9 =	sor.u32 $0xD0000000, s2;
	s6 =	simm.s32 $0x108;
	_ =	swait.ge @!p0 [sflag:s8], $0x0  }
0x24: {  	s3 =	sadd.s32 $0x88, s3;
	s6 =	simm.s32 @!p1 $0x1082;
	[sflag:s4] =	ssyncset.s32 $0xFFFFF086  }
0x25: {  	[simem:s6], [sflag:s4] =	dma.local [hbm:s3], $0xF7A  }
0x26: {  	[smem:$0x3F6C] =	sst s1;
	(tag) =	ssettag s2;
	_ =	strace s9  }
0x27: {  	s1 =	sld [smem:$0x3F7C]  }
0x28: {  	s2 =	sld [smem:$0x3F7D]  }
0x29: {  	s4 =	sld [smem:$0x3F7F]  }
0x2a: {  	p0 =	seq.s32 s5, $0x0;
	s5 =	sld [smem:$0x3F80]  }
0x2b: {  	s6 =	sld [smem:$0x3F81]  }
0x2c: {  	s7 =	sld [smem:$0x3F82]  }
0x2d: {  	s3 =	simm.s32 $0x108;
	s8 =	sld [smem:$0x3F83]  }
0x2e: {  	s3 =	simm.s32 @!p0 $0x1082;
	s9 =	sld [smem:$0x3F84]  }
0x2f: {  	lr =	sadd.s32 s0, s3;
	s0 =	sld [smem:$0x3F7B]  }
0x30: {  	s3 =	sld [smem:$0x3F7E]  }
0x31: {  	[smem:$0x3F87] =	sst s10  }
0x32: {  	s10 =	sld [smem:$0x3F85];
	_ =	sdelay $0x3  }
0x33: {  	p0 =	seq.s32 s10, $0x1;
	s10 =	sld [smem:$0x3F87];
	_ =	sdelay $0x3  }
0x34: {  	[smem:$0x3F87] =	sst s10  }
0x35: {  	s10 =	sld [smem:$0x3F86];
	_ =	sdelay $0x3  }
0x36: {  	p1 =	seq.s32 s10, $0x1;
	s10 =	sld [smem:$0x3F87];
	_ =	sdelay $0x3  }
0x37: {  	[smem:$0x3F87] =	sst s10  }
0x38: {  	s10 =	sld [smem:$0x3F88]  }
0x39: {  	_ = 	snop;
	(pc) =	sbr.ind lr, $3  }
0x3a: {  	_ = 	snop  }
0x3b: {  	_ = 	snop  }
0x3c: {  	p2 =	seq.s32 s10, $0x1;
	s10 =	sld [smem:$0x3F87]  }
0x3d: {  	_ =	shalt  }
0x3e: {  	_ =	shalt  }
0x3f: {  	_ =	shalt  }
0x40: {  	_ =	shalt  }
0x41: {  	_ =	shalt  }
0x42: {  	_ =	shalt  }
0x43: {  	_ =	shalt  }
0x44: {  	_ =	shalt  }
0x45: {  	_ =	shalt  }
0x46: {  	_ =	shalt  }
0x47: {  	_ =	shalt  }
0x48: {  	_ =	shalt  }
0x49: {  	_ =	shalt  }
0x4a: {  	_ =	shalt  }
0x4b: {  	_ =	shalt  }
0x4c: {  	_ =	shalt  }
0x4d: {  	_ =	shalt  }
0x4e: {  	_ =	shalt  }
0x4f: {  	_ =	shalt  }
0x50: {  	_ =	shalt  }
0x51: {  	_ =	shalt  }
0x52: {  	_ =	shalt  }
0x53: {  	_ =	shalt  }
0x54: {  	_ =	shalt  }
0x55: {  	_ =	shalt  }
0x56: {  	_ =	shalt  }
0x57: {  	_ =	shalt  }
0x58: {  	_ =	shalt  }
0x59: {  	_ =	shalt  }
0x5a: {  	_ =	shalt  }
0x5b: {  	_ =	shalt  }
0x5c: {  	_ =	shalt  }
0x5d: {  	_ =	shalt  }
0x5e: {  	_ =	shalt  }
0x5f: {  	_ =	shalt  }
0x60: {  	_ =	shalt  }
0x61: {  	_ =	shalt  }
0x62: {  	_ =	shalt  }
0x63: {  	_ =	shalt  }
0x64: {  	_ =	shalt  }
0x65: {  	_ =	shalt  }
0x66: {  	_ =	shalt  }
0x67: {  	_ =	shalt  }
0x68: {  	_ =	shalt  }
0x69: {  	_ =	shalt  }
0x6a: {  	_ =	shalt  }
0x6b: {  	_ =	shalt  }
0x6c: {  	_ =	shalt  }
0x6d: {  	_ =	shalt  }
0x6e: {  	_ =	shalt  }
0x6f: {  	_ =	shalt  }
0x70: {  	_ =	shalt  }
0x71: {  	_ =	shalt  }
0x72: {  	_ =	shalt  }
0x73: {  	_ =	shalt  }
0x74: {  	_ =	shalt  }
0x75: {  	_ =	shalt  }
0x76: {  	_ =	shalt  }
0x77: {  	_ =	shalt  }
0x78: {  	_ =	shalt  }
0x79: {  	_ =	shalt  }
0x7a: {  	_ =	shalt  }
0x7b: {  	_ =	shalt  }
0x7c: {  	_ =	shalt  }
0x7d: {  	_ =	shalt  }
0x7e: {  	_ =	shalt  }
0x7f: {  	_ =	shalt  }
0x80: {  	_ =	shalt  }
0x81: {  	_ =	shalt  }
0x82: {  	_ =	shalt  }
0x83: {  	_ =	shalt  }
0x84: {  	_ =	shalt  }
0x85: {  	_ =	shalt  }
0x86: {  	_ =	shalt  }
0x87: {  	_ =	shalt  }
.Lfunc_end0:
.L_simem_size_0:
called_computation.1_lowered:
.L_overlay_start_0:
0x88: {  	s2 =	sld [smem:$0x3FD9]  }
0x89: {  	s3 =	sld [smem:$0x3FFE];
	_ =	sdelay $0x1  }
0x8a: {  	s1 =	srdreg.scid  }
0x8b: {  	s0 =	sand.u32 $0x1, s1  }
0x8c: {  	s17 =	sshll.u32 s0, $0xA;
	s2 =	sadd.s32 s3, s2  }
0x8d: {  	s2 =	sadd.s32 s2, s17  }
0x8e: {  	[smem:$0x3F93] =	sst s2  }
0x8f: {  	_ = 	snop  }
0x90: {  	s2 =	sld [smem:$0x3FC6]  }
0x91: {  	s18 =	sld [smem:$0x3FD0];
	(tm) =	ssettm $0x1  }
0x92: {  	s4 =	sld [smem:$0x3FFB];
	_ =	sdelay $0x3  }
0x93: {  	_ =	strace s4  }
0x94: {  	s4 =	sld [smem:$0x3FFC];
	_ =	sdelay $0x3  }
0x95: {  	_ =	strace s4  }
0x96: {  	s4 =	sld [smem:$0x3FFD];
	_ =	sdelay $0x3  }
0x97: {  	_ =	strace s4  }
0x98: {  	_ =	strace $0x8FFFFFFF  }
0x99: {  	s19 =	sld [smem:$0x3FDB];
	_ =	sdelay $0x1  }
0x9a: {  	s5 =	simm.s32 $_scs_section_size  }
0x9b: {  	s6 =	simm.s32 $_size__tile_overlayer_lowered;
	s7 =	simm.s32 $_tile_overlayer_lowered  }
0x9c: {  	s22 =	simm.s32 $0x1BFF;
	s21 =	sshll.u32 s7, $0x1;
	s4 =	sadd.s32 s5, s19  }
0x9d: {  	s8 =	simm.s32 $0x0;
	s20 =	sshll.u32 s6, $0x1;
	s6 =	sadd.s32 s21, s4  }
0x9e: {  	[timem:s8], [sflag:s22] =	dma.local [hbm:s6], s20  }
0x9f: {  	_ =	swait.ge [sflag:s22], s20  }
0xa0: {  	s5 =	ssub.s32 $0x0, s20;
	[sflag:s22] =	ssyncset.done $0x0  }
0xa1: {  	[sflag:s22] =	ssyncadd.s32 s5;
	_ =	sdelay $0x1  }
0xa2: {  	s23 =	simm.s32 $0x1B8B  }
0xa3: {  	_ =	swait.ge [sflag:s23], $0x1  }
0xa4: {  	[sflag:s23] =	ssyncset.done $0x0  }
0xa5: {  	s25 =	simm.s32 $0x1B8E;
	s24 =	sld [smem:$0x3FFE];
	[sflag:s23] =	ssyncadd.s32 $0xFFFFFFFF  }
0xa6: {  	s26 =	simm.s32 $execute0_lowered;
	[smem:$0x3FD2] =	sst s25  }
0xa7: {  	s6 =	sshll.u32 s26, $0x1;
	_ =	strace $0x80000052;
	[dreg:$0x1] =	wrdreg $0xFFFFFFFF  }
0xa8: {  	s28 =	simm.s32 $_size_execute0_lowered;
	s4 =	sadd.s32 s4, s6;
	[dreg:$0x0] =	wrdreg $0x0  }
0xa9: {  	s6 =	sshll.u32 s28, $0x1;
	[dreg:$0x2] =	wrdreg s4  }
0xaa: {  	[dreg:$0x3] =	wrdreg s6  }
0xab: {  	[dreg:$0x4] =	wrdreg $0xC0  }
0xac: {  	_ =	task [dreg:s8], $0x5FFFF  }
0xad: {  	[dreg:$0x1] =	wrdreg $0xFFFFFFFF  }
0xae: {  	[dreg:$0x0] =	wrdreg $0x60  }
0xaf: {  	[dreg:$0x2] =	wrdreg s24  }
0xb0: {  	[dreg:$0x3] =	wrdreg s2  }
0xb1: {  	[dreg:$0x4] =	wrdreg s18  }
0xb2: {  	[dreg:$0x5] =	wrdreg $0x20800  }
0xb3: {  	[dreg:$0x6] =	wrdreg $0x9  }
0xb4: {  	_ =	task.clear_ibuf [dreg:s8], $0x7FFFF;
	_ =	strace $0x90000052  }
0xb5: {  	s29 =	simm.s32 $0x9;
	_ =	strace $0x80000054  }
0xb6: {  	_ =	swait.ge [sflag:s29], $0x1  }
0xb7: {  	[sflag:s29] =	ssyncadd.s32 $0xFFFFFFFF  }
0xb8: {  	_ =	strace $0x90000054  }
0xb9: {  	_ =	sfence  }
0xba: {  	s30 =	sld [smem:$0x0];
	_ =	sdelay $0x2  }
0xbb: {  	s31 =	sshll.u32 s1, $0xD;
	s1 =	sshrl.u32 s1, $0x2  }
0xbc: {  	s3 =	sand.u32 $0x4000, s31;
	s1 =	sadd.s32 s1, s30  }
0xbd: {  	s0 =	sor.u32 s3, s0;
	s1 =	sshll.u32 s1, $0x11  }
0xbe: {  	s0 =	sor.u32 s1, s0  }
0xbf: {  	s0 =	sadd.s32 $0x8F2B, s0  }
0xc0: {  	[sflag:s0] =	ssyncadd.remote.s32 $0x1  }
0xc1: {  	_ =	sfence.sel $0xFFFF  }
0xc2: {  	[dreg:$0x0] =	wrdreg $0xFFFFFFFF;
	(pc) =	sbr.abs _section_cstart, $3  }
0xc3: {  	[dreg:$0x1] =	wrdreg $0xFFFFFFFF  }
0xc4: {  	_ =	task.clear_ibuf [dreg:s8], $0x2FFFF;
	_ =	strace $0x9FFFFFFF  }
0xc5: {  	(tm) =	ssettm $0x7FFFFFFF  }
tec
execute0_lowered:
.L_overlay_start_1:
0x0: {  	(tag) =	ssettag $0x1  }
0x1: {  	s4 =	rddreg [dreg:$0x0]  }
0x2: {  	s7 =	rddreg [dreg:$0x1]  }
0x3: {  	s6 =	rddreg [dreg:$0x2]  }
0x4: {  	s1 =	rddreg [dreg:$0x3]  }
0x5: {  	s0 =	rddreg [dreg:$0x4];
	s2 =	srdreg.scid  }
0x6: {  	s3 =	simm.s32 $0x0;
	s8 =	sand.u32 $0x1, s2;
	s2 =	stileid.u32  }
0x7: {  	[smem:$0x7FF] =	sst s3;
	s5 =	sshll.u32 s8, $0xE;
	s9 =	smul.u32 $0x9C40, s2  }
0x8: {  	_ =	strace $0x80000053;
	s25 =	ssub.s32 $0x2, s8;
	s13 =	smul.u32 $0x9C400, s8  }
0x9: {  	s28 =	sshll.u32 s8, $0x4;
	s29 =	sshll.u32 s2, $0x6;
	s8 =	sshll.u32 s8, $0x8  }
0xa: {  	s30 =	sshll.u32 s2, $0xA;
	s31 =	sshll.u32 s2, $0x4;
	s10 =	sadd.s32 s5, s4  }
0xb: {  	s12 =	sshrl.u32 s25, $0x1;
	s5 =	sor.u32 $0x1C02, s29;
	s8 =	sadd.s32 s8, s7  }
0xc: {  	s11 =	sshrl.u32 s9, $0x3;
	s26 =	ssub.s32 s25, s12;
	s14 =	sadd.s32 s9, s1  }
0xd: {  	s9 =	sadd.s32 s9, s13;
	s8 =	sadd.s32 s31, s8;
	s12 =	simm.s32 $0x2  }
0xe: {  	s4 =	sadd.s32 s11, s4;
	s9 =	sshrl.u32 s9, $0x3;
	s7 =	smax.u32 s26, $0x1  }
0xf: {  	s11 =	sshrl.u32 s14, $0x3;
	s6 =	sadd.s32 s6, s9;
	s9 =	sadd.s32 s30, s10  }
0x10: {  	s4 =	sadd.s32 $0x79A600, s4;
	s10 =	sor.u32 s28, s2;
	s9 =	sadd.s32 $0x529600, s9  }
.LBB2_1:
0x11: {  	[spmem:s11], [sflag:s5] =	dma.local [hbm:s4], $0x1388  }
0x12: {  	_ =	swait.ge [sflag:s12], $0x1388  }
0x13: {  	s13 =	sadd.s32 $0x0, s10;
	[sflag:s12] =	ssyncset.done $0x0  }
0x14: {  	p0 =	sgt.u32 s13, $0x9C3;
	[sflag:s12] =	ssyncadd.s32 $0xFFFFEC78  }
0x15: {  	s13 =	simm.s32 @!p0 $0x0;
	p0 =	por p0, p0;
	[bflag:$0x0] =	sbarrier.arrive $0xFFFF  }
0x16: {  	[tilespmem:s13], [sflag:$0x1] =	stream.linear.gather @!p0 [hbm4b:s8+s13], $0x80, $0x38;
	[tilespmem:$0xBCC0] =	vst v63  }
0x17: {  	s15 =	simm.s32 @!p0 $0x80;
	s16 =	simm.s32 @!p0 $0x1  }
0x18: {  	[tilespmem:s15], [sflag:$0x1] =	stream.linear.gather @!p0 [hbm4b:s9+s13], $0x2000, $0x38;
	[tilespmem:$0xBCC0] =	vst v63  }
0x19: {  	_ =	swait.ge @!p0 [sflag:s16], $0x80  }
0x1a: {  	[sflag:s16] =	ssyncset.done @!p0 $0x0  }
0x1b: {  	[sflag:s16] =	ssyncadd.s32 @!p0 $0xFFFFFF80  }
0x1c: {  	_ =	swait.ge @!p0 [sflag:s16], $0x2000  }
0x1d: {  	[sflag:s16] =	ssyncset.done @!p0 $0x0  }
0x1e: {  	s31 =	sadd.s32 $0x20, s10;
	[sflag:s16] =	ssyncadd.s32 @!p0 $0xFFFFE000;
	s16 =	simm.s32 @!p0 $0x2  }
0x1f: {  	[spmem:s1] =	stream.indirect.scatter.add.f32 @!p0 [tilespmem:s15], [sflag:$0x2], $0x40, s13, s15, $0xb8;
	[tilespmem:$0xBCC0] =	vst v63  }
0x20: {  	s14 =	simm.s32 $0x40;
	p2 =	sgt.u32 s31, $0x9C3;
	_ =	swait.ge @!p0 [sflag:s16], $0x2000  }
0x21: {  	s13 =	sadd.s32 $0x8000, s9;
	s15 =	sadd.s32 $0x200, s8;
	[sflag:s16] =	ssyncset.done @!p0 $0x0  }
.LBB2_2:
0x22: {  	s17 =	simm.s32 @!p2 $0x0;
	[sflag:s16] =	ssyncadd.s32 @!p0 $0xFFFFE000  }
0x23: {  	s18 =	smov.u32 s14;
	s14 =	sadd.s32 $0x20, s14;
	p0 =	por p2, p2  }
0x24: {  	[tilespmem:s17], [sflag:$0x1] =	stream.linear.gather @!p0 [hbm4b:s15+s17], $0x80, $0x38;
	[tilespmem:$0xBCC0] =	vst v63  }
0x25: {  	p1 =	sne.s32 s14, $0x9E0;
	s19 =	simm.s32 @!p0 $0x80;
	s16 =	simm.s32 @!p0 $0x1  }
0x26: {  	[tilespmem:s19], [sflag:$0x1] =	stream.linear.gather @!p0 [hbm4b:s13+s17], $0x2000, $0x38;
	[tilespmem:$0xBCC0] =	vst v63  }
0x27: {  	_ =	swait.ge @!p0 [sflag:s16], $0x80  }
0x28: {  	[sflag:s16] =	ssyncset.done @!p0 $0x0  }
0x29: {  	[sflag:s16] =	ssyncadd.s32 @!p0 $0xFFFFFF80  }
0x2a: {  	_ =	swait.ge @!p0 [sflag:s16], $0x2000  }
.Ltmp0:
0x2b: {  	[sflag:s16] =	ssyncset.done @!p0 $0x0;
	(pc) =	sbr.rel @p1 .LBB2_2-.Ltmp0, $4  }
0x2c: {  	[sflag:s16] =	ssyncadd.s32 @!p0 $0xFFFFE000;
	s16 =	simm.s32 @!p0 $0x2  }
0x2d: {  	[spmem:s1] =	stream.indirect.scatter.add.f32 @!p0 [tilespmem:s19], [sflag:$0x2], $0x40, s17, s19, $0xb8;
	[tilespmem:$0xBCC0] =	vst v63  }
0x2e: {  	s13 =	sadd.s32 $0x8000, s13;
	s17 =	sadd.s32 s18, s10;
	_ =	swait.ge @!p0 [sflag:s16], $0x2000  }
0x2f: {  	s15 =	sadd.s32 $0x200, s15;
	p2 =	sgt.u32 s17, $0x9C3;
	[sflag:s16] =	ssyncset.done @!p0 $0x0  }
0x30: {  	s14 =	simm.s32 @!p2 $0x0;
	[sflag:s16] =	ssyncadd.s32 @!p0 $0xFFFFE000;
	p0 =	por p2, p2  }
0x31: {  	[tilespmem:s14], [sflag:$0x1] =	stream.linear.gather @!p0 [hbm4b:s15+s14], $0x80, $0x38;
	[tilespmem:$0xBCC0] =	vst v63  }
0x32: {  	s15 =	simm.s32 @!p0 $0x80;
	s16 =	simm.s32 @!p0 $0x1  }
0x33: {  	[tilespmem:s15], [sflag:$0x1] =	stream.linear.gather @!p0 [hbm4b:s13+s14], $0x2000, $0x38;
	[tilespmem:$0xBCC0] =	vst v63  }
0x34: {  	_ =	swait.ge @!p0 [sflag:s16], $0x80  }
0x35: {  	[sflag:s16] =	ssyncset.done @!p0 $0x0  }
0x36: {  	[sflag:s16] =	ssyncadd.s32 @!p0 $0xFFFFFF80  }
0x37: {  	_ =	swait.ge @!p0 [sflag:s16], $0x2000  }
0x38: {  	[sflag:s16] =	ssyncset.done @!p0 $0x0  }
0x39: {  	s13 =	simm.s32 @!p0 $0x2;
	[sflag:s16] =	ssyncadd.s32 @!p0 $0xFFFFE000  }
0x3a: {  	[spmem:s1] =	stream.indirect.scatter.add.f32 @!p0 [tilespmem:s15], [sflag:$0x2], $0x40, s14, s15, $0xb8;
	[tilespmem:$0xBCC0] =	vst v63  }
0x3b: {  	_ =	swait.ge @!p0 [sflag:s13], $0x2000  }
0x3c: {  	s3 =	sadd.s32 $0x1, s3;
	[sflag:s13] =	ssyncset.done @!p0 $0x0  }
0x3d: {  	[sflag:s13] =	ssyncadd.s32 @!p0 $0xFFFFE000;
	p0 =	sne.s32 s3, s7  }
.Ltmp1:
0x3e: {  	[bflag:$0x0] =	sbarrier.arrive $0xFFFF;
	(pc) =	sbr.rel @p0 .LBB2_1-.Ltmp1, $4  }
0x3f: {  	[hbm:s6], [sflag:s5] =	dma.local [spmem:s11], $0x1388  }
0x40: {  	_ =	swait.ge [sflag:s12], $0x1388  }
0x41: {  	[sflag:s12] =	ssyncset.done $0x0  }
0x42: {  	[sflag:s12] =	ssyncadd.s32 $0xFFFFEC78  }
0x43: {  	_ =	sfence.sel $0x180000  }
0x44: {  	[bflag:$0x0] =	sbarrier.arrive $0xFFFF  }
0x45: {  	p0 =	sne.s32 s2, $0x0;
	_ =	strace $0x90000053  }
0x46: {  	s0 =	sadd.s32 @!p0 $0x100000, s0;
	[bflag:$0x2] =	sbarrier.arrive $0xFFFF  }
0x47: {  	[sflag:s0] =	ssyncadd.tile.s32 @!p0 $0x1;
	_ =	shalt  }
.Lfunc_end2:
_tile_overlayer_lowered:
.L_overlay_start_2:
0x48: {  	(tag) =	ssettag $0x2  }
0x49: {  	s0 =	rddreg [dreg:$0x0];
	s2 =	stileid.u32  }
0x4a: {  	s1 =	rddreg [dreg:$0x1];
	p0 =	sne.s32 s2, $0x0  }
0x4b: {  	s3 =	rddreg [dreg:$0x2];
	[bflag:$0x3] =	sbarrier.arrive $0xFFFF;
	s2 =	simm.s32 @!p0 $0x1C02  }
0x4c: {  	[timem:s3], [sflag:s2] =	dma.local @!p0 [hbm:s0], s1  }
0x4d: {  	s0 =	simm.s32 @!p0 $0x2  }
0x4e: {  	_ =	swait.ge @!p0 [sflag:s0], s1  }
0x4f: {  	s1 =	ssub.s32 @!p0 $0x0, s1;
	[sflag:s0] =	ssyncset.done @!p0 $0x0  }
0x50: {  	[sflag:s0] =	ssyncadd.s32 @!p0 s1  }
0x51: {  	[bflag:$0x3] =	sbarrier.arrive $0xFFFF  }
0x52: {  	_ =	shalt  }

// kernel: kernel.10.cloned.1.call-start
scs
__scs_entry_jumppad:
0x0: {  	(pc) =	sbr.rel $0x88, $3  }
0x1: {  	(tag) =	ssettag $0x0;
	lr =	simm.s32 $0x1  }
0x2: {  	[smem:$0x3F6C] =	sst lr;
	_ =	strace $0xD0000000  }
0x3: {  	_ = 	snop  }
0x4: {  	_ = 	snop  }
0x5: {  	_ = 	snop  }
0x6: {  	_ = 	snop  }
0x7: {  	_ = 	snop  }
__scs_overlays_trampoline_lowered:
0x8: {  	[smem:$0x3F7B] =	sst s0  }
0x9: {  	[smem:$0x3F7C] =	sst s1  }
0xa: {  	[smem:$0x3F7D] =	sst s2  }
0xb: {  	[smem:$0x3F7E] =	sst s3  }
0xc: {  	[smem:$0x3F7F] =	sst s4  }
0xd: {  	[smem:$0x3F80] =	sst s5  }
0xe: {  	[smem:$0x3F81] =	sst s6  }
0xf: {  	[smem:$0x3F82] =	sst s7  }
0x10: {  	[smem:$0x3F83] =	sst s8  }
0x11: {  	[smem:$0x3F84] =	sst s9;
	s0 =	simm.s32 @!p0 $0x0  }
0x12: {  	s1 =	sld [smem:$0x3F6A];
	s0 =	simm.s32 @p0 $0x1  }
0x13: {  	[smem:$0x3F85] =	sst s0;
	s0 =	simm.s32 @!p1 $0x0  }
0x14: {  	s2 =	sld [smem:$0x3F69];
	s0 =	simm.s32 @p1 $0x1  }
0x15: {  	[smem:$0x3F86] =	sst s0;
	s0 =	simm.s32 @!p2 $0x0  }
0x16: {  	s3 =	sld [smem:$0x3FDB];
	s0 =	simm.s32 @p2 $0x1  }
0x17: {  	s4 =	simm.s32 $0x1BF5;
	[smem:$0x3F88] =	sst s0  }
0x18: {  	s0 =	sld [smem:$0x3F6B];
	_ =	swait.ge [sflag:s4], $0x0  }
0x19: {  	s7 =	sld [smem:$0x3F6C]  }
0x1a: {  	s8 =	sadd.s32 $0xFFFFE003, lr  }
0x1b: {  	s9 =	sadd.s32 $0xFFFFFEF7, lr;
	s5 =	simm.s32 $0xFFFFFFFF;
	p2 =	slt.u32 s8, $0xFFFFF086  }
0x1c: {  	p1 =	slt.u32 s9, $0xF7A;
	s5 =	simm.s32 @!p2 $0x0  }
0x1d: {  	s5 =	simm.s32 @p1 $0x1;
	p0 =	seq.s32 s7, s2  }
0x1e: {  	s7 =	smul.u32 @!p0 $0xF7A, s2;
	p2 =	seq.s32 @!p0 s5, $0x0  }
0x1f: {  	s9 =	smul.u32 $0xF7A, s1;
	s8 =	simm.s32 @!p0 $0x1BF5;
	p2 =	por !p2, p0  }
0x20: {  	[sflag:s8] =	ssyncset.s32 @!p0 $0xFFFFF086;
	s6 =	sadd.s32 @!p0 s3, s7;
	s7 =	simm.s32 @!p0 $0x108  }
0x21: {  	s3 =	sadd.s32 s3, s9;
	s6 =	sadd.s32 @!p0 $0x88, s6;
	s7 =	simm.s32 @p2 $0x1082  }
0x22: {  	[simem:s7], [sflag:s8] =	dma.local @!p0 [hbm:s6], $0xF7A  }
0x23: {  	s9 =	sor.u32 $0xD0000000, s2;
	s6 =	simm.s32 $0x108;
	_ =	swait.ge @!p0 [sflag:s8], $0x0  }
0x24: {  	s3 =	sadd.s32 $0x88, s3;
	s6 =	simm.s32 @!p1 $0x1082;
	[sflag:s4] =	ssyncset.s32 $0xFFFFF086  }
0x25: {  	[simem:s6], [sflag:s4] =	dma.local [hbm:s3], $0xF7A  }
0x26: {  	[smem:$0x3F6C] =	sst s1;
	(tag) =	ssettag s2;
	_ =	strace s9  }
0x27: {  	s1 =	sld [smem:$0x3F7C]  }
0x28: {  	s2 =	sld [smem:$0x3F7D]  }
0x29: {  	s4 =	sld [smem:$0x3F7F]  }
0x2a: {  	p0 =	seq.s32 s5, $0x0;
	s5 =	sld [smem:$0x3F80]  }
0x2b: {  	s6 =	sld [smem:$0x3F81]  }
0x2c: {  	s7 =	sld [smem:$0x3F82]  }
0x2d: {  	s3 =	simm.s32 $0x108;
	s8 =	sld [smem:$0x3F83]  }
0x2e: {  	s3 =	simm.s32 @!p0 $0x1082;
	s9 =	sld [smem:$0x3F84]  }
0x2f: {  	lr =	sadd.s32 s0, s3;
	s0 =	sld [smem:$0x3F7B]  }
0x30: {  	s3 =	sld [smem:$0x3F7E]  }
0x31: {  	[smem:$0x3F87] =	sst s10  }
0x32: {  	s10 =	sld [smem:$0x3F85];
	_ =	sdelay $0x3  }
0x33: {  	p0 =	seq.s32 s10, $0x1;
	s10 =	sld [smem:$0x3F87];
	_ =	sdelay $0x3  }
0x34: {  	[smem:$0x3F87] =	sst s10  }
0x35: {  	s10 =	sld [smem:$0x3F86];
	_ =	sdelay $0x3  }
0x36: {  	p1 =	seq.s32 s10, $0x1;
	s10 =	sld [smem:$0x3F87];
	_ =	sdelay $0x3  }
0x37: {  	[smem:$0x3F87] =	sst s10  }
0x38: {  	s10 =	sld [smem:$0x3F88]  }
0x39: {  	_ = 	snop;
	(pc) =	sbr.ind lr, $3  }
0x3a: {  	_ = 	snop  }
0x3b: {  	_ = 	snop  }
0x3c: {  	p2 =	seq.s32 s10, $0x1;
	s10 =	sld [smem:$0x3F87]  }
0x3d: {  	_ =	shalt  }
0x3e: {  	_ =	shalt  }
0x3f: {  	_ =	shalt  }
0x40: {  	_ =	shalt  }
0x41: {  	_ =	shalt  }
0x42: {  	_ =	shalt  }
0x43: {  	_ =	shalt  }
0x44: {  	_ =	shalt  }
0x45: {  	_ =	shalt  }
0x46: {  	_ =	shalt  }
0x47: {  	_ =	shalt  }
0x48: {  	_ =	shalt  }
0x49: {  	_ =	shalt  }
0x4a: {  	_ =	shalt  }
0x4b: {  	_ =	shalt  }
0x4c: {  	_ =	shalt  }
0x4d: {  	_ =	shalt  }
0x4e: {  	_ =	shalt  }
0x4f: {  	_ =	shalt  }
0x50: {  	_ =	shalt  }
0x51: {  	_ =	shalt  }
0x52: {  	_ =	shalt  }
0x53: {  	_ =	shalt  }
0x54: {  	_ =	shalt  }
0x55: {  	_ =	shalt  }
0x56: {  	_ =	shalt  }
0x57: {  	_ =	shalt  }
0x58: {  	_ =	shalt  }
0x59: {  	_ =	shalt  }
0x5a: {  	_ =	shalt  }
0x5b: {  	_ =	shalt  }
0x5c: {  	_ =	shalt  }
0x5d: {  	_ =	shalt  }
0x5e: {  	_ =	shalt  }
0x5f: {  	_ =	shalt  }
0x60: {  	_ =	shalt  }
0x61: {  	_ =	shalt  }
0x62: {  	_ =	shalt  }
0x63: {  	_ =	shalt  }
0x64: {  	_ =	shalt  }
0x65: {  	_ =	shalt  }
0x66: {  	_ =	shalt  }
0x67: {  	_ =	shalt  }
0x68: {  	_ =	shalt  }
0x69: {  	_ =	shalt  }
0x6a: {  	_ =	shalt  }
0x6b: {  	_ =	shalt  }
0x6c: {  	_ =	shalt  }
0x6d: {  	_ =	shalt  }
0x6e: {  	_ =	shalt  }
0x6f: {  	_ =	shalt  }
0x70: {  	_ =	shalt  }
0x71: {  	_ =	shalt  }
0x72: {  	_ =	shalt  }
0x73: {  	_ =	shalt  }
0x74: {  	_ =	shalt  }
0x75: {  	_ =	shalt  }
0x76: {  	_ =	shalt  }
0x77: {  	_ =	shalt  }
0x78: {  	_ =	shalt  }
0x79: {  	_ =	shalt  }
0x7a: {  	_ =	shalt  }
0x7b: {  	_ =	shalt  }
0x7c: {  	_ =	shalt  }
0x7d: {  	_ =	shalt  }
0x7e: {  	_ =	shalt  }
0x7f: {  	_ =	shalt  }
0x80: {  	_ =	shalt  }
0x81: {  	_ =	shalt  }
0x82: {  	_ =	shalt  }
0x83: {  	_ =	shalt  }
0x84: {  	_ =	shalt  }
0x85: {  	_ =	shalt  }
0x86: {  	_ =	shalt  }
0x87: {  	_ =	shalt  }
.Lfunc_end0:
.L_simem_size_0:
called_computation.2_lowered:
.L_overlay_start_0:
0x88: {  	s2 =	sld [smem:$0x3FD9]  }
0x89: {  	s3 =	sld [smem:$0x3FFE];
	_ =	sdelay $0x1  }
0x8a: {  	s1 =	srdreg.scid  }
0x8b: {  	s0 =	sand.u32 $0x1, s1  }
0x8c: {  	s17 =	sshll.u32 s0, $0xA;
	s2 =	sadd.s32 s3, s2  }
0x8d: {  	s2 =	sadd.s32 s2, s17  }
0x8e: {  	[smem:$0x3F93] =	sst s2  }
0x8f: {  	_ = 	snop  }
0x90: {  	s2 =	sld [smem:$0x3FC7]  }
0x91: {  	s18 =	sld [smem:$0x3FC6];
	(tm) =	ssettm $0x1  }
0x92: {  	s4 =	sld [smem:$0x3FFB];
	_ =	sdelay $0x3  }
0x93: {  	_ =	strace s4  }
0x94: {  	s4 =	sld [smem:$0x3FFC];
	_ =	sdelay $0x3  }
0x95: {  	_ =	strace s4  }
0x96: {  	s4 =	sld [smem:$0x3FFD];
	_ =	sdelay $0x3  }
0x97: {  	_ =	strace s4  }
0x98: {  	_ =	strace $0x8FFFFFFF  }
0x99: {  	s19 =	sld [smem:$0x3FDB];
	_ =	sdelay $0x1  }
0x9a: {  	s5 =	simm.s32 $_scs_section_size  }
0x9b: {  	s6 =	simm.s32 $_size__tile_overlayer_lowered;
	s7 =	simm.s32 $_tile_overlayer_lowered  }
0x9c: {  	s22 =	simm.s32 $0x1BFF;
	s21 =	sshll.u32 s7, $0x1;
	s4 =	sadd.s32 s5, s19  }
0x9d: {  	s8 =	simm.s32 $0x0;
	s20 =	sshll.u32 s6, $0x1;
	s6 =	sadd.s32 s21, s4  }
0x9e: {  	[timem:s8], [sflag:s22] =	dma.local [hbm:s6], s20  }
0x9f: {  	_ =	swait.ge [sflag:s22], s20  }
0xa0: {  	s5 =	ssub.s32 $0x0, s20;
	[sflag:s22] =	ssyncset.done $0x0  }
0xa1: {  	[sflag:s22] =	ssyncadd.s32 s5;
	_ =	sdelay $0x1  }
0xa2: {  	s23 =	simm.s32 $0x1B8B  }
0xa3: {  	_ =	swait.ge [sflag:s23], $0x1  }
0xa4: {  	[sflag:s23] =	ssyncset.done $0x0  }
0xa5: {  	s25 =	simm.s32 $0x1B8E;
	s24 =	sld [smem:$0x3FFE];
	[sflag:s23] =	ssyncadd.s32 $0xFFFFFFFF  }
0xa6: {  	s26 =	simm.s32 $execute0_lowered;
	[smem:$0x3FD2] =	sst s25  }
0xa7: {  	s6 =	sshll.u32 s26, $0x1;
	_ =	strace $0x80000046;
	[dreg:$0x1] =	wrdreg $0xFFFFFFFF  }
0xa8: {  	s28 =	simm.s32 $_size_execute0_lowered;
	s4 =	sadd.s32 s4, s6;
	[dreg:$0x0] =	wrdreg $0x0  }
0xa9: {  	s6 =	sshll.u32 s28, $0x1;
	[dreg:$0x2] =	wrdreg s4  }
0xaa: {  	[dreg:$0x3] =	wrdreg s6  }
0xab: {  	[dreg:$0x4] =	wrdreg $0xC0  }
0xac: {  	_ =	task [dreg:s8], $0x5FFFF  }
0xad: {  	[dreg:$0x1] =	wrdreg $0xFFFFFFFF  }
0xae: {  	[dreg:$0x0] =	wrdreg $0x60  }
0xaf: {  	[dreg:$0x2] =	wrdreg s24  }
0xb0: {  	[dreg:$0x3] =	wrdreg s2  }
0xb1: {  	[dreg:$0x4] =	wrdreg s18  }
0xb2: {  	[dreg:$0x5] =	wrdreg $0x104000  }
0xb3: {  	[dreg:$0x6] =	wrdreg $0x9  }
0xb4: {  	_ =	task.clear_ibuf [dreg:s8], $0x7FFFF;
	_ =	strace $0x90000046  }
0xb5: {  	s29 =	simm.s32 $0x9;
	_ =	strace $0x80000048  }
0xb6: {  	_ =	swait.ge [sflag:s29], $0x1  }
0xb7: {  	[sflag:s29] =	ssyncadd.s32 $0xFFFFFFFF  }
0xb8: {  	_ =	strace $0x90000048  }
0xb9: {  	_ =	sfence  }
0xba: {  	s30 =	sld [smem:$0x0];
	_ =	sdelay $0x2  }
0xbb: {  	s31 =	sshll.u32 s1, $0xD;
	s1 =	sshrl.u32 s1, $0x2  }
0xbc: {  	s3 =	sand.u32 $0x4000, s31;
	s1 =	sadd.s32 s1, s30  }
0xbd: {  	s0 =	sor.u32 s3, s0;
	s1 =	sshll.u32 s1, $0x11  }
0xbe: {  	s0 =	sor.u32 s1, s0  }
0xbf: {  	s0 =	sadd.s32 $0x8F2B, s0  }
0xc0: {  	[sflag:s0] =	ssyncadd.remote.s32 $0x1  }
0xc1: {  	_ =	sfence.sel $0xFFFF  }
0xc2: {  	[dreg:$0x0] =	wrdreg $0xFFFFFFFF;
	(pc) =	sbr.abs _section_cstart, $3  }
0xc3: {  	[dreg:$0x1] =	wrdreg $0xFFFFFFFF  }
0xc4: {  	_ =	task.clear_ibuf [dreg:s8], $0x2FFFF;
	_ =	strace $0x9FFFFFFF  }
0xc5: {  	(tm) =	ssettm $0x7FFFFFFF  }
tec
execute0_lowered:
.L_overlay_start_1:
0x0: {  	(tag) =	ssettag $0x1  }
0x1: {  	s0 =	rddreg [dreg:$0x0]  }
0x2: {  	s1 =	rddreg [dreg:$0x1]  }
0x3: {  	s5 =	rddreg [dreg:$0x2]  }
0x4: {  	s2 =	rddreg [dreg:$0x3]  }
0x5: {  	s12 =	stileid.u32;
	s3 =	simm.s32 $0x0;
	s4 =	srdreg.scid  }
0x6: {  	s14 =	simm.s32 $0x1;
	s15 =	simm.s32 $0x200;
	s16 =	simm.s32 $0x3  }
0x7: {  	s17 =	simm.s32 $0x80;
	s18 =	simm.s32 $0x400;
	s19 =	simm.s32 $0x8400  }
0x8: {  	s28 =	simm.s32 $0x180;
	s29 =	simm.s32 $0x6400;
	s30 =	simm.s32 $0x380  }
0x9: {  	s31 =	simm.s32 $0xE400;
	s6 =	smul.u32 $0x9C40, s12;
	[smem:$0x7FF] =	sst s3  }
0xa: {  	s7 =	sand.u32 $0x1, s4;
	s4 =	sadd.s32 $0x24600, s0;
	s23 =	sshll.u32 s12, $0x6  }
0xb: {  	s25 =	sshll.u32 s12, $0xC;
	_ =	strace $0x80000047;
	s8 =	ssub.s32 $0x2, s7  }
0xc: {  	s10 =	sshll.u32 s7, $0x10;
	s21 =	sshll.u32 s7, $0x4;
	s24 =	sor.u32 $0x1C01, s23  }
0xd: {  	s7 =	sshll.u32 s7, $0xA;
	s20 =	sshrl.u32 s6, $0x3;
	s11 =	sshrl.u32 s8, $0x1  }
0xe: {  	s22 =	sadd.s32 s6, s2;
	[dreg:$0x6] =	wrdreg s24;
	s5 =	sadd.s32 s7, s5  }
0xf: {  	s1 =	sadd.s32 s7, s1;
	s24 =	simm.s32 $0x4400;
	s9 =	sadd.s32 s20, s0  }
0x10: {  	s0 =	sadd.s32 s10, s0;
	s8 =	ssub.s32 s8, s11;
	s13 =	sshrl.u32 s22, $0x3  }
0x11: {  	s20 =	simm.s32 $0x2400;
	s22 =	simm.s32 $0xA400;
	s9 =	sadd.s32 $0x10C00, s9  }
0x12: {  	s8 =	smax.u32 s8, $0x1;
	s0 =	sadd.s32 s25, s0;
	[dreg:$0x5] =	wrdreg s9  }
.Ltmp0:
0x13: {  	s25 =	simm.s32 $0x300;
	[dreg:$0x7] =	wrdreg s8;
	(pc) =	sbr.rel .LBB2_1-.Ltmp0, $4  }
0x14: {  	s8 =	sadd.s32 s23, s5;
	s9 =	sadd.s32 s23, s1;
	s26 =	sadd.s32 $0x2A9000, s0  }
0x15: {  	s0 =	sadd.s32 $0x38000, s0;
	s5 =	sor.u32 s21, s12;
	s21 =	simm.s32 $0x280  }
0x16: {  	s23 =	simm.s32 $0x100;
	s1 =	simm.s32 $0x0;
	[dreg:$0x8] =	wrdreg s26  }
0x17: {  	[dreg:$0x9] =	wrdreg s0;
	s26 =	simm.s32 $0xC400;
	s0 =	simm.s32 $0x2  }
.LBB2_5:
0x18: {  	s1 =	sadd.s32 $0x1, s1;
	s6 =	rddreg [dreg:$0x7]  }
0x19: {  	p0 =	sne.s32 s1, s6  }
.Ltmp1:
0x1a: {  	_ = 	snop;
	(pc) =	sbr.rel @!p0 .LBB2_6-.Ltmp1, $1  }
0x1b: {  	_ =	sdelay $0x3  }
.LBB2_1:
0x1c: {  	s6 =	rddreg [dreg:$0x5]  }
0x1d: {  	s7 =	rddreg [dreg:$0x6]  }
0x1e: {  	[spmem:s13], [sflag:s7] =	dma.local [hbm:s6], $0x1388  }
0x1f: {  	_ =	swait.ge [sflag:s14], $0x1388  }
.Ltmp2:
0x20: {  	[sflag:s14] =	ssyncset.done $0x0;
	(pc) =	sbr.rel .LBB2_2-.Ltmp2, $4  }
0x21: {  	[sflag:s14] =	ssyncadd.s32 $0xFFFFEC78  }
0x22: {  	[bflag:$0x0] =	sbarrier.arrive $0xFFFF  }
0x23: {  	s11 =	rddreg [dreg:$0x9]  }
0x24: {  	s12 =	smov.u32 s5;
	s7 =	simm.s32 $0x0;
	s10 =	rddreg [dreg:$0x8]  }
.LBB2_4:
0x25: {  	s7 =	sadd.s32 $0x800, s7  }
0x26: {  	p0 =	sne.s32 s7, $0xA000  }
.Ltmp3:
0x27: {  	_ = 	snop;
	(pc) =	sbr.rel @!p0 .LBB2_5-.Ltmp3, $2  }
0x28: {  	_ =	sdelay $0x2  }
0x29: {  	s10 =	sadd.s32 $0x20000, s10;
	s11 =	sadd.s32 $0x20000, s11;
	s12 =	sadd.s32 $0x20, s12  }
.LBB2_2:
0x2a: {  	p0 =	sgt.u32 s12, $0x270  }
.Ltmp4:
0x2b: {  	_ = 	snop;
	(pc) =	sbr.rel @p0 .LBB2_4-.Ltmp4, $1  }
0x2c: {  	_ =	sdelay $0x3  }
0x2d: {  	s6 =	sadd.s32 s7, s9  }
0x2e: {  	[tilespmem:s3], [sflag:$0x3] =	stream.linear.gather [hbm4b:s6+s3], $0x200, $0x38;
	[tilespmem:$0x1A040] =	vst v63  }
0x2f: {  	s6 =	sadd.s32 s7, s8  }
0x30: {  	[tilespmem:s15], [sflag:$0x3] =	stream.linear.gather [hbm4b:s6+s3], $0x200, $0x38;
	[tilespmem:$0x1A040] =	vst v63  }
0x31: {  	_ =	swait.ge [sflag:s16], $0x200  }
0x32: {  	[sflag:s16] =	ssyncset.done $0x0  }
0x33: {  	[sflag:s16] =	ssyncadd.s32 $0xFFFFFE00  }
0x34: {  	_ =	swait.ge [sflag:s16], $0x200  }
0x35: {  	[sflag:s16] =	ssyncset.done $0x0  }
0x36: {  	[sflag:s16] =	ssyncadd.s32 $0xFFFFFE00  }
0x37: {  	[tilespmem:s18], [sflag:$0x1] =	stream.indirect.gather [spmem:s2], $0x40, s3, s17, $0xb8;
	[tilespmem:$0x1A040] =	vst v63  }
0x38: {  	_ = 	snop  }
0x39: {  	[tilespmem:s19], [sflag:$0x2] =	stream.indirect.gather [hbm4b:s4+s17], $0x40, s15, s17, $0xb8;
	[tilespmem:$0x1A040] =	vst v63  }
0x3a: {  	_ = 	snop  }
0x3b: {  	[tilespmem:s20], [sflag:$0x1] =	stream.indirect.gather [spmem:s2], $0x40, s17, s17, $0xb8;
	[tilespmem:$0x1A040] =	vst v63  }
0x3c: {  	_ = 	snop  }
0x3d: {  	[tilespmem:s22], [sflag:$0x2] =	stream.indirect.gather [hbm4b:s4+s17], $0x40, s21, s17, $0xb8;
	[tilespmem:$0x1A040] =	vst v63  }
0x3e: {  	_ = 	snop  }
0x3f: {  	[tilespmem:s24], [sflag:$0x1] =	stream.indirect.gather [spmem:s2], $0x40, s23, s17, $0xb8;
	[tilespmem:$0x1A040] =	vst v63  }
0x40: {  	_ = 	snop  }
0x41: {  	[tilespmem:s26], [sflag:$0x2] =	stream.indirect.gather [hbm4b:s4+s17], $0x40, s25, s17, $0xb8;
	[tilespmem:$0x1A040] =	vst v63  }
0x42: {  	_ = 	snop  }
0x43: {  	[tilespmem:s29], [sflag:$0x1] =	stream.indirect.gather [spmem:s2], $0x40, s28, s17, $0xb8;
	[tilespmem:$0x1A040] =	vst v63  }
0x44: {  	_ = 	snop  }
0x45: {  	[tilespmem:s31], [sflag:$0x2] =	stream.indirect.gather [hbm4b:s4+s17], $0x40, s30, s17, $0xb8;
	[tilespmem:$0x1A040] =	vst v63  }
0x46: {  	_ =	swait.ge [sflag:s14], $0x2000  }
0x47: {  	[sflag:s14] =	ssyncset.done $0x0  }
0x48: {  	[sflag:s14] =	ssyncadd.s32 $0xFFFFE000  }
0x49: {  	_ =	swait.ge [sflag:s0], $0x2000  }
0x4a: {  	[sflag:s0] =	ssyncset.done $0x0  }
0x4b: {  	[sflag:s0] =	ssyncadd.s32 $0xFFFFE000  }
0x4c: {  	_ =	swait.ge [sflag:s14], $0x2000  }
0x4d: {  	[sflag:s14] =	ssyncset.done $0x0  }
0x4e: {  	[sflag:s14] =	ssyncadd.s32 $0xFFFFE000  }
0x4f: {  	_ =	swait.ge [sflag:s0], $0x2000  }
0x50: {  	[sflag:s0] =	ssyncset.done $0x0  }
0x51: {  	[sflag:s0] =	ssyncadd.s32 $0xFFFFE000  }
0x52: {  	_ =	swait.ge [sflag:s14], $0x2000  }
0x53: {  	[sflag:s14] =	ssyncset.done $0x0  }
0x54: {  	[sflag:s14] =	ssyncadd.s32 $0xFFFFE000  }
0x55: {  	_ =	swait.ge [sflag:s0], $0x2000  }
0x56: {  	[sflag:s0] =	ssyncset.done $0x0  }
0x57: {  	[sflag:s0] =	ssyncadd.s32 $0xFFFFE000  }
0x58: {  	_ =	swait.ge [sflag:s14], $0x2000  }
0x59: {  	[sflag:s14] =	ssyncset.done $0x0  }
0x5a: {  	[sflag:s14] =	ssyncadd.s32 $0xFFFFE000  }
0x5b: {  	_ =	swait.ge [sflag:s0], $0x2000  }
0x5c: {  	[sflag:s0] =	ssyncset.done $0x0  }
0x5d: {  	[sflag:s0] =	ssyncadd.s32 $0xFFFFE000  }
0x5e: {  	[hbm4b:s11+s3] =	stream.linear.scatter [tilespmem:s18], [sflag:$0x1], $0x8000, $0x38;
	[tilespmem:$0x1A040] =	vst v63  }
0x5f: {  	_ = 	snop  }
0x60: {  	[hbm4b:s10+s3] =	stream.linear.scatter [tilespmem:s19], [sflag:$0x2], $0x8000, $0x38;
	[tilespmem:$0x1A040] =	vst v63  }
0x61: {  	_ =	swait.ge [sflag:s14], $0x8000  }
.Ltmp5:
0x62: {  	[sflag:s14] =	ssyncset.done $0x0;
	(pc) =	sbr.rel .LBB2_4-.Ltmp5, $4  }
0x63: {  	[sflag:s14] =	ssyncadd.s32 $0xFFFF8000  }
0x64: {  	_ =	swait.ge [sflag:s0], $0x8000  }
0x65: {  	[sflag:s0] =	ssyncset.done $0x0  }
0x66: {  	[sflag:s0] =	ssyncadd.s32 $0xFFFF8000  }
.LBB2_6:
0x67: {  	_ =	sfence.sel $0x180000  }
0x68: {  	[bflag:$0x0] =	sbarrier.arrive $0xFFFF  }
0x69: {  	_ =	strace $0x90000047  }
0x6a: {  	s0 =	stileid.u32;
	[bflag:$0x2] =	sbarrier.arrive $0xFFFF  }
0x6b: {  	p0 =	sne.s32 s0, $0x0;
	s0 =	rddreg [dreg:$0x4]  }
0x6c: {  	s0 =	sadd.s32 @!p0 $0x100000, s0  }
0x6d: {  	[sflag:s0] =	ssyncadd.tile.s32 @!p0 $0x1;
	_ =	shalt  }
.Lfunc_end2:
_tile_overlayer_lowered:
.L_overlay_start_2:
0x6e: {  	(tag) =	ssettag $0x2  }
0x6f: {  	s0 =	rddreg [dreg:$0x0];
	s2 =	stileid.u32  }
0x70: {  	s1 =	rddreg [dreg:$0x1];
	p0 =	sne.s32 s2, $0x0  }
0x71: {  	s3 =	rddreg [dreg:$0x2];
	[bflag:$0x3] =	sbarrier.arrive $0xFFFF;
	s2 =	simm.s32 @!p0 $0x1C04  }
0x72: {  	[timem:s3], [sflag:s2] =	dma.local @!p0 [hbm:s0], s1  }
0x73: {  	s0 =	simm.s32 @!p0 $0x4  }
0x74: {  	_ =	swait.ge @!p0 [sflag:s0], s1  }
0x75: {  	s1 =	ssub.s32 @!p0 $0x0, s1;
	[sflag:s0] =	ssyncset.done @!p0 $0x0  }
0x76: {  	[sflag:s0] =	ssyncadd.s32 @!p0 s1  }
0x77: {  	[bflag:$0x3] =	sbarrier.arrive $0xFFFF  }
0x78: {  	_ =	shalt  }

// kernel: kernel.13.cloned.1.call-start
scs
__scs_entry_jumppad:
0x0: {  	(pc) =	sbr.rel $0x88, $3  }
0x1: {  	(tag) =	ssettag $0x0;
	lr =	simm.s32 $0x1  }
0x2: {  	[smem:$0x3F6C] =	sst lr;
	_ =	strace $0xD0000000  }
0x3: {  	_ = 	snop  }
0x4: {  	_ = 	snop  }
0x5: {  	_ = 	snop  }
0x6: {  	_ = 	snop  }
0x7: {  	_ = 	snop  }
__scs_overlays_trampoline_lowered:
0x8: {  	[smem:$0x3F7B] =	sst s0  }
0x9: {  	[smem:$0x3F7C] =	sst s1  }
0xa: {  	[smem:$0x3F7D] =	sst s2  }
0xb: {  	[smem:$0x3F7E] =	sst s3  }
0xc: {  	[smem:$0x3F7F] =	sst s4  }
0xd: {  	[smem:$0x3F80] =	sst s5  }
0xe: {  	[smem:$0x3F81] =	sst s6  }
0xf: {  	[smem:$0x3F82] =	sst s7  }
0x10: {  	[smem:$0x3F83] =	sst s8  }
0x11: {  	[smem:$0x3F84] =	sst s9;
	s0 =	simm.s32 @!p0 $0x0  }
0x12: {  	s1 =	sld [smem:$0x3F6A];
	s0 =	simm.s32 @p0 $0x1  }
0x13: {  	[smem:$0x3F85] =	sst s0;
	s0 =	simm.s32 @!p1 $0x0  }
0x14: {  	s2 =	sld [smem:$0x3F69];
	s0 =	simm.s32 @p1 $0x1  }
0x15: {  	[smem:$0x3F86] =	sst s0;
	s0 =	simm.s32 @!p2 $0x0  }
0x16: {  	s3 =	sld [smem:$0x3FDB];
	s0 =	simm.s32 @p2 $0x1  }
0x17: {  	s4 =	simm.s32 $0x1BF5;
	[smem:$0x3F88] =	sst s0  }
0x18: {  	s0 =	sld [smem:$0x3F6B];
	_ =	swait.ge [sflag:s4], $0x0  }
0x19: {  	s7 =	sld [smem:$0x3F6C]  }
0x1a: {  	s8 =	sadd.s32 $0xFFFFE003, lr  }
0x1b: {  	s9 =	sadd.s32 $0xFFFFFEF7, lr;
	s5 =	simm.s32 $0xFFFFFFFF;
	p2 =	slt.u32 s8, $0xFFFFF086  }
0x1c: {  	p1 =	slt.u32 s9, $0xF7A;
	s5 =	simm.s32 @!p2 $0x0  }
0x1d: {  	s5 =	simm.s32 @p1 $0x1;
	p0 =	seq.s32 s7, s2  }
0x1e: {  	s7 =	smul.u32 @!p0 $0xF7A, s2;
	p2 =	seq.s32 @!p0 s5, $0x0  }
0x1f: {  	s9 =	smul.u32 $0xF7A, s1;
	s8 =	simm.s32 @!p0 $0x1BF5;
	p2 =	por !p2, p0  }
0x20: {  	[sflag:s8] =	ssyncset.s32 @!p0 $0xFFFFF086;
	s6 =	sadd.s32 @!p0 s3, s7;
	s7 =	simm.s32 @!p0 $0x108  }
0x21: {  	s3 =	sadd.s32 s3, s9;
	s6 =	sadd.s32 @!p0 $0x88, s6;
	s7 =	simm.s32 @p2 $0x1082  }
0x22: {  	[simem:s7], [sflag:s8] =	dma.local @!p0 [hbm:s6], $0xF7A  }
0x23: {  	s9 =	sor.u32 $0xD0000000, s2;
	s6 =	simm.s32 $0x108;
	_ =	swait.ge @!p0 [sflag:s8], $0x0  }
0x24: {  	s3 =	sadd.s32 $0x88, s3;
	s6 =	simm.s32 @!p1 $0x1082;
	[sflag:s4] =	ssyncset.s32 $0xFFFFF086  }
0x25: {  	[simem:s6], [sflag:s4] =	dma.local [hbm:s3], $0xF7A  }
0x26: {  	[smem:$0x3F6C] =	sst s1;
	(tag) =	ssettag s2;
	_ =	strace s9  }
0x27: {  	s1 =	sld [smem:$0x3F7C]  }
0x28: {  	s2 =	sld [smem:$0x3F7D]  }
0x29: {  	s4 =	sld [smem:$0x3F7F]  }
0x2a: {  	p0 =	seq.s32 s5, $0x0;
	s5 =	sld [smem:$0x3F80]  }
0x2b: {  	s6 =	sld [smem:$0x3F81]  }
0x2c: {  	s7 =	sld [smem:$0x3F82]  }
0x2d: {  	s3 =	simm.s32 $0x108;
	s8 =	sld [smem:$0x3F83]  }
0x2e: {  	s3 =	simm.s32 @!p0 $0x1082;
	s9 =	sld [smem:$0x3F84]  }
0x2f: {  	lr =	sadd.s32 s0, s3;
	s0 =	sld [smem:$0x3F7B]  }
0x30: {  	s3 =	sld [smem:$0x3F7E]  }
0x31: {  	[smem:$0x3F87] =	sst s10  }
0x32: {  	s10 =	sld [smem:$0x3F85];
	_ =	sdelay $0x3  }
0x33: {  	p0 =	seq.s32 s10, $0x1;
	s10 =	sld [smem:$0x3F87];
	_ =	sdelay $0x3  }
0x34: {  	[smem:$0x3F87] =	sst s10  }
0x35: {  	s10 =	sld [smem:$0x3F86];
	_ =	sdelay $0x3  }
0x36: {  	p1 =	seq.s32 s10, $0x1;
	s10 =	sld [smem:$0x3F87];
	_ =	sdelay $0x3  }
0x37: {  	[smem:$0x3F87] =	sst s10  }
0x38: {  	s10 =	sld [smem:$0x3F88]  }
0x39: {  	_ = 	snop;
	(pc) =	sbr.ind lr, $3  }
0x3a: {  	_ = 	snop  }
0x3b: {  	_ = 	snop  }
0x3c: {  	p2 =	seq.s32 s10, $0x1;
	s10 =	sld [smem:$0x3F87]  }
0x3d: {  	_ =	shalt  }
0x3e: {  	_ =	shalt  }
0x3f: {  	_ =	shalt  }
0x40: {  	_ =	shalt  }
0x41: {  	_ =	shalt  }
0x42: {  	_ =	shalt  }
0x43: {  	_ =	shalt  }
0x44: {  	_ =	shalt  }
0x45: {  	_ =	shalt  }
0x46: {  	_ =	shalt  }
0x47: {  	_ =	shalt  }
0x48: {  	_ =	shalt  }
0x49: {  	_ =	shalt  }
0x4a: {  	_ =	shalt  }
0x4b: {  	_ =	shalt  }
0x4c: {  	_ =	shalt  }
0x4d: {  	_ =	shalt  }
0x4e: {  	_ =	shalt  }
0x4f: {  	_ =	shalt  }
0x50: {  	_ =	shalt  }
0x51: {  	_ =	shalt  }
0x52: {  	_ =	shalt  }
0x53: {  	_ =	shalt  }
0x54: {  	_ =	shalt  }
0x55: {  	_ =	shalt  }
0x56: {  	_ =	shalt  }
0x57: {  	_ =	shalt  }
0x58: {  	_ =	shalt  }
0x59: {  	_ =	shalt  }
0x5a: {  	_ =	shalt  }
0x5b: {  	_ =	shalt  }
0x5c: {  	_ =	shalt  }
0x5d: {  	_ =	shalt  }
0x5e: {  	_ =	shalt  }
0x5f: {  	_ =	shalt  }
0x60: {  	_ =	shalt  }
0x61: {  	_ =	shalt  }
0x62: {  	_ =	shalt  }
0x63: {  	_ =	shalt  }
0x64: {  	_ =	shalt  }
0x65: {  	_ =	shalt  }
0x66: {  	_ =	shalt  }
0x67: {  	_ =	shalt  }
0x68: {  	_ =	shalt  }
0x69: {  	_ =	shalt  }
0x6a: {  	_ =	shalt  }
0x6b: {  	_ =	shalt  }
0x6c: {  	_ =	shalt  }
0x6d: {  	_ =	shalt  }
0x6e: {  	_ =	shalt  }
0x6f: {  	_ =	shalt  }
0x70: {  	_ =	shalt  }
0x71: {  	_ =	shalt  }
0x72: {  	_ =	shalt  }
0x73: {  	_ =	shalt  }
0x74: {  	_ =	shalt  }
0x75: {  	_ =	shalt  }
0x76: {  	_ =	shalt  }
0x77: {  	_ =	shalt  }
0x78: {  	_ =	shalt  }
0x79: {  	_ =	shalt  }
0x7a: {  	_ =	shalt  }
0x7b: {  	_ =	shalt  }
0x7c: {  	_ =	shalt  }
0x7d: {  	_ =	shalt  }
0x7e: {  	_ =	shalt  }
0x7f: {  	_ =	shalt  }
0x80: {  	_ =	shalt  }
0x81: {  	_ =	shalt  }
0x82: {  	_ =	shalt  }
0x83: {  	_ =	shalt  }
0x84: {  	_ =	shalt  }
0x85: {  	_ =	shalt  }
0x86: {  	_ =	shalt  }
0x87: {  	_ =	shalt  }
.Lfunc_end0:
.L_simem_size_0:
called_computation.3_lowered:
.L_overlay_start_0:
0x88: {  	s2 =	sld [smem:$0x3FD9]  }
0x89: {  	s3 =	sld [smem:$0x3FFE];
	_ =	sdelay $0x1  }
0x8a: {  	s1 =	srdreg.scid  }
0x8b: {  	s0 =	sand.u32 $0x1, s1  }
0x8c: {  	s17 =	sshll.u32 s0, $0xA;
	s2 =	sadd.s32 s3, s2  }
0x8d: {  	s2 =	sadd.s32 s2, s17  }
0x8e: {  	[smem:$0x3F93] =	sst s2  }
0x8f: {  	_ = 	snop  }
0x90: {  	s2 =	sld [smem:$0x3FC6];
	(tm) =	ssettm $0x1  }
0x91: {  	s18 =	sld [smem:$0x3FFB];
	_ =	sdelay $0x3  }
0x92: {  	_ =	strace s18  }
0x93: {  	s3 =	sld [smem:$0x3FFC];
	_ =	sdelay $0x3  }
0x94: {  	_ =	strace s3  }
0x95: {  	s3 =	sld [smem:$0x3FFD];
	_ =	sdelay $0x3  }
0x96: {  	_ =	strace s3  }
0x97: {  	_ =	strace $0x8FFFFFFF  }
0x98: {  	s19 =	sld [smem:$0x3FDB];
	_ =	sdelay $0x1  }
0x99: {  	s4 =	simm.s32 $_scs_section_size  }
0x9a: {  	s5 =	simm.s32 $_size__tile_overlayer_lowered;
	s6 =	simm.s32 $_tile_overlayer_lowered  }
0x9b: {  	s22 =	simm.s32 $0x1BFF;
	s21 =	sshll.u32 s6, $0x1;
	s3 =	sadd.s32 s4, s19  }
0x9c: {  	s7 =	simm.s32 $0x0;
	s20 =	sshll.u32 s5, $0x1;
	s5 =	sadd.s32 s21, s3  }
0x9d: {  	[timem:s7], [sflag:s22] =	dma.local [hbm:s5], s20  }
0x9e: {  	_ =	swait.ge [sflag:s22], s20  }
0x9f: {  	s4 =	ssub.s32 $0x0, s20;
	[sflag:s22] =	ssyncset.done $0x0  }
0xa0: {  	[sflag:s22] =	ssyncadd.s32 s4;
	_ =	sdelay $0x1  }
0xa1: {  	s23 =	simm.s32 $0x1B8B  }
0xa2: {  	_ =	swait.ge [sflag:s23], $0x1  }
0xa3: {  	[sflag:s23] =	ssyncset.done $0x0  }
0xa4: {  	s25 =	simm.s32 $0x1B8E;
	s24 =	sld [smem:$0x3FFE];
	[sflag:s23] =	ssyncadd.s32 $0xFFFFFFFF  }
0xa5: {  	s26 =	simm.s32 $execute0_lowered;
	[smem:$0x3FD2] =	sst s25  }
0xa6: {  	s5 =	sshll.u32 s26, $0x1;
	_ =	strace $0x80000049;
	[dreg:$0x1] =	wrdreg $0xFFFFFFFF  }
0xa7: {  	s28 =	simm.s32 $_size_execute0_lowered;
	s3 =	sadd.s32 s3, s5;
	[dreg:$0x0] =	wrdreg $0x0  }
0xa8: {  	s5 =	sshll.u32 s28, $0x1;
	[dreg:$0x2] =	wrdreg s3  }
0xa9: {  	[dreg:$0x3] =	wrdreg s5  }
0xaa: {  	[dreg:$0x4] =	wrdreg $0xC0  }
0xab: {  	_ =	task [dreg:s7], $0x5FFFF  }
0xac: {  	[dreg:$0x1] =	wrdreg $0xFFFFFFFF  }
0xad: {  	[dreg:$0x0] =	wrdreg $0x60  }
0xae: {  	[dreg:$0x2] =	wrdreg s24  }
0xaf: {  	[dreg:$0x3] =	wrdreg s2  }
0xb0: {  	[dreg:$0x4] =	wrdreg $0x20800  }
0xb1: {  	[dreg:$0x5] =	wrdreg $0x9  }
0xb2: {  	_ =	task.clear_ibuf [dreg:s7], $0x6FFFF;
	_ =	strace $0x90000049  }
0xb3: {  	s29 =	simm.s32 $0x9;
	_ =	strace $0x8000004B  }
0xb4: {  	_ =	swait.ge [sflag:s29], $0x1  }
0xb5: {  	[sflag:s29] =	ssyncadd.s32 $0xFFFFFFFF  }
0xb6: {  	_ =	strace $0x9000004B  }
0xb7: {  	_ =	sfence  }
0xb8: {  	s30 =	sld [smem:$0x0];
	_ =	sdelay $0x2  }
0xb9: {  	s31 =	sshll.u32 s1, $0xD;
	s1 =	sshrl.u32 s1, $0x2  }
0xba: {  	s3 =	sand.u32 $0x4000, s31;
	s1 =	sadd.s32 s1, s30  }
0xbb: {  	s0 =	sor.u32 s3, s0;
	s1 =	sshll.u32 s1, $0x11  }
0xbc: {  	s0 =	sor.u32 s1, s0  }
0xbd: {  	s0 =	sadd.s32 $0x8F2B, s0  }
0xbe: {  	[sflag:s0] =	ssyncadd.remote.s32 $0x1  }
0xbf: {  	_ =	sfence.sel $0xFFFF  }
0xc0: {  	[dreg:$0x0] =	wrdreg $0xFFFFFFFF;
	(pc) =	sbr.abs _section_cstart, $3  }
0xc1: {  	[dreg:$0x1] =	wrdreg $0xFFFFFFFF  }
0xc2: {  	_ =	task.clear_ibuf [dreg:s7], $0x2FFFF;
	_ =	strace $0x9FFFFFFF  }
0xc3: {  	(tm) =	ssettm $0x7FFFFFFF  }
tec
execute0_lowered:
.L_overlay_start_1:
0x0: {  	(tag) =	ssettag $0x1  }
0x1: {  	s4 =	rddreg [dreg:$0x0]  }
0x2: {  	s6 =	rddreg [dreg:$0x1];
	s1 =	srdreg.scid  }
0x3: {  	s0 =	stileid.u32;
	s2 =	rddreg [dreg:$0x2];
	s3 =	simm.s32 $0x0  }
0x4: {  	s5 =	sand.u32 $0x1, s1;
	s7 =	smul.u32 $0x9C40, s0;
	s1 =	rddreg [dreg:$0x3]  }
0x5: {  	[smem:$0x7FF] =	sst s3;
	s28 =	sshll.u32 s0, $0x6;
	s30 =	sshll.u32 s0, $0xA  }
0x6: {  	s31 =	sshll.u32 s0, $0x4;
	s8 =	smul.u32 $0x9C400, s5;
	s9 =	sshll.u32 s5, $0xE  }
0x7: {  	_ =	strace $0x8000004A;
	s11 =	ssub.s32 $0x2, s5;
	s12 =	sshll.u32 s5, $0x4  }
0x8: {  	s29 =	sshll.u32 s5, $0x8;
	s5 =	sor.u32 $0x1C02, s28;
	s9 =	sadd.s32 s9, s4  }
0x9: {  	s10 =	sshrl.u32 s7, $0x3;
	s26 =	sshrl.u32 s11, $0x1;
	s13 =	sadd.s32 s7, s2  }
0xa: {  	s8 =	sadd.s32 s7, s8;
	s10 =	sadd.s32 s10, s4;
	s11 =	ssub.s32 s11, s26  }
0xb: {  	s9 =	sadd.s32 s30, s9;
	s8 =	sshrl.u32 s8, $0x3;
	s7 =	smax.u32 s11, $0x1  }
0xc: {  	s9 =	sadd.s32 $0x529600, s9;
	s11 =	sshrl.u32 s13, $0x3;
	s8 =	sadd.s32 s8, s4  }
0xd: {  	s4 =	sadd.s32 $0x10C00, s10;
	s10 =	sadd.s32 s29, s6;
	s6 =	sadd.s32 $0x24600, s8  }
0xe: {  	s8 =	sadd.s32 s31, s10;
	s10 =	sor.u32 s12, s0;
	s12 =	simm.s32 $0x2  }
.LBB2_1:
0xf: {  	[spmem:s11], [sflag:s5] =	dma.local [hbm:s4], $0x1388  }
0x10: {  	_ =	swait.ge [sflag:s12], $0x1388  }
0x11: {  	s13 =	sadd.s32 $0x0, s10;
	[sflag:s12] =	ssyncset.done $0x0  }
0x12: {  	p0 =	sgt.u32 s13, $0x9C3;
	[sflag:s12] =	ssyncadd.s32 $0xFFFFEC78  }
0x13: {  	s13 =	simm.s32 @!p0 $0x0;
	p0 =	por p0, p0;
	[bflag:$0x0] =	sbarrier.arrive $0xFFFF  }
0x14: {  	[tilespmem:s13], [sflag:$0x1] =	stream.linear.gather @!p0 [hbm4b:s8+s13], $0x80, $0x38;
	[tilespmem:$0xBCC0] =	vst v63  }
0x15: {  	s15 =	simm.s32 @!p0 $0x80;
	s16 =	simm.s32 @!p0 $0x1  }
0x16: {  	[tilespmem:s15], [sflag:$0x1] =	stream.linear.gather @!p0 [hbm4b:s9+s13], $0x2000, $0x38;
	[tilespmem:$0xBCC0] =	vst v63  }
0x17: {  	_ =	swait.ge @!p0 [sflag:s16], $0x80  }
0x18: {  	[sflag:s16] =	ssyncset.done @!p0 $0x0  }
0x19: {  	[sflag:s16] =	ssyncadd.s32 @!p0 $0xFFFFFF80  }
0x1a: {  	_ =	swait.ge @!p0 [sflag:s16], $0x2000  }
0x1b: {  	[sflag:s16] =	ssyncset.done @!p0 $0x0  }
0x1c: {  	s31 =	sadd.s32 $0x20, s10;
	[sflag:s16] =	ssyncadd.s32 @!p0 $0xFFFFE000;
	s16 =	simm.s32 @!p0 $0x2  }
0x1d: {  	[spmem:s2] =	stream.indirect.scatter.add.f32 @!p0 [tilespmem:s15], [sflag:$0x2], $0x40, s13, s15, $0xb8;
	[tilespmem:$0xBCC0] =	vst v63  }
0x1e: {  	s14 =	simm.s32 $0x40;
	p2 =	sgt.u32 s31, $0x9C3;
	_ =	swait.ge @!p0 [sflag:s16], $0x2000  }
0x1f: {  	s13 =	sadd.s32 $0x8000, s9;
	s15 =	sadd.s32 $0x200, s8;
	[sflag:s16] =	ssyncset.done @!p0 $0x0  }
.LBB2_2:
0x20: {  	s17 =	simm.s32 @!p2 $0x0;
	[sflag:s16] =	ssyncadd.s32 @!p0 $0xFFFFE000  }
0x21: {  	s18 =	smov.u32 s14;
	s14 =	sadd.s32 $0x20, s14;
	p0 =	por p2, p2  }
0x22: {  	[tilespmem:s17], [sflag:$0x1] =	stream.linear.gather @!p0 [hbm4b:s15+s17], $0x80, $0x38;
	[tilespmem:$0xBCC0] =	vst v63  }
0x23: {  	p1 =	sne.s32 s14, $0x9E0;
	s19 =	simm.s32 @!p0 $0x80;
	s16 =	simm.s32 @!p0 $0x1  }
0x24: {  	[tilespmem:s19], [sflag:$0x1] =	stream.linear.gather @!p0 [hbm4b:s13+s17], $0x2000, $0x38;
	[tilespmem:$0xBCC0] =	vst v63  }
0x25: {  	_ =	swait.ge @!p0 [sflag:s16], $0x80  }
0x26: {  	[sflag:s16] =	ssyncset.done @!p0 $0x0  }
0x27: {  	[sflag:s16] =	ssyncadd.s32 @!p0 $0xFFFFFF80  }
0x28: {  	_ =	swait.ge @!p0 [sflag:s16], $0x2000  }
.Ltmp0:
0x29: {  	[sflag:s16] =	ssyncset.done @!p0 $0x0;
	(pc) =	sbr.rel @p1 .LBB2_2-.Ltmp0, $4  }
0x2a: {  	[sflag:s16] =	ssyncadd.s32 @!p0 $0xFFFFE000;
	s16 =	simm.s32 @!p0 $0x2  }
0x2b: {  	[spmem:s2] =	stream.indirect.scatter.add.f32 @!p0 [tilespmem:s19], [sflag:$0x2], $0x40, s17, s19, $0xb8;
	[tilespmem:$0xBCC0] =	vst v63  }
0x2c: {  	s13 =	sadd.s32 $0x8000, s13;
	s17 =	sadd.s32 s18, s10;
	_ =	swait.ge @!p0 [sflag:s16], $0x2000  }
0x2d: {  	s15 =	sadd.s32 $0x200, s15;
	p2 =	sgt.u32 s17, $0x9C3;
	[sflag:s16] =	ssyncset.done @!p0 $0x0  }
0x2e: {  	s14 =	simm.s32 @!p2 $0x0;
	[sflag:s16] =	ssyncadd.s32 @!p0 $0xFFFFE000;
	p0 =	por p2, p2  }
0x2f: {  	[tilespmem:s14], [sflag:$0x1] =	stream.linear.gather @!p0 [hbm4b:s15+s14], $0x80, $0x38;
	[tilespmem:$0xBCC0] =	vst v63  }
0x30: {  	s15 =	simm.s32 @!p0 $0x80;
	s16 =	simm.s32 @!p0 $0x1  }
0x31: {  	[tilespmem:s15], [sflag:$0x1] =	stream.linear.gather @!p0 [hbm4b:s13+s14], $0x2000, $0x38;
	[tilespmem:$0xBCC0] =	vst v63  }
0x32: {  	_ =	swait.ge @!p0 [sflag:s16], $0x80  }
0x33: {  	[sflag:s16] =	ssyncset.done @!p0 $0x0  }
0x34: {  	[sflag:s16] =	ssyncadd.s32 @!p0 $0xFFFFFF80  }
0x35: {  	_ =	swait.ge @!p0 [sflag:s16], $0x2000  }
0x36: {  	[sflag:s16] =	ssyncset.done @!p0 $0x0  }
0x37: {  	s13 =	simm.s32 @!p0 $0x2;
	[sflag:s16] =	ssyncadd.s32 @!p0 $0xFFFFE000  }
0x38: {  	[spmem:s2] =	stream.indirect.scatter.add.f32 @!p0 [tilespmem:s15], [sflag:$0x2], $0x40, s14, s15, $0xb8;
	[tilespmem:$0xBCC0] =	vst v63  }
0x39: {  	_ =	swait.ge @!p0 [sflag:s13], $0x2000  }
0x3a: {  	s3 =	sadd.s32 $0x1, s3;
	[sflag:s13] =	ssyncset.done @!p0 $0x0  }
0x3b: {  	[sflag:s13] =	ssyncadd.s32 @!p0 $0xFFFFE000;
	p0 =	sne.s32 s3, s7  }
.Ltmp1:
0x3c: {  	[bflag:$0x0] =	sbarrier.arrive $0xFFFF;
	(pc) =	sbr.rel @p0 .LBB2_1-.Ltmp1, $4  }
0x3d: {  	[hbm:s6], [sflag:s5] =	dma.local [spmem:s11], $0x1388  }
0x3e: {  	_ =	swait.ge [sflag:s12], $0x1388  }
0x3f: {  	[sflag:s12] =	ssyncset.done $0x0  }
0x40: {  	[sflag:s12] =	ssyncadd.s32 $0xFFFFEC78  }
0x41: {  	_ =	sfence.sel $0x180000  }
0x42: {  	[bflag:$0x0] =	sbarrier.arrive $0xFFFF  }
0x43: {  	p0 =	sne.s32 s0, $0x0;
	_ =	strace $0x9000004A  }
0x44: {  	s0 =	sadd.s32 @!p0 $0x100000, s1;
	[bflag:$0x2] =	sbarrier.arrive $0xFFFF  }
0x45: {  	[sflag:s0] =	ssyncadd.tile.s32 @!p0 $0x1;
	_ =	shalt  }
.Lfunc_end2:
_tile_overlayer_lowered:
.L_overlay_start_2:
0x46: {  	(tag) =	ssettag $0x2  }
0x47: {  	s0 =	rddreg [dreg:$0x0];
	s2 =	stileid.u32  }
0x48: {  	s1 =	rddreg [dreg:$0x1];
	p0 =	sne.s32 s2, $0x0  }
0x49: {  	s3 =	rddreg [dreg:$0x2];
	[bflag:$0x3] =	sbarrier.arrive $0xFFFF;
	s2 =	simm.s32 @!p0 $0x1C02  }
0x4a: {  	[timem:s3], [sflag:s2] =	dma.local @!p0 [hbm:s0], s1  }
0x4b: {  	s0 =	simm.s32 @!p0 $0x2  }
0x4c: {  	_ =	swait.ge @!p0 [sflag:s0], s1  }
0x4d: {  	s1 =	ssub.s32 @!p0 $0x0, s1;
	[sflag:s0] =	ssyncset.done @!p0 $0x0  }
0x4e: {  	[sflag:s0] =	ssyncadd.s32 @!p0 s1  }
0x4f: {  	[bflag:$0x3] =	sbarrier.arrive $0xFFFF  }
0x50: {  	_ =	shalt  }

// kernel: kernel.16.cloned.1.call-start
scs
__scs_entry_jumppad:
0x0: {  	(pc) =	sbr.rel $0x88, $3  }
0x1: {  	(tag) =	ssettag $0x0;
	lr =	simm.s32 $0x1  }
0x2: {  	[smem:$0x3F6C] =	sst lr;
	_ =	strace $0xD0000000  }
0x3: {  	_ = 	snop  }
0x4: {  	_ = 	snop  }
0x5: {  	_ = 	snop  }
0x6: {  	_ = 	snop  }
0x7: {  	_ = 	snop  }
__scs_overlays_trampoline_lowered:
0x8: {  	[smem:$0x3F7B] =	sst s0  }
0x9: {  	[smem:$0x3F7C] =	sst s1  }
0xa: {  	[smem:$0x3F7D] =	sst s2  }
0xb: {  	[smem:$0x3F7E] =	sst s3  }
0xc: {  	[smem:$0x3F7F] =	sst s4  }
0xd: {  	[smem:$0x3F80] =	sst s5  }
0xe: {  	[smem:$0x3F81] =	sst s6  }
0xf: {  	[smem:$0x3F82] =	sst s7  }
0x10: {  	[smem:$0x3F83] =	sst s8  }
0x11: {  	[smem:$0x3F84] =	sst s9;
	s0 =	simm.s32 @!p0 $0x0  }
0x12: {  	s1 =	sld [smem:$0x3F6A];
	s0 =	simm.s32 @p0 $0x1  }
0x13: {  	[smem:$0x3F85] =	sst s0;
	s0 =	simm.s32 @!p1 $0x0  }
0x14: {  	s2 =	sld [smem:$0x3F69];
	s0 =	simm.s32 @p1 $0x1  }
0x15: {  	[smem:$0x3F86] =	sst s0;
	s0 =	simm.s32 @!p2 $0x0  }
0x16: {  	s3 =	sld [smem:$0x3FDB];
	s0 =	simm.s32 @p2 $0x1  }
0x17: {  	s4 =	simm.s32 $0x1BF5;
	[smem:$0x3F88] =	sst s0  }
0x18: {  	s0 =	sld [smem:$0x3F6B];
	_ =	swait.ge [sflag:s4], $0x0  }
0x19: {  	s7 =	sld [smem:$0x3F6C]  }
0x1a: {  	s8 =	sadd.s32 $0xFFFFE003, lr  }
0x1b: {  	s9 =	sadd.s32 $0xFFFFFEF7, lr;
	s5 =	simm.s32 $0xFFFFFFFF;
	p2 =	slt.u32 s8, $0xFFFFF086  }
0x1c: {  	p1 =	slt.u32 s9, $0xF7A;
	s5 =	simm.s32 @!p2 $0x0  }
0x1d: {  	s5 =	simm.s32 @p1 $0x1;
	p0 =	seq.s32 s7, s2  }
0x1e: {  	s7 =	smul.u32 @!p0 $0xF7A, s2;
	p2 =	seq.s32 @!p0 s5, $0x0  }
0x1f: {  	s9 =	smul.u32 $0xF7A, s1;
	s8 =	simm.s32 @!p0 $0x1BF5;
	p2 =	por !p2, p0  }
0x20: {  	[sflag:s8] =	ssyncset.s32 @!p0 $0xFFFFF086;
	s6 =	sadd.s32 @!p0 s3, s7;
	s7 =	simm.s32 @!p0 $0x108  }
0x21: {  	s3 =	sadd.s32 s3, s9;
	s6 =	sadd.s32 @!p0 $0x88, s6;
	s7 =	simm.s32 @p2 $0x1082  }
0x22: {  	[simem:s7], [sflag:s8] =	dma.local @!p0 [hbm:s6], $0xF7A  }
0x23: {  	s9 =	sor.u32 $0xD0000000, s2;
	s6 =	simm.s32 $0x108;
	_ =	swait.ge @!p0 [sflag:s8], $0x0  }
0x24: {  	s3 =	sadd.s32 $0x88, s3;
	s6 =	simm.s32 @!p1 $0x1082;
	[sflag:s4] =	ssyncset.s32 $0xFFFFF086  }
0x25: {  	[simem:s6], [sflag:s4] =	dma.local [hbm:s3], $0xF7A  }
0x26: {  	[smem:$0x3F6C] =	sst s1;
	(tag) =	ssettag s2;
	_ =	strace s9  }
0x27: {  	s1 =	sld [smem:$0x3F7C]  }
0x28: {  	s2 =	sld [smem:$0x3F7D]  }
0x29: {  	s4 =	sld [smem:$0x3F7F]  }
0x2a: {  	p0 =	seq.s32 s5, $0x0;
	s5 =	sld [smem:$0x3F80]  }
0x2b: {  	s6 =	sld [smem:$0x3F81]  }
0x2c: {  	s7 =	sld [smem:$0x3F82]  }
0x2d: {  	s3 =	simm.s32 $0x108;
	s8 =	sld [smem:$0x3F83]  }
0x2e: {  	s3 =	simm.s32 @!p0 $0x1082;
	s9 =	sld [smem:$0x3F84]  }
0x2f: {  	lr =	sadd.s32 s0, s3;
	s0 =	sld [smem:$0x3F7B]  }
0x30: {  	s3 =	sld [smem:$0x3F7E]  }
0x31: {  	[smem:$0x3F87] =	sst s10  }
0x32: {  	s10 =	sld [smem:$0x3F85];
	_ =	sdelay $0x3  }
0x33: {  	p0 =	seq.s32 s10, $0x1;
	s10 =	sld [smem:$0x3F87];
	_ =	sdelay $0x3  }
0x34: {  	[smem:$0x3F87] =	sst s10  }
0x35: {  	s10 =	sld [smem:$0x3F86];
	_ =	sdelay $0x3  }
0x36: {  	p1 =	seq.s32 s10, $0x1;
	s10 =	sld [smem:$0x3F87];
	_ =	sdelay $0x3  }
0x37: {  	[smem:$0x3F87] =	sst s10  }
0x38: {  	s10 =	sld [smem:$0x3F88]  }
0x39: {  	_ = 	snop;
	(pc) =	sbr.ind lr, $3  }
0x3a: {  	_ = 	snop  }
0x3b: {  	_ = 	snop  }
0x3c: {  	p2 =	seq.s32 s10, $0x1;
	s10 =	sld [smem:$0x3F87]  }
0x3d: {  	_ =	shalt  }
0x3e: {  	_ =	shalt  }
0x3f: {  	_ =	shalt  }
0x40: {  	_ =	shalt  }
0x41: {  	_ =	shalt  }
0x42: {  	_ =	shalt  }
0x43: {  	_ =	shalt  }
0x44: {  	_ =	shalt  }
0x45: {  	_ =	shalt  }
0x46: {  	_ =	shalt  }
0x47: {  	_ =	shalt  }
0x48: {  	_ =	shalt  }
0x49: {  	_ =	shalt  }
0x4a: {  	_ =	shalt  }
0x4b: {  	_ =	shalt  }
0x4c: {  	_ =	shalt  }
0x4d: {  	_ =	shalt  }
0x4e: {  	_ =	shalt  }
0x4f: {  	_ =	shalt  }
0x50: {  	_ =	shalt  }
0x51: {  	_ =	shalt  }
0x52: {  	_ =	shalt  }
0x53: {  	_ =	shalt  }
0x54: {  	_ =	shalt  }
0x55: {  	_ =	shalt  }
0x56: {  	_ =	shalt  }
0x57: {  	_ =	shalt  }
0x58: {  	_ =	shalt  }
0x59: {  	_ =	shalt  }
0x5a: {  	_ =	shalt  }
0x5b: {  	_ =	shalt  }
0x5c: {  	_ =	shalt  }
0x5d: {  	_ =	shalt  }
0x5e: {  	_ =	shalt  }
0x5f: {  	_ =	shalt  }
0x60: {  	_ =	shalt  }
0x61: {  	_ =	shalt  }
0x62: {  	_ =	shalt  }
0x63: {  	_ =	shalt  }
0x64: {  	_ =	shalt  }
0x65: {  	_ =	shalt  }
0x66: {  	_ =	shalt  }
0x67: {  	_ =	shalt  }
0x68: {  	_ =	shalt  }
0x69: {  	_ =	shalt  }
0x6a: {  	_ =	shalt  }
0x6b: {  	_ =	shalt  }
0x6c: {  	_ =	shalt  }
0x6d: {  	_ =	shalt  }
0x6e: {  	_ =	shalt  }
0x6f: {  	_ =	shalt  }
0x70: {  	_ =	shalt  }
0x71: {  	_ =	shalt  }
0x72: {  	_ =	shalt  }
0x73: {  	_ =	shalt  }
0x74: {  	_ =	shalt  }
0x75: {  	_ =	shalt  }
0x76: {  	_ =	shalt  }
0x77: {  	_ =	shalt  }
0x78: {  	_ =	shalt  }
0x79: {  	_ =	shalt  }
0x7a: {  	_ =	shalt  }
0x7b: {  	_ =	shalt  }
0x7c: {  	_ =	shalt  }
0x7d: {  	_ =	shalt  }
0x7e: {  	_ =	shalt  }
0x7f: {  	_ =	shalt  }
0x80: {  	_ =	shalt  }
0x81: {  	_ =	shalt  }
0x82: {  	_ =	shalt  }
0x83: {  	_ =	shalt  }
0x84: {  	_ =	shalt  }
0x85: {  	_ =	shalt  }
0x86: {  	_ =	shalt  }
0x87: {  	_ =	shalt  }
.Lfunc_end0:
.L_simem_size_0:
called_computation.4_lowered:
.L_overlay_start_0:
0x88: {  	s2 =	sld [smem:$0x3FD9]  }
0x89: {  	s3 =	sld [smem:$0x3FFE];
	_ =	sdelay $0x1  }
0x8a: {  	s1 =	srdreg.scid  }
0x8b: {  	s0 =	sand.u32 $0x1, s1  }
0x8c: {  	s17 =	sshll.u32 s0, $0xA;
	s2 =	sadd.s32 s3, s2  }
0x8d: {  	s2 =	sadd.s32 s2, s17  }
0x8e: {  	[smem:$0x3F93] =	sst s2  }
0x8f: {  	_ = 	snop  }
0x90: {  	s2 =	sld [smem:$0x3FC7]  }
0x91: {  	s18 =	sld [smem:$0x3FC6];
	(tm) =	ssettm $0x1  }
0x92: {  	s4 =	sld [smem:$0x3FFB];
	_ =	sdelay $0x3  }
0x93: {  	_ =	strace s4  }
0x94: {  	s4 =	sld [smem:$0x3FFC];
	_ =	sdelay $0x3  }
0x95: {  	_ =	strace s4  }
0x96: {  	s4 =	sld [smem:$0x3FFD];
	_ =	sdelay $0x3  }
0x97: {  	_ =	strace s4  }
0x98: {  	_ =	strace $0x8FFFFFFF  }
0x99: {  	s19 =	sld [smem:$0x3FDB];
	_ =	sdelay $0x1  }
0x9a: {  	s5 =	simm.s32 $_scs_section_size  }
0x9b: {  	s6 =	simm.s32 $_size__tile_overlayer_lowered;
	s7 =	simm.s32 $_tile_overlayer_lowered  }
0x9c: {  	s22 =	simm.s32 $0x1BFF;
	s21 =	sshll.u32 s7, $0x1;
	s4 =	sadd.s32 s5, s19  }
0x9d: {  	s8 =	simm.s32 $0x0;
	s20 =	sshll.u32 s6, $0x1;
	s6 =	sadd.s32 s21, s4  }
0x9e: {  	[timem:s8], [sflag:s22] =	dma.local [hbm:s6], s20  }
0x9f: {  	_ =	swait.ge [sflag:s22], s20  }
0xa0: {  	s5 =	ssub.s32 $0x0, s20;
	[sflag:s22] =	ssyncset.done $0x0  }
0xa1: {  	[sflag:s22] =	ssyncadd.s32 s5;
	_ =	sdelay $0x1  }
0xa2: {  	s23 =	simm.s32 $0x1B8B  }
0xa3: {  	_ =	swait.ge [sflag:s23], $0x1  }
0xa4: {  	[sflag:s23] =	ssyncset.done $0x0  }
0xa5: {  	s25 =	simm.s32 $0x1B8E;
	s24 =	sld [smem:$0x3FFE];
	[sflag:s23] =	ssyncadd.s32 $0xFFFFFFFF  }
0xa6: {  	s26 =	simm.s32 $execute0_lowered;
	[smem:$0x3FD2] =	sst s25  }
0xa7: {  	s6 =	sshll.u32 s26, $0x1;
	_ =	strace $0x8000004C;
	[dreg:$0x1] =	wrdreg $0xFFFFFFFF  }
0xa8: {  	s28 =	simm.s32 $_size_execute0_lowered;
	s4 =	sadd.s32 s4, s6;
	[dreg:$0x0] =	wrdreg $0x0  }
0xa9: {  	s6 =	sshll.u32 s28, $0x1;
	[dreg:$0x2] =	wrdreg s4  }
0xaa: {  	[dreg:$0x3] =	wrdreg s6  }
0xab: {  	[dreg:$0x4] =	wrdreg $0xC0  }
0xac: {  	_ =	task [dreg:s8], $0x5FFFF  }
0xad: {  	[dreg:$0x1] =	wrdreg $0xFFFFFFFF  }
0xae: {  	[dreg:$0x0] =	wrdreg $0x60  }
0xaf: {  	[dreg:$0x2] =	wrdreg s24  }
0xb0: {  	[dreg:$0x3] =	wrdreg s2  }
0xb1: {  	[dreg:$0x4] =	wrdreg s18  }
0xb2: {  	[dreg:$0x5] =	wrdreg $0x104000  }
0xb3: {  	[dreg:$0x6] =	wrdreg $0x9  }
0xb4: {  	_ =	task.clear_ibuf [dreg:s8], $0x7FFFF;
	_ =	strace $0x9000004C  }
0xb5: {  	s29 =	simm.s32 $0x9;
	_ =	strace $0x8000004E  }
0xb6: {  	_ =	swait.ge [sflag:s29], $0x1  }
0xb7: {  	[sflag:s29] =	ssyncadd.s32 $0xFFFFFFFF  }
0xb8: {  	_ =	strace $0x9000004E  }
0xb9: {  	_ =	sfence  }
0xba: {  	s30 =	sld [smem:$0x0];
	_ =	sdelay $0x2  }
0xbb: {  	s31 =	sshll.u32 s1, $0xD;
	s1 =	sshrl.u32 s1, $0x2  }
0xbc: {  	s3 =	sand.u32 $0x4000, s31;
	s1 =	sadd.s32 s1, s30  }
0xbd: {  	s0 =	sor.u32 s3, s0;
	s1 =	sshll.u32 s1, $0x11  }
0xbe: {  	s0 =	sor.u32 s1, s0  }
0xbf: {  	s0 =	sadd.s32 $0x8F2B, s0  }
0xc0: {  	[sflag:s0] =	ssyncadd.remote.s32 $0x1  }
0xc1: {  	_ =	sfence.sel $0xFFFF  }
0xc2: {  	[dreg:$0x0] =	wrdreg $0xFFFFFFFF;
	(pc) =	sbr.abs _section_cstart, $3  }
0xc3: {  	[dreg:$0x1] =	wrdreg $0xFFFFFFFF  }
0xc4: {  	_ =	task.clear_ibuf [dreg:s8], $0x2FFFF;
	_ =	strace $0x9FFFFFFF  }
0xc5: {  	(tm) =	ssettm $0x7FFFFFFF  }
tec
execute0_lowered:
.L_overlay_start_1:
0x0: {  	(tag) =	ssettag $0x1  }
0x1: {  	s0 =	rddreg [dreg:$0x0]  }
0x2: {  	s1 =	rddreg [dreg:$0x1]  }
0x3: {  	s5 =	rddreg [dreg:$0x2]  }
0x4: {  	s2 =	rddreg [dreg:$0x3]  }
0x5: {  	s12 =	stileid.u32;
	s3 =	simm.s32 $0x0;
	s4 =	srdreg.scid  }
0x6: {  	s14 =	simm.s32 $0x1;
	s15 =	simm.s32 $0x200;
	s16 =	simm.s32 $0x3  }
0x7: {  	s17 =	simm.s32 $0x80;
	s18 =	simm.s32 $0x400;
	s19 =	simm.s32 $0x8400  }
0x8: {  	s28 =	simm.s32 $0x180;
	s29 =	simm.s32 $0x6400;
	s30 =	simm.s32 $0x380  }
0x9: {  	s31 =	simm.s32 $0xE400;
	s6 =	smul.u32 $0x9C40, s12;
	[smem:$0x7FF] =	sst s3  }
0xa: {  	s7 =	sand.u32 $0x1, s4;
	s4 =	sadd.s32 $0x5E400, s0;
	s23 =	sshll.u32 s12, $0x6  }
0xb: {  	s25 =	sshll.u32 s12, $0xC;
	_ =	strace $0x8000004D;
	s8 =	ssub.s32 $0x2, s7  }
0xc: {  	s10 =	sshll.u32 s7, $0x10;
	s21 =	sshll.u32 s7, $0x4;
	s24 =	sor.u32 $0x1C01, s23  }
0xd: {  	s7 =	sshll.u32 s7, $0xA;
	s20 =	sshrl.u32 s6, $0x3;
	s11 =	sshrl.u32 s8, $0x1  }
0xe: {  	s22 =	sadd.s32 s6, s2;
	[dreg:$0x6] =	wrdreg s24;
	s5 =	sadd.s32 s7, s5  }
0xf: {  	s1 =	sadd.s32 s7, s1;
	s24 =	simm.s32 $0x4400;
	s9 =	sadd.s32 s20, s0  }
0x10: {  	s0 =	sadd.s32 s10, s0;
	s8 =	ssub.s32 s8, s11;
	s13 =	sshrl.u32 s22, $0x3  }
0x11: {  	s20 =	simm.s32 $0x2400;
	s22 =	simm.s32 $0xA400;
	s9 =	sadd.s32 $0x4AA00, s9  }
0x12: {  	s8 =	smax.u32 s8, $0x1;
	s0 =	sadd.s32 s25, s0;
	[dreg:$0x5] =	wrdreg s9  }
.Ltmp0:
0x13: {  	s25 =	simm.s32 $0x300;
	[dreg:$0x7] =	wrdreg s8;
	(pc) =	sbr.rel .LBB2_1-.Ltmp0, $4  }
0x14: {  	s8 =	sadd.s32 s23, s5;
	s9 =	sadd.s32 s23, s1;
	s26 =	sadd.s32 $0x79A600, s0  }
0x15: {  	s0 =	sadd.s32 $0x71E00, s0;
	s5 =	sor.u32 s21, s12;
	s21 =	simm.s32 $0x280  }
0x16: {  	s23 =	simm.s32 $0x100;
	s1 =	simm.s32 $0x0;
	[dreg:$0x8] =	wrdreg s26  }
0x17: {  	[dreg:$0x9] =	wrdreg s0;
	s26 =	simm.s32 $0xC400;
	s0 =	simm.s32 $0x2  }
.LBB2_5:
0x18: {  	s1 =	sadd.s32 $0x1, s1;
	s6 =	rddreg [dreg:$0x7]  }
0x19: {  	p0 =	sne.s32 s1, s6  }
.Ltmp1:
0x1a: {  	_ = 	snop;
	(pc) =	sbr.rel @!p0 .LBB2_6-.Ltmp1, $1  }
0x1b: {  	_ =	sdelay $0x3  }
.LBB2_1:
0x1c: {  	s6 =	rddreg [dreg:$0x5]  }
0x1d: {  	s7 =	rddreg [dreg:$0x6]  }
0x1e: {  	[spmem:s13], [sflag:s7] =	dma.local [hbm:s6], $0x1388  }
0x1f: {  	_ =	swait.ge [sflag:s14], $0x1388  }
.Ltmp2:
0x20: {  	[sflag:s14] =	ssyncset.done $0x0;
	(pc) =	sbr.rel .LBB2_2-.Ltmp2, $4  }
0x21: {  	[sflag:s14] =	ssyncadd.s32 $0xFFFFEC78  }
0x22: {  	[bflag:$0x0] =	sbarrier.arrive $0xFFFF  }
0x23: {  	s11 =	rddreg [dreg:$0x9]  }
0x24: {  	s12 =	smov.u32 s5;
	s7 =	simm.s32 $0x0;
	s10 =	rddreg [dreg:$0x8]  }
.LBB2_4:
0x25: {  	s7 =	sadd.s32 $0x800, s7  }
0x26: {  	p0 =	sne.s32 s7, $0xA000  }
.Ltmp3:
0x27: {  	_ = 	snop;
	(pc) =	sbr.rel @!p0 .LBB2_5-.Ltmp3, $2  }
0x28: {  	_ =	sdelay $0x2  }
0x29: {  	s10 =	sadd.s32 $0x20000, s10;
	s11 =	sadd.s32 $0x20000, s11;
	s12 =	sadd.s32 $0x20, s12  }
.LBB2_2:
0x2a: {  	p0 =	sgt.u32 s12, $0x270  }
.Ltmp4:
0x2b: {  	_ = 	snop;
	(pc) =	sbr.rel @p0 .LBB2_4-.Ltmp4, $1  }
0x2c: {  	_ =	sdelay $0x3  }
0x2d: {  	s6 =	sadd.s32 s7, s9  }
0x2e: {  	[tilespmem:s3], [sflag:$0x3] =	stream.linear.gather [hbm4b:s6+s3], $0x200, $0x38;
	[tilespmem:$0x1A040] =	vst v63  }
0x2f: {  	s6 =	sadd.s32 s7, s8  }
0x30: {  	[tilespmem:s15], [sflag:$0x3] =	stream.linear.gather [hbm4b:s6+s3], $0x200, $0x38;
	[tilespmem:$0x1A040] =	vst v63  }
0x31: {  	_ =	swait.ge [sflag:s16], $0x200  }
0x32: {  	[sflag:s16] =	ssyncset.done $0x0  }
0x33: {  	[sflag:s16] =	ssyncadd.s32 $0xFFFFFE00  }
0x34: {  	_ =	swait.ge [sflag:s16], $0x200  }
0x35: {  	[sflag:s16] =	ssyncset.done $0x0  }
0x36: {  	[sflag:s16] =	ssyncadd.s32 $0xFFFFFE00  }
0x37: {  	[tilespmem:s18], [sflag:$0x1] =	stream.indirect.gather [spmem:s2], $0x40, s3, s17, $0xb8;
	[tilespmem:$0x1A040] =	vst v63  }
0x38: {  	_ = 	snop  }
0x39: {  	[tilespmem:s19], [sflag:$0x2] =	stream.indirect.gather [hbm4b:s4+s17], $0x40, s15, s17, $0xb8;
	[tilespmem:$0x1A040] =	vst v63  }
0x3a: {  	_ = 	snop  }
0x3b: {  	[tilespmem:s20], [sflag:$0x1] =	stream.indirect.gather [spmem:s2], $0x40, s17, s17, $0xb8;
	[tilespmem:$0x1A040] =	vst v63  }
0x3c: {  	_ = 	snop  }
0x3d: {  	[tilespmem:s22], [sflag:$0x2] =	stream.indirect.gather [hbm4b:s4+s17], $0x40, s21, s17, $0xb8;
	[tilespmem:$0x1A040] =	vst v63  }
0x3e: {  	_ = 	snop  }
0x3f: {  	[tilespmem:s24], [sflag:$0x1] =	stream.indirect.gather [spmem:s2], $0x40, s23, s17, $0xb8;
	[tilespmem:$0x1A040] =	vst v63  }
0x40: {  	_ = 	snop  }
0x41: {  	[tilespmem:s26], [sflag:$0x2] =	stream.indirect.gather [hbm4b:s4+s17], $0x40, s25, s17, $0xb8;
	[tilespmem:$0x1A040] =	vst v63  }
0x42: {  	_ = 	snop  }
0x43: {  	[tilespmem:s29], [sflag:$0x1] =	stream.indirect.gather [spmem:s2], $0x40, s28, s17, $0xb8;
	[tilespmem:$0x1A040] =	vst v63  }
0x44: {  	_ = 	snop  }
0x45: {  	[tilespmem:s31], [sflag:$0x2] =	stream.indirect.gather [hbm4b:s4+s17], $0x40, s30, s17, $0xb8;
	[tilespmem:$0x1A040] =	vst v63  }
0x46: {  	_ =	swait.ge [sflag:s14], $0x2000  }
0x47: {  	[sflag:s14] =	ssyncset.done $0x0  }
0x48: {  	[sflag:s14] =	ssyncadd.s32 $0xFFFFE000  }
0x49: {  	_ =	swait.ge [sflag:s0], $0x2000  }
0x4a: {  	[sflag:s0] =	ssyncset.done $0x0  }
0x4b: {  	[sflag:s0] =	ssyncadd.s32 $0xFFFFE000  }
0x4c: {  	_ =	swait.ge [sflag:s14], $0x2000  }
0x4d: {  	[sflag:s14] =	ssyncset.done $0x0  }
0x4e: {  	[sflag:s14] =	ssyncadd.s32 $0xFFFFE000  }
0x4f: {  	_ =	swait.ge [sflag:s0], $0x2000  }
0x50: {  	[sflag:s0] =	ssyncset.done $0x0  }
0x51: {  	[sflag:s0] =	ssyncadd.s32 $0xFFFFE000  }
0x52: {  	_ =	swait.ge [sflag:s14], $0x2000  }
0x53: {  	[sflag:s14] =	ssyncset.done $0x0  }
0x54: {  	[sflag:s14] =	ssyncadd.s32 $0xFFFFE000  }
0x55: {  	_ =	swait.ge [sflag:s0], $0x2000  }
0x56: {  	[sflag:s0] =	ssyncset.done $0x0  }
0x57: {  	[sflag:s0] =	ssyncadd.s32 $0xFFFFE000  }
0x58: {  	_ =	swait.ge [sflag:s14], $0x2000  }
0x59: {  	[sflag:s14] =	ssyncset.done $0x0  }
0x5a: {  	[sflag:s14] =	ssyncadd.s32 $0xFFFFE000  }
0x5b: {  	_ =	swait.ge [sflag:s0], $0x2000  }
0x5c: {  	[sflag:s0] =	ssyncset.done $0x0  }
0x5d: {  	[sflag:s0] =	ssyncadd.s32 $0xFFFFE000  }
0x5e: {  	[hbm4b:s11+s3] =	stream.linear.scatter [tilespmem:s18], [sflag:$0x1], $0x8000, $0x38;
	[tilespmem:$0x1A040] =	vst v63  }
0x5f: {  	_ = 	snop  }
0x60: {  	[hbm4b:s10+s3] =	stream.linear.scatter [tilespmem:s19], [sflag:$0x2], $0x8000, $0x38;
	[tilespmem:$0x1A040] =	vst v63  }
0x61: {  	_ =	swait.ge [sflag:s14], $0x8000  }
.Ltmp5:
0x62: {  	[sflag:s14] =	ssyncset.done $0x0;
	(pc) =	sbr.rel .LBB2_4-.Ltmp5, $4  }
0x63: {  	[sflag:s14] =	ssyncadd.s32 $0xFFFF8000  }
0x64: {  	_ =	swait.ge [sflag:s0], $0x8000  }
0x65: {  	[sflag:s0] =	ssyncset.done $0x0  }
0x66: {  	[sflag:s0] =	ssyncadd.s32 $0xFFFF8000  }
.LBB2_6:
0x67: {  	_ =	sfence.sel $0x180000  }
0x68: {  	[bflag:$0x0] =	sbarrier.arrive $0xFFFF  }
0x69: {  	_ =	strace $0x9000004D  }
0x6a: {  	s0 =	stileid.u32;
	[bflag:$0x2] =	sbarrier.arrive $0xFFFF  }
0x6b: {  	p0 =	sne.s32 s0, $0x0;
	s0 =	rddreg [dreg:$0x4]  }
0x6c: {  	s0 =	sadd.s32 @!p0 $0x100000, s0  }
0x6d: {  	[sflag:s0] =	ssyncadd.tile.s32 @!p0 $0x1;
	_ =	shalt  }
.Lfunc_end2:
_tile_overlayer_lowered:
.L_overlay_start_2:
0x6e: {  	(tag) =	ssettag $0x2  }
0x6f: {  	s0 =	rddreg [dreg:$0x0];
	s2 =	stileid.u32  }
0x70: {  	s1 =	rddreg [dreg:$0x1];
	p0 =	sne.s32 s2, $0x0  }
0x71: {  	s3 =	rddreg [dreg:$0x2];
	[bflag:$0x3] =	sbarrier.arrive $0xFFFF;
	s2 =	simm.s32 @!p0 $0x1C04  }
0x72: {  	[timem:s3], [sflag:s2] =	dma.local @!p0 [hbm:s0], s1  }
0x73: {  	s0 =	simm.s32 @!p0 $0x4  }
0x74: {  	_ =	swait.ge @!p0 [sflag:s0], s1  }
0x75: {  	s1 =	ssub.s32 @!p0 $0x0, s1;
	[sflag:s0] =	ssyncset.done @!p0 $0x0  }
0x76: {  	[sflag:s0] =	ssyncadd.s32 @!p0 s1  }
0x77: {  	[bflag:$0x3] =	sbarrier.arrive $0xFFFF  }
0x78: {  	_ =	shalt  }

</sc_bundles>
